<compile_context>
chip_gen: v7x
topology: tpu7x:2x2x1
jax: 0.10.2.dev20260603
libtpu: 0.0.44.dev20260713+nightly
codegen_flags: <defaults>
</compile_context>

<pallas_src>
import functools

import numpy as np
import jax
import jax.numpy as jnp
from jax import lax
from jax.experimental import pallas as pl
from jax.experimental.pallas import tpu as pltpu
from jax.experimental.pallas import tpu_sc as plsc

_LANES = 16
_TILES = 16
_CORES = 2
_CHUNK = 128


def _mm_scale(xp, w, d0, d1):
    npad, d = xp.shape
    u = w.shape[1]
    grid = 4
    blk = npad // grid

    def body(x_ref, w_ref, d0_ref, d1_ref, h2_ref, dis_ref):
        h = jnp.dot(x_ref[...], w_ref[...], preferred_element_type=jnp.float32)
        dis = jax.lax.rsqrt(d0_ref[...] + d1_ref[...] + 1.0)
        h2_ref[...] = h * dis
        dis_ref[...] = dis

    return pl.pallas_call(
        body,
        grid=(grid,),
        in_specs=[pl.BlockSpec((blk, d), lambda i: (i, 0)),
                  pl.BlockSpec((d, u), lambda i: (0, 0)),
                  pl.BlockSpec((blk, 1), lambda i: (i, 0)),
                  pl.BlockSpec((blk, 1), lambda i: (i, 0))],
        out_specs=[pl.BlockSpec((blk, u), lambda i: (i, 0)),
                   pl.BlockSpec((blk, 1), lambda i: (i, 0))],
        out_shape=[jax.ShapeDtypeStruct((npad, u), jnp.float32),
                   jax.ShapeDtypeStruct((npad, 1), jnp.float32)],
    )(xp, w, d0, d1)


def _final(accs, h2, dis, bias2d, n):
    _, npad, u = accs.shape
    blk = 2000

    def body(acc_ref, h2_ref, dis_ref, bias_ref, o_ref):
        acc = acc_ref[0] + acc_ref[1] - h2_ref[...]
        o_ref[...] = acc * dis_ref[...] + bias_ref[...]

    return pl.pallas_call(
        body,
        grid=(n // blk,),
        in_specs=[pl.BlockSpec((2, blk, u), lambda i: (0, i, 0)),
                  pl.BlockSpec((blk, u), lambda i: (i, 0)),
                  pl.BlockSpec((blk, 1), lambda i: (i, 0)),
                  pl.BlockSpec((1, u), lambda i: (0, 0))],
        out_specs=pl.BlockSpec((blk, u), lambda i: (i, 0)),
        out_shape=jax.ShapeDtypeStruct((n, u), jnp.float32),
    )(accs, h2, dis, bias2d)


def _hist(rowp, hn):
    ep = rowp.shape[0]
    nw = _CORES * _TILES
    hr = hn // 128
    per_tile = ep // nw
    steps = per_tile // _LANES
    mesh = plsc.VectorSubcoreMesh(core_axis_name="c", subcore_axis_name="s")

    @functools.partial(
        pl.kernel,
        out_type=jax.ShapeDtypeStruct((_CORES, hr, 128), jnp.float32),
        mesh=mesh,
        scratch_types=[
            pltpu.VMEM((per_tile,), jnp.int32),
            pltpu.VMEM((hr, 128), jnp.float32),
            pltpu.VMEM((hr,), jnp.int32),
            pltpu.VMEM_SHARED((hr, 128), jnp.float32),
        ],
        compiler_params=pltpu.CompilerParams(needs_layout_passes=False),
    )
    def hist_k(rowp_hbm, out_hbm, idxbuf, hist, iota_v, hacc):
        cid = lax.axis_index("c")
        sid = lax.axis_index("s")
        wid = cid * _TILES + sid
        pltpu.sync_copy(rowp_hbm.at[pl.ds(wid * per_tile, per_tile)], idxbuf)
        zeros = jnp.zeros((_LANES,), jnp.float32)
        ones = jnp.full((_LANES,), 1.0, jnp.float32)

        def zstep2(i, carry):
            for k in range(128 // _LANES):
                hist[i, pl.ds(k * _LANES, _LANES)] = zeros
            return carry

        lax.fori_loop(0, hr, zstep2, 0)
        for k in range(hr // _LANES):
            iota_v[pl.ds(k * _LANES, _LANES)] = (
                lax.iota(jnp.int32, _LANES) + k * _LANES)

        def step(i, carry):
            idx = idxbuf[pl.ds(i * _LANES, _LANES)]
            q = jax.lax.shift_right_logical(idx, 7)
            r = jax.lax.bitwise_and(idx, 127)
            plsc.addupdate_scatter(hist, [q, r], ones)
            return carry

        lax.fori_loop(0, steps, step, 0)
        @pl.when(sid == 0)
        def _():
            pltpu.sync_copy(hist, hacc)
        plsc.subcore_barrier()

        @pl.when(sid != 0)
        def _():
            pltpu.sync_copy(hist, hacc.at[iota_v], add=True)
        plsc.subcore_barrier()

        def writeout(slot):
            pltpu.sync_copy(hacc.at[pl.ds(sid * 8, 8)],
                            out_hbm.at[slot].at[pl.ds(sid * 8, 8)])

        @pl.when(sid < hr // 8)
        def _():
            @pl.when(cid == 0)
            def _():
                writeout(0)

            @pl.when(cid == 1)
            def _():
                writeout(1)

    return hist_k(rowp)


def _propagate(h2, main_r, main_c, rem_r, rem_c):
    npad, u = h2.shape
    nw, mc, _ = main_r.shape
    rc = rem_r.shape[1]
    half = mc // 2
    rows_pt = npad // _TILES
    mesh = plsc.VectorSubcoreMesh(core_axis_name="c", subcore_axis_name="s")

    @functools.partial(
        pl.kernel,
        out_type=jax.ShapeDtypeStruct((_CORES, npad, u), jnp.float32),
        mesh=mesh,
        scratch_types=[
            pltpu.VMEM((half, _CHUNK), jnp.int32),
            pltpu.VMEM((half, _CHUNK), jnp.int32),
            pltpu.VMEM((_CHUNK, u), jnp.float32),
            pltpu.VMEM((_CHUNK, u), jnp.float32),
            pltpu.VMEM_SHARED((npad, u), jnp.float32),
            pltpu.SemaphoreType.DMA,
            pltpu.SemaphoreType.DMA,
        ],
        compiler_params=pltpu.CompilerParams(needs_layout_passes=False),
    )
    def prop_k(h2_hbm, mr_hbm, mcol_hbm, rr_hbm, rcol_hbm, out_hbm,
               cbuf, rbuf, rows0, rows1, acc, sem0, sem1):
        cid = lax.axis_index("c")
        sid = lax.axis_index("s")

        def gwait(buf, sem):
            pltpu.make_async_copy(h2_hbm.at[cbuf.at[0]], buf, sem).wait()

        def pipe(nc):
            def step(g, carry):
                j1 = 2 * g + 1
                j2 = lax.rem(2 * g + 2, nc)
                gwait(rows0, sem0)
                pltpu.async_copy(h2_hbm.at[cbuf.at[j1]], rows1, sem1)
                pltpu.sync_copy(rows0, acc.at[rbuf.at[2 * g]], add=True)
                gwait(rows1, sem1)
                pltpu.async_copy(h2_hbm.at[cbuf.at[j2]], rows0, sem0)
                pltpu.sync_copy(rows1, acc.at[rbuf.at[j1]], add=True)
                return carry

            lax.fori_loop(0, nc // 2, step, 0)
            gwait(rows0, sem0)

        def run(slot, out_slot):
            wid = slot * _TILES + sid
            pltpu.sync_copy(rcol_hbm.at[wid], cbuf.at[pl.ds(0, rc)])
            pltpu.sync_copy(rr_hbm.at[wid], rbuf.at[pl.ds(0, rc)])
            pltpu.async_copy(h2_hbm.at[cbuf.at[0]], rows0, sem0)
            pltpu.sync_copy(h2_hbm.at[pl.ds(sid * rows_pt, rows_pt)],
                            acc.at[pl.ds(sid * rows_pt, rows_pt)])
            plsc.subcore_barrier()
            pipe(rc)

            for hh in range(2):
                pltpu.sync_copy(mcol_hbm.at[wid].at[pl.ds(hh * half, half)], cbuf)
                pltpu.sync_copy(mr_hbm.at[wid].at[pl.ds(hh * half, half)], rbuf)
                pltpu.async_copy(h2_hbm.at[cbuf.at[0]], rows0, sem0)
                pipe(half)
            plsc.subcore_barrier()
            pltpu.sync_copy(acc.at[pl.ds(sid * rows_pt, rows_pt)],
                            out_hbm.at[out_slot].at[pl.ds(sid * rows_pt, rows_pt)])

        @pl.when(cid == 0)
        def _():
            run(0, 0)

        @pl.when(cid == 1)
        def _():
            run(1, 1)

    return prop_k(h2, main_r, main_c, rem_r, rem_c)


def kernel(x, edge_index, kernel, bias):
    n, d = x.shape
    u = kernel.shape[1]
    e = edge_index.shape[1]

    group = _CORES * _TILES * _CHUNK * 4
    ep = ((e + group - 1) // group) * group
    nw = _CORES * _TILES
    nch = ep // (nw * _CHUNK)
    npad = ((n + 1 + 127) // 128) * 128
    hn = ((n + 1 + 1023) // 1024) * 1024

    row = edge_index[0]
    col = edge_index[1]
    xp = jnp.pad(x, ((0, npad - n), (0, 0)))

    mc = min((e // (nw * _CHUNK)) // 16 * 16, nch - 8)
    mcount = mc * nw * _CHUNK
    rc = nch - mc
    pad_cnt = rc * nw * _CHUNK - (e - mcount)
    ar = np.arange(pad_cnt)
    prow = jnp.asarray((ar % n).astype(np.int32))
    pcol = jnp.asarray((n + ar % (npad - n)).astype(np.int32))
    main_r = row[:mcount].reshape(nw, mc, _CHUNK)
    main_c = col[:mcount].reshape(nw, mc, _CHUNK)
    rem_r = jnp.concatenate([row[mcount:], prow]).reshape(nw, rc, _CHUNK)
    rem_c = jnp.concatenate([col[mcount:], pcol]).reshape(nw, rc, _CHUNK)

    eph = ((e + 511) // 512) * 512
    rowp_h = jnp.pad(row, (0, eph - e), constant_values=n)

    hist = _hist(rowp_h, hn)
    d0 = jnp.pad(hist[0].reshape(-1)[:n], (0, npad - n)).reshape(npad, 1)
    d1 = jnp.pad(hist[1].reshape(-1)[:n], (0, npad - n)).reshape(npad, 1)
    h2, dis = _mm_scale(xp, kernel, d0, d1)

    accs = _propagate(h2, main_r, main_c, rem_r, rem_c)
    out = _final(accs, h2, dis, bias.reshape(1, u), n)
    return out

# --- scband reference (transcript-rebuilt; emitter-appended) ---
"""Pipeline reference for scband-gcn-13494787244545 (READ-ONLY COPY).

The authoritative reference and input builder live on the scoring server;
editing this copy changes nothing except your own understanding.
"""

import jax, jax.numpy as jnp
import numpy as np

N = 10000
E = 320000
D = 128
U = 128


def setup_inputs(seed: int = 0) -> dict:
    key = jax.random.key(seed)
    k1, k2, k3 = jax.random.split(key, 3)
    x = jax.random.normal(k1, (N, D), dtype=jnp.float32)
    edge_index = jax.random.randint(k2, (2, E), 0, N, dtype=jnp.int32)
    # glorot_uniform kernel init
    limit = np.sqrt(6.0 / (D + U)).astype(np.float32)
    kernel = jax.random.uniform(k3, (D, U), dtype=jnp.float32, minval=-limit, maxval=limit)
    bias = jnp.zeros((U,), dtype=jnp.float32)
    return {"x": x, "edge_index": edge_index, "kernel": kernel, "bias": bias}


def reference(x, edge_index, kernel, bias):
    # GCN with norm='both', sym=True, add_self_loop=True, renorm=True, improved=False,
    # edge_drop_rate=0.0, activation=None.
    num_nodes = x.shape[0]
    row = edge_index[0]
    col = edge_index[1]
    edge_weight = jnp.ones((row.shape[0],), dtype=jnp.float32)
    # renormalization trick: add self-loops (fill weight 1.0 since improved=False)
    # BEFORE normalization.
    self_idx = jnp.arange(num_nodes, dtype=row.dtype)
    row = jnp.concatenate([row, self_idx], axis=0)
    col = jnp.concatenate([col, self_idx], axis=0)
    edge_weight = jnp.concatenate([edge_weight, jnp.ones((num_nodes,), dtype=jnp.float32)], axis=0)
    # symmetric normalization: D^{-1/2} A D^{-1/2}
    deg = jax.ops.segment_sum(edge_weight, row, num_segments=num_nodes)
    deg_inv_sqrt = jnp.where(deg > 0, jax.lax.rsqrt(deg), 0.0)
    normed_weight = deg_inv_sqrt[row] * edge_weight * deg_inv_sqrt[col]
    # h = X W
    h = x @ kernel
    # out = A_norm @ h : gather at col, scatter-add at row
    gathered = jnp.take(h, col, axis=0) * normed_weight[:, None]
    out = jnp.zeros((num_nodes, h.shape[1]), dtype=h.dtype).at[row].add(gathered)
    out = out + bias
    return out

if __name__ == "__main__":
    import jax
    _d = setup_inputs()
    print(jax.jit(kernel)(*tuple(_d.values())))

</pallas_src>

<mosaic_0001>
#map = affine_map<(d0, d1) -> (0)>
#map1 = affine_map<(d0, d1) -> (0, 0, 0)>
module attributes {stable_mosaic.version = 14 : i64} {
  func.func @hist_k(%arg0: i32, %arg1: i32, %arg2: memref<320000xi32, #tpu.memory_space<hbm>>, %arg3: memref<2x80x128xf32, #tpu.memory_space<hbm>>, %arg4: memref<10000xi32, #tpu.memory_space<vmem>>, %arg5: memref<80x128xf32, #tpu.memory_space<vmem>>, %arg6: memref<80xi32, #tpu.memory_space<vmem>>, %arg7: memref<80x128xf32, #tpu.memory_space<vmem_shared>>) attributes {dimension_semantics = [#tpu.dimension_semantics<core_parallel>, #tpu.dimension_semantics<subcore_parallel>], iteration_bounds = array<i64: 2, 16>, scalar_prefetch = 0 : i64, scratch_operands = 4 : i64, tpu.core_type = #tpu.core_type<sc_vector_subcore>, window_params = [{transform_indices = #map}, {transform_indices = #map1}]} {
    %mul3A = arith.constant 16 : i32
    %mul3A_0 = arith.muli %arg0, %mul3A : i32
    %add3A = arith.addi %mul3A_0, %arg1 : i32
    %mul3A_1 = arith.constant 10000 : i32
    %mul3A_2 = arith.muli %add3A, %mul3A_1 : i32
    "tpu.region"() ({
      %run_scoped3A = tpu.sem_alloc : memref<!tpu.dma_semaphore, #tpu.memory_space<semaphore_mem>>
      %dma_start3A = tpu.memref_slice %arg2[%mul3A_2] : memref<320000xi32, #tpu.memory_space<hbm>> -> memref<10000xi32, #tpu.memory_space<hbm>>
      %dma_start3A_56 = tpu.memref_slice %arg2[%mul3A_2] : memref<320000xi32, #tpu.memory_space<hbm>> -> memref<10000xi32, #tpu.memory_space<hbm>>
      tpu.enqueue_dma source(%dma_start3A_56 : memref<10000xi32, #tpu.memory_space<hbm>>) target(%arg4 : memref<10000xi32, #tpu.memory_space<vmem>>) target_semaphore(%run_scoped3A : memref<!tpu.dma_semaphore, #tpu.memory_space<semaphore_mem>>)
      %dma_wait3A = tpu.memref_slice %arg2[%mul3A_2] : memref<320000xi32, #tpu.memory_space<hbm>> -> memref<10000xi32, #tpu.memory_space<hbm>>
      %dma_wait3A_57 = tpu.memref_slice %arg2[%mul3A_2] : memref<320000xi32, #tpu.memory_space<hbm>> -> memref<10000xi32, #tpu.memory_space<hbm>>
      tpu.wait_dma2 semaphore(%run_scoped3A : memref<!tpu.dma_semaphore, #tpu.memory_space<semaphore_mem>>) src(%dma_wait3A_57 : memref<10000xi32, #tpu.memory_space<hbm>>) dst(%arg4 : memref<10000xi32, #tpu.memory_space<vmem>>)
      tpu.yield
    }) : () -> ()
    %broadcast_in_dim3A = arith.constant 0.000000e+00 : f32
    %broadcast_in_dim3A_3 = vector.broadcast %broadcast_in_dim3A : f32 to vector<16xf32>
    %broadcast_in_dim3A_4 = arith.constant 1.000000e+00 : f32
    %broadcast_in_dim3A_5 = vector.broadcast %broadcast_in_dim3A_4 : f32 to vector<16xf32>
    %scan3A = arith.constant 0 : i32
    %scan3A_6 = arith.constant 0 : i32
    %scan3A_7 = arith.constant 80 : i32
    %scan3A_8 = arith.addi %scan3A_6, %scan3A_7 : i32
    %scan3A_9 = arith.constant 1 : i32
    scf.for %scan3A_56 = %scan3A_6 to %scan3A_8 step %scan3A_9  : i32 {
      %swap3A_57 = arith.index_cast %scan3A_56 : i32 to index
      %swap3A_58 = arith.constant 0 : index
      %swap3A_59 = tpu.vector_load %arg5[%swap3A_57, %swap3A_58] {strides = array<i32>} : memref<80x128xf32, #tpu.memory_space<vmem>>, vector<16xf32>,
      tpu.vector_store %arg5[%swap3A_57, %swap3A_58], %broadcast_in_dim3A_3 {strides = array<i32>} : memref<80x128xf32, #tpu.memory_space<vmem>>, vector<16xf32>,
      %swap3A_60 = arith.index_cast %scan3A_56 : i32 to index
      %swap3A_61 = arith.constant 16 : index
      %swap3A_62 = tpu.vector_load %arg5[%swap3A_60, %swap3A_61] {strides = array<i32>} : memref<80x128xf32, #tpu.memory_space<vmem>>, vector<16xf32>,
      tpu.vector_store %arg5[%swap3A_60, %swap3A_61], %broadcast_in_dim3A_3 {strides = array<i32>} : memref<80x128xf32, #tpu.memory_space<vmem>>, vector<16xf32>,
      %swap3A_63 = arith.index_cast %scan3A_56 : i32 to index
      %swap3A_64 = arith.constant 32 : index
      %swap3A_65 = tpu.vector_load %arg5[%swap3A_63, %swap3A_64] {strides = array<i32>} : memref<80x128xf32, #tpu.memory_space<vmem>>, vector<16xf32>,
      tpu.vector_store %arg5[%swap3A_63, %swap3A_64], %broadcast_in_dim3A_3 {strides = array<i32>} : memref<80x128xf32, #tpu.memory_space<vmem>>, vector<16xf32>,
      %swap3A_66 = arith.index_cast %scan3A_56 : i32 to index
      %swap3A_67 = arith.constant 48 : index
      %swap3A_68 = tpu.vector_load %arg5[%swap3A_66, %swap3A_67] {strides = array<i32>} : memref<80x128xf32, #tpu.memory_space<vmem>>, vector<16xf32>,
      tpu.vector_store %arg5[%swap3A_66, %swap3A_67], %broadcast_in_dim3A_3 {strides = array<i32>} : memref<80x128xf32, #tpu.memory_space<vmem>>, vector<16xf32>,
      %swap3A_69 = arith.index_cast %scan3A_56 : i32 to index
      %swap3A_70 = arith.constant 64 : index
      %swap3A_71 = tpu.vector_load %arg5[%swap3A_69, %swap3A_70] {strides = array<i32>} : memref<80x128xf32, #tpu.memory_space<vmem>>, vector<16xf32>,
      tpu.vector_store %arg5[%swap3A_69, %swap3A_70], %broadcast_in_dim3A_3 {strides = array<i32>} : memref<80x128xf32, #tpu.memory_space<vmem>>, vector<16xf32>,
      %swap3A_72 = arith.index_cast %scan3A_56 : i32 to index
      %swap3A_73 = arith.constant 80 : index
      %swap3A_74 = tpu.vector_load %arg5[%swap3A_72, %swap3A_73] {strides = array<i32>} : memref<80x128xf32, #tpu.memory_space<vmem>>, vector<16xf32>,
      tpu.vector_store %arg5[%swap3A_72, %swap3A_73], %broadcast_in_dim3A_3 {strides = array<i32>} : memref<80x128xf32, #tpu.memory_space<vmem>>, vector<16xf32>,
      %swap3A_75 = arith.index_cast %scan3A_56 : i32 to index
      %swap3A_76 = arith.constant 96 : index
      %swap3A_77 = tpu.vector_load %arg5[%swap3A_75, %swap3A_76] {strides = array<i32>} : memref<80x128xf32, #tpu.memory_space<vmem>>, vector<16xf32>,
      tpu.vector_store %arg5[%swap3A_75, %swap3A_76], %broadcast_in_dim3A_3 {strides = array<i32>} : memref<80x128xf32, #tpu.memory_space<vmem>>, vector<16xf32>,
      %swap3A_78 = arith.index_cast %scan3A_56 : i32 to index
      %swap3A_79 = arith.constant 112 : index
      %swap3A_80 = tpu.vector_load %arg5[%swap3A_78, %swap3A_79] {strides = array<i32>} : memref<80x128xf32, #tpu.memory_space<vmem>>, vector<16xf32>,
      tpu.vector_store %arg5[%swap3A_78, %swap3A_79], %broadcast_in_dim3A_3 {strides = array<i32>} : memref<80x128xf32, #tpu.memory_space<vmem>>, vector<16xf32>,
    }
    %scan3A_10 = arith.constant 80 : i32
    %iota3A = tpu.iota {dimensions = array<i32: 0>} : vector<16xi32>
    %add3A_11 = arith.constant 0 : i32
    %add3A_12 = vector.broadcast %add3A_11 : i32 to vector<16xi32>
    %add3A_13 = arith.addi %iota3A, %add3A_12 : vector<16xi32>
    %swap3A = arith.constant 0 : index
    %swap3A_14 = tpu.vector_load %arg6[%swap3A] {strides = array<i32>} : memref<80xi32, #tpu.memory_space<vmem>>, vector<16xi32>,
    tpu.vector_store %arg6[%swap3A], %add3A_13 {strides = array<i32>} : memref<80xi32, #tpu.memory_space<vmem>>, vector<16xi32>,
    %iota3A_15 = tpu.iota {dimensions = array<i32: 0>} : vector<16xi32>
    %add3A_16 = arith.constant 16 : i32
    %add3A_17 = vector.broadcast %add3A_16 : i32 to vector<16xi32>
    %add3A_18 = arith.addi %iota3A_15, %add3A_17 : vector<16xi32>
    %swap3A_19 = arith.constant 16 : index
    %swap3A_20 = tpu.vector_load %arg6[%swap3A_19] {strides = array<i32>} : memref<80xi32, #tpu.memory_space<vmem>>, vector<16xi32>,
    tpu.vector_store %arg6[%swap3A_19], %add3A_18 {strides = array<i32>} : memref<80xi32, #tpu.memory_space<vmem>>, vector<16xi32>,
    %iota3A_21 = tpu.iota {dimensions = array<i32: 0>} : vector<16xi32>
    %add3A_22 = arith.constant 32 : i32
    %add3A_23 = vector.broadcast %add3A_22 : i32 to vector<16xi32>
    %add3A_24 = arith.addi %iota3A_21, %add3A_23 : vector<16xi32>
    %swap3A_25 = arith.constant 32 : index
    %swap3A_26 = tpu.vector_load %arg6[%swap3A_25] {strides = array<i32>} : memref<80xi32, #tpu.memory_space<vmem>>, vector<16xi32>,
    tpu.vector_store %arg6[%swap3A_25], %add3A_24 {strides = array<i32>} : memref<80xi32, #tpu.memory_space<vmem>>, vector<16xi32>,
    %iota3A_27 = tpu.iota {dimensions = array<i32: 0>} : vector<16xi32>
    %add3A_28 = arith.constant 48 : i32
    %add3A_29 = vector.broadcast %add3A_28 : i32 to vector<16xi32>
    %add3A_30 = arith.addi %iota3A_27, %add3A_29 : vector<16xi32>
    %swap3A_31 = arith.constant 48 : index
    %swap3A_32 = tpu.vector_load %arg6[%swap3A_31] {strides = array<i32>} : memref<80xi32, #tpu.memory_space<vmem>>, vector<16xi32>,
    tpu.vector_store %arg6[%swap3A_31], %add3A_30 {strides = array<i32>} : memref<80xi32, #tpu.memory_space<vmem>>, vector<16xi32>,
    %iota3A_33 = tpu.iota {dimensions = array<i32: 0>} : vector<16xi32>
    %add3A_34 = arith.constant 64 : i32
    %add3A_35 = vector.broadcast %add3A_34 : i32 to vector<16xi32>
    %add3A_36 = arith.addi %iota3A_33, %add3A_35 : vector<16xi32>
    %swap3A_37 = arith.constant 64 : index
    %swap3A_38 = tpu.vector_load %arg6[%swap3A_37] {strides = array<i32>} : memref<80xi32, #tpu.memory_space<vmem>>, vector<16xi32>,
    tpu.vector_store %arg6[%swap3A_37], %add3A_36 {strides = array<i32>} : memref<80xi32, #tpu.memory_space<vmem>>, vector<16xi32>,
    %scan3A_39 = arith.constant 0 : i32
    %scan3A_40 = arith.constant 0 : i32
    %scan3A_41 = arith.constant 625 : i32
    %scan3A_42 = arith.addi %scan3A_40, %scan3A_41 : i32
    %scan3A_43 = arith.constant 1 : i32
    scf.for %scan3A_56 = %scan3A_40 to %scan3A_42 step %scan3A_43  : i32 {
      %mul3A_57 = arith.constant 16 : i32
      %mul3A_58 = arith.muli %scan3A_56, %mul3A_57 : i32
      %get3A = arith.index_cast %mul3A_58 : i32 to index
      %get3A_59 = tpu.vector_load %arg4[%get3A] {strides = array<i32>} : memref<10000xi32, #tpu.memory_space<vmem>>, vector<16xi32>,
      %shift_right_logical3A = arith.constant 7 : i32
      %shift_right_logical3A_60 = vector.broadcast %shift_right_logical3A : i32 to vector<16xi32>
      %shift_right_logical3A_61 = arith.shrui %get3A_59, %shift_right_logical3A_60 : vector<16xi32>
      %and3A = arith.constant 127 : i32
      %and3A_62 = vector.broadcast %and3A : i32 to vector<16xi32>
      %and3A_63 = arith.andi %get3A_59, %and3A_62 : vector<16xi32>
      tpu.vector_store_idx %arg5[%shift_right_logical3A_61, %and3A_63], %broadcast_in_dim3A_5 {add = true} : memref<80x128xf32, #tpu.memory_space<vmem>>[vector<16xi32>, vector<16xi32>], vector<16xf32>,
    }
    %scan3A_44 = arith.constant 625 : i32
    %eq3A = arith.constant 0 : i32
    %eq3A_45 = arith.cmpi eq, %arg1, %eq3A : i32
    %convert_element_type3A = arith.extui %eq3A_45 : i1 to i32
    %cond3A = arith.constant 0 : i32
    %cond3A_46 = arith.cmpi ne, %convert_element_type3A, %cond3A : i32
    scf.if %cond3A_46 {
      "tpu.region"() ({
        %run_scoped3A = tpu.sem_alloc : memref<!tpu.dma_semaphore, #tpu.memory_space<semaphore_mem>>
        tpu.enqueue_dma source(%arg5 : memref<80x128xf32, #tpu.memory_space<vmem>>) target(%arg7 : memref<80x128xf32, #tpu.memory_space<vmem_shared>>) target_semaphore(%run_scoped3A : memref<!tpu.dma_semaphore, #tpu.memory_space<semaphore_mem>>)
        tpu.wait_dma2 semaphore(%run_scoped3A : memref<!tpu.dma_semaphore, #tpu.memory_space<semaphore_mem>>) src(%arg5 : memref<80x128xf32, #tpu.memory_space<vmem>>) dst(%arg7 : memref<80x128xf32, #tpu.memory_space<vmem_shared>>)
        tpu.yield
      }) : () -> ()
    } else {
    }
    %barrier3A = arith.constant 0 : index
    tpu.barrier barrier_id(%barrier3A)
    %ne3A = arith.constant 0 : i32
    %ne3A_47 = arith.cmpi ne, %arg1, %ne3A : i32
    %convert_element_type3A_48 = arith.extui %ne3A_47 : i1 to i32
    %cond3A_49 = arith.constant 0 : i32
    %cond3A_50 = arith.cmpi ne, %convert_element_type3A_48, %cond3A_49 : i32
    scf.if %cond3A_50 {
      "tpu.region"() ({
        %run_scoped3A = tpu.sem_alloc : memref<!tpu.dma_semaphore, #tpu.memory_space<semaphore_mem>>
        %dma_start3A = arith.constant 0 : i32
        %dma_start3A_56 = arith.constant 0 : i32
        %dma_start3A_57 = tpu.memref_slice %arg7[%dma_start3A, %dma_start3A_56] : memref<80x128xf32, #tpu.memory_space<vmem_shared>> -> memref<80x128xf32, #tpu.memory_space<vmem_shared>>
        tpu.enqueue_indirect_dma source(%arg5 : memref<80x128xf32, #tpu.memory_space<vmem>>) target(%dma_start3A_57 : memref<80x128xf32, #tpu.memory_space<vmem_shared>>) offsets(%arg6 : memref<80xi32, #tpu.memory_space<vmem>>) semaphore(%run_scoped3A : memref<!tpu.dma_semaphore, #tpu.memory_space<semaphore_mem>>) {add = true}
        %dma_wait3A = arith.constant 0 : i32
        %dma_wait3A_58 = arith.constant 0 : i32
        %dma_wait3A_59 = tpu.memref_slice %arg7[%dma_wait3A, %dma_wait3A_58] : memref<80x128xf32, #tpu.memory_space<vmem_shared>> -> memref<80x128xf32, #tpu.memory_space<vmem_shared>>
        tpu.wait_indirect_dma semaphore(%run_scoped3A : memref<!tpu.dma_semaphore, #tpu.memory_space<semaphore_mem>>) src(%arg5 : memref<80x128xf32, #tpu.memory_space<vmem>>) dst(%dma_wait3A_59 : memref<80x128xf32, #tpu.memory_space<vmem_shared>>)
        tpu.yield
      }) : () -> ()
    } else {
    }
    %barrier3A_51 = arith.constant 0 : index
    tpu.barrier barrier_id(%barrier3A_51)
    %lt3A = arith.constant 10 : i32
    %lt3A_52 = arith.cmpi slt, %arg1, %lt3A : i32
    %convert_element_type3A_53 = arith.extui %lt3A_52 : i1 to i32
    %cond3A_54 = arith.constant 0 : i32
    %cond3A_55 = arith.cmpi ne, %convert_element_type3A_53, %cond3A_54 : i32
    scf.if %cond3A_55 {
      %eq3A_56 = arith.constant 0 : i32
      %eq3A_57 = arith.cmpi eq, %arg0, %eq3A_56 : i32
      %convert_element_type3A_58 = arith.extui %eq3A_57 : i1 to i32
      %cond3A_59 = arith.constant 0 : i32
      %cond3A_60 = arith.cmpi ne, %convert_element_type3A_58, %cond3A_59 : i32
      scf.if %cond3A_60 {
        %mul3A_66 = arith.constant 8 : i32
        %mul3A_67 = arith.muli %arg1, %mul3A_66 : i32
        %mul3A_68 = arith.constant 8 : i32
        %mul3A_69 = arith.muli %arg1, %mul3A_68 : i32
        %run_scoped3A = arith.constant 0 : i32
        "tpu.region"() ({
          %run_scoped3A_70 = tpu.sem_alloc : memref<!tpu.dma_semaphore, #tpu.memory_space<semaphore_mem>>
          %dma_start3A = arith.constant 0 : i32
          %dma_start3A_71 = arith.constant 0 : i32
          %dma_start3A_72 = tpu.memref_slice %arg3[%run_scoped3A, %dma_start3A, %dma_start3A_71] : memref<2x80x128xf32, #tpu.memory_space<hbm>> -> memref<1x80x128xf32, #tpu.memory_space<hbm>>
          %dma_start3A_73 = tpu.memref_squeeze %dma_start3A_72 : memref<1x80x128xf32, #tpu.memory_space<hbm>> -> memref<80x128xf32, #tpu.memory_space<hbm>>
          %dma_start3A_74 = arith.constant 0 : i32
          %dma_start3A_75 = tpu.memref_slice %dma_start3A_73[%mul3A_69, %dma_start3A_74] : memref<80x128xf32, #tpu.memory_space<hbm>> -> memref<8x128xf32, #tpu.memory_space<hbm>>
          %dma_start3A_76 = arith.constant 0 : i32
          %dma_start3A_77 = tpu.memref_slice %arg7[%mul3A_67, %dma_start3A_76] : memref<80x128xf32, #tpu.memory_space<vmem_shared>> -> memref<8x128xf32, #tpu.memory_space<vmem_shared>>
          tpu.enqueue_dma source(%dma_start3A_77 : memref<8x128xf32, #tpu.memory_space<vmem_shared>>) target(%dma_start3A_75 : memref<8x128xf32, #tpu.memory_space<hbm>>) target_semaphore(%run_scoped3A_70 : memref<!tpu.dma_semaphore, #tpu.memory_space<semaphore_mem>>)
          %dma_wait3A = arith.constant 0 : i32
          %dma_wait3A_78 = arith.constant 0 : i32
          %dma_wait3A_79 = tpu.memref_slice %arg3[%run_scoped3A, %dma_wait3A, %dma_wait3A_78] : memref<2x80x128xf32, #tpu.memory_space<hbm>> -> memref<1x80x128xf32, #tpu.memory_space<hbm>>
          %dma_wait3A_80 = tpu.memref_squeeze %dma_wait3A_79 : memref<1x80x128xf32, #tpu.memory_space<hbm>> -> memref<80x128xf32, #tpu.memory_space<hbm>>
          %dma_wait3A_81 = arith.constant 0 : i32
          %dma_wait3A_82 = tpu.memref_slice %dma_wait3A_80[%mul3A_69, %dma_wait3A_81] : memref<80x128xf32, #tpu.memory_space<hbm>> -> memref<8x128xf32, #tpu.memory_space<hbm>>
          %dma_wait3A_83 = arith.constant 0 : i32
          %dma_wait3A_84 = tpu.memref_slice %arg7[%mul3A_67, %dma_wait3A_83] : memref<80x128xf32, #tpu.memory_space<vmem_shared>> -> memref<8x128xf32, #tpu.memory_space<vmem_shared>>
          tpu.wait_dma2 semaphore(%run_scoped3A_70 : memref<!tpu.dma_semaphore, #tpu.memory_space<semaphore_mem>>) src(%dma_wait3A_84 : memref<8x128xf32, #tpu.memory_space<vmem_shared>>) dst(%dma_wait3A_82 : memref<8x128xf32, #tpu.memory_space<hbm>>)
          tpu.yield
        }) : () -> ()
      } else {
      }
      %eq3A_61 = arith.constant 1 : i32
      %eq3A_62 = arith.cmpi eq, %arg0, %eq3A_61 : i32
      %convert_element_type3A_63 = arith.extui %eq3A_62 : i1 to i32
      %cond3A_64 = arith.constant 0 : i32
      %cond3A_65 = arith.cmpi ne, %convert_element_type3A_63, %cond3A_64 : i32
      scf.if %cond3A_65 {
        %mul3A_66 = arith.constant 8 : i32
        %mul3A_67 = arith.muli %arg1, %mul3A_66 : i32
        %mul3A_68 = arith.constant 8 : i32
        %mul3A_69 = arith.muli %arg1, %mul3A_68 : i32
        %run_scoped3A = arith.constant 1 : i32
        "tpu.region"() ({
          %run_scoped3A_70 = tpu.sem_alloc : memref<!tpu.dma_semaphore, #tpu.memory_space<semaphore_mem>>
          %dma_start3A = arith.constant 0 : i32
          %dma_start3A_71 = arith.constant 0 : i32
          %dma_start3A_72 = tpu.memref_slice %arg3[%run_scoped3A, %dma_start3A, %dma_start3A_71] : memref<2x80x128xf32, #tpu.memory_space<hbm>> -> memref<1x80x128xf32, #tpu.memory_space<hbm>>
          %dma_start3A_73 = tpu.memref_squeeze %dma_start3A_72 : memref<1x80x128xf32, #tpu.memory_space<hbm>> -> memref<80x128xf32, #tpu.memory_space<hbm>>
          %dma_start3A_74 = arith.constant 0 : i32
          %dma_start3A_75 = tpu.memref_slice %dma_start3A_73[%mul3A_69, %dma_start3A_74] : memref<80x128xf32, #tpu.memory_space<hbm>> -> memref<8x128xf32, #tpu.memory_space<hbm>>
          %dma_start3A_76 = arith.constant 0 : i32
          %dma_start3A_77 = tpu.memref_slice %arg7[%mul3A_67, %dma_start3A_76] : memref<80x128xf32, #tpu.memory_space<vmem_shared>> -> memref<8x128xf32, #tpu.memory_space<vmem_shared>>
          tpu.enqueue_dma source(%dma_start3A_77 : memref<8x128xf32, #tpu.memory_space<vmem_shared>>) target(%dma_start3A_75 : memref<8x128xf32, #tpu.memory_space<hbm>>) target_semaphore(%run_scoped3A_70 : memref<!tpu.dma_semaphore, #tpu.memory_space<semaphore_mem>>)
          %dma_wait3A = arith.constant 0 : i32
          %dma_wait3A_78 = arith.constant 0 : i32
          %dma_wait3A_79 = tpu.memref_slice %arg3[%run_scoped3A, %dma_wait3A, %dma_wait3A_78] : memref<2x80x128xf32, #tpu.memory_space<hbm>> -> memref<1x80x128xf32, #tpu.memory_space<hbm>>
          %dma_wait3A_80 = tpu.memref_squeeze %dma_wait3A_79 : memref<1x80x128xf32, #tpu.memory_space<hbm>> -> memref<80x128xf32, #tpu.memory_space<hbm>>
          %dma_wait3A_81 = arith.constant 0 : i32
          %dma_wait3A_82 = tpu.memref_slice %dma_wait3A_80[%mul3A_69, %dma_wait3A_81] : memref<80x128xf32, #tpu.memory_space<hbm>> -> memref<8x128xf32, #tpu.memory_space<hbm>>
          %dma_wait3A_83 = arith.constant 0 : i32
          %dma_wait3A_84 = tpu.memref_slice %arg7[%mul3A_67, %dma_wait3A_83] : memref<80x128xf32, #tpu.memory_space<vmem_shared>> -> memref<8x128xf32, #tpu.memory_space<vmem_shared>>
          tpu.wait_dma2 semaphore(%run_scoped3A_70 : memref<!tpu.dma_semaphore, #tpu.memory_space<semaphore_mem>>) src(%dma_wait3A_84 : memref<8x128xf32, #tpu.memory_space<vmem_shared>>) dst(%dma_wait3A_82 : memref<8x128xf32, #tpu.memory_space<hbm>>)
          tpu.yield
        }) : () -> ()
      } else {
      }
    } else {
    }
    return
  }
}

#map = affine_map<(d0, d1) -> (0, 0)>
#map1 = affine_map<(d0, d1) -> (0, 0, 0)>
module attributes {stable_mosaic.version = 14 : i64} {
  func.func @prop_k(%arg0: i32, %arg1: i32, %arg2: memref<10112x128xf32, #tpu.memory_space<hbm>>, %arg3: memref<32x64x128xi32, #tpu.memory_space<hbm>>, %arg4: memref<32x64x128xi32, #tpu.memory_space<hbm>>, %arg5: memref<32x16x128xi32, #tpu.memory_space<hbm>>, %arg6: memref<32x16x128xi32, #tpu.memory_space<hbm>>, %arg7: memref<2x10112x128xf32, #tpu.memory_space<hbm>>, %arg8: memref<32x128xi32, #tpu.memory_space<vmem>>, %arg9: memref<32x128xi32, #tpu.memory_space<vmem>>, %arg10: memref<128x128xf32, #tpu.memory_space<vmem>>, %arg11: memref<128x128xf32, #tpu.memory_space<vmem>>, %arg12: memref<10112x128xf32, #tpu.memory_space<vmem_shared>>, %arg13: memref<!tpu.dma_semaphore, #tpu.memory_space<semaphore_mem>>, %arg14: memref<!tpu.dma_semaphore, #tpu.memory_space<semaphore_mem>>) attributes {dimension_semantics = [#tpu.dimension_semantics<core_parallel>, #tpu.dimension_semantics<subcore_parallel>], iteration_bounds = array<i64: 2, 16>, scalar_prefetch = 0 : i64, scratch_operands = 7 : i64, tpu.core_type = #tpu.core_type<sc_vector_subcore>, window_params = [{transform_indices = #map}, {transform_indices = #map1}, {transform_indices = #map1}, {transform_indices = #map1}, {transform_indices = #map1}, {transform_indices = #map1}]} {
    %eq3A = arith.constant 0 : i32
    %eq3A_0 = arith.cmpi eq, %arg0, %eq3A : i32
    %convert_element_type3A = arith.extui %eq3A_0 : i1 to i32
    %cond3A = arith.constant 0 : i32
    %cond3A_1 = arith.cmpi ne, %convert_element_type3A, %cond3A : i32
    scf.if %cond3A_1 {
      %add3A = arith.constant 0 : i32
      %add3A_7 = arith.addi %add3A, %arg1 : i32
      "tpu.region"() ({
        %run_scoped3A_73 = tpu.sem_alloc : memref<!tpu.dma_semaphore, #tpu.memory_space<semaphore_mem>>
        %dma_start3A_74 = arith.constant 0 : i32
        %dma_start3A_75 = arith.constant 0 : i32
        %dma_start3A_76 = tpu.memref_slice %arg8[%dma_start3A_74, %dma_start3A_75] : memref<32x128xi32, #tpu.memory_space<vmem>> -> memref<16x128xi32, #tpu.memory_space<vmem>>
        %dma_start3A_77 = arith.constant 0 : i32
        %dma_start3A_78 = arith.constant 0 : i32
        %dma_start3A_79 = tpu.memref_slice %arg6[%add3A_7, %dma_start3A_77, %dma_start3A_78] : memref<32x16x128xi32, #tpu.memory_space<hbm>> -> memref<1x16x128xi32, #tpu.memory_space<hbm>>
        %dma_start3A_80 = tpu.memref_squeeze %dma_start3A_79 : memref<1x16x128xi32, #tpu.memory_space<hbm>> -> memref<16x128xi32, #tpu.memory_space<hbm>>
        %dma_start3A_81 = arith.constant 0 : i32
        %dma_start3A_82 = arith.constant 0 : i32
        %dma_start3A_83 = tpu.memref_slice %arg8[%dma_start3A_81, %dma_start3A_82] : memref<32x128xi32, #tpu.memory_space<vmem>> -> memref<16x128xi32, #tpu.memory_space<vmem>>
        %dma_start3A_84 = arith.constant 0 : i32
        %dma_start3A_85 = arith.constant 0 : i32
        %dma_start3A_86 = tpu.memref_slice %arg6[%add3A_7, %dma_start3A_84, %dma_start3A_85] : memref<32x16x128xi32, #tpu.memory_space<hbm>> -> memref<1x16x128xi32, #tpu.memory_space<hbm>>
        %dma_start3A_87 = tpu.memref_squeeze %dma_start3A_86 : memref<1x16x128xi32, #tpu.memory_space<hbm>> -> memref<16x128xi32, #tpu.memory_space<hbm>>
        tpu.enqueue_dma source(%dma_start3A_87 : memref<16x128xi32, #tpu.memory_space<hbm>>) target(%dma_start3A_83 : memref<16x128xi32, #tpu.memory_space<vmem>>) target_semaphore(%run_scoped3A_73 : memref<!tpu.dma_semaphore, #tpu.memory_space<semaphore_mem>>)
        %dma_wait3A_88 = arith.constant 0 : i32
        %dma_wait3A_89 = arith.constant 0 : i32
        %dma_wait3A_90 = tpu.memref_slice %arg8[%dma_wait3A_88, %dma_wait3A_89] : memref<32x128xi32, #tpu.memory_space<vmem>> -> memref<16x128xi32, #tpu.memory_space<vmem>>
        %dma_wait3A_91 = arith.constant 0 : i32
        %dma_wait3A_92 = arith.constant 0 : i32
        %dma_wait3A_93 = tpu.memref_slice %arg6[%add3A_7, %dma_wait3A_91, %dma_wait3A_92] : memref<32x16x128xi32, #tpu.memory_space<hbm>> -> memref<1x16x128xi32, #tpu.memory_space<hbm>>
        %dma_wait3A_94 = tpu.memref_squeeze %dma_wait3A_93 : memref<1x16x128xi32, #tpu.memory_space<hbm>> -> memref<16x128xi32, #tpu.memory_space<hbm>>
        %dma_wait3A_95 = arith.constant 0 : i32
        %dma_wait3A_96 = arith.constant 0 : i32
        %dma_wait3A_97 = tpu.memref_slice %arg8[%dma_wait3A_95, %dma_wait3A_96] : memref<32x128xi32, #tpu.memory_space<vmem>> -> memref<16x128xi32, #tpu.memory_space<vmem>>
        %dma_wait3A_98 = arith.constant 0 : i32
        %dma_wait3A_99 = arith.constant 0 : i32
        %dma_wait3A_100 = tpu.memref_slice %arg6[%add3A_7, %dma_wait3A_98, %dma_wait3A_99] : memref<32x16x128xi32, #tpu.memory_space<hbm>> -> memref<1x16x128xi32, #tpu.memory_space<hbm>>
        %dma_wait3A_101 = tpu.memref_squeeze %dma_wait3A_100 : memref<1x16x128xi32, #tpu.memory_space<hbm>> -> memref<16x128xi32, #tpu.memory_space<hbm>>
        tpu.wait_dma2 semaphore(%run_scoped3A_73 : memref<!tpu.dma_semaphore, #tpu.memory_space<semaphore_mem>>) src(%dma_wait3A_101 : memref<16x128xi32, #tpu.memory_space<hbm>>) dst(%dma_wait3A_97 : memref<16x128xi32, #tpu.memory_space<vmem>>)
        tpu.yield
      }) : () -> ()
      "tpu.region"() ({
        %run_scoped3A_73 = tpu.sem_alloc : memref<!tpu.dma_semaphore, #tpu.memory_space<semaphore_mem>>
        %dma_start3A_74 = arith.constant 0 : i32
        %dma_start3A_75 = arith.constant 0 : i32
        %dma_start3A_76 = tpu.memref_slice %arg9[%dma_start3A_74, %dma_start3A_75] : memref<32x128xi32, #tpu.memory_space<vmem>> -> memref<16x128xi32, #tpu.memory_space<vmem>>
        %dma_start3A_77 = arith.constant 0 : i32
        %dma_start3A_78 = arith.constant 0 : i32
        %dma_start3A_79 = tpu.memref_slice %arg5[%add3A_7, %dma_start3A_77, %dma_start3A_78] : memref<32x16x128xi32, #tpu.memory_space<hbm>> -> memref<1x16x128xi32, #tpu.memory_space<hbm>>
        %dma_start3A_80 = tpu.memref_squeeze %dma_start3A_79 : memref<1x16x128xi32, #tpu.memory_space<hbm>> -> memref<16x128xi32, #tpu.memory_space<hbm>>
        %dma_start3A_81 = arith.constant 0 : i32
        %dma_start3A_82 = arith.constant 0 : i32
        %dma_start3A_83 = tpu.memref_slice %arg9[%dma_start3A_81, %dma_start3A_82] : memref<32x128xi32, #tpu.memory_space<vmem>> -> memref<16x128xi32, #tpu.memory_space<vmem>>
        %dma_start3A_84 = arith.constant 0 : i32
        %dma_start3A_85 = arith.constant 0 : i32
        %dma_start3A_86 = tpu.memref_slice %arg5[%add3A_7, %dma_start3A_84, %dma_start3A_85] : memref<32x16x128xi32, #tpu.memory_space<hbm>> -> memref<1x16x128xi32, #tpu.memory_space<hbm>>
        %dma_start3A_87 = tpu.memref_squeeze %dma_start3A_86 : memref<1x16x128xi32, #tpu.memory_space<hbm>> -> memref<16x128xi32, #tpu.memory_space<hbm>>
        tpu.enqueue_dma source(%dma_start3A_87 : memref<16x128xi32, #tpu.memory_space<hbm>>) target(%dma_start3A_83 : memref<16x128xi32, #tpu.memory_space<vmem>>) target_semaphore(%run_scoped3A_73 : memref<!tpu.dma_semaphore, #tpu.memory_space<semaphore_mem>>)
        %dma_wait3A_88 = arith.constant 0 : i32
        %dma_wait3A_89 = arith.constant 0 : i32
        %dma_wait3A_90 = tpu.memref_slice %arg9[%dma_wait3A_88, %dma_wait3A_89] : memref<32x128xi32, #tpu.memory_space<vmem>> -> memref<16x128xi32, #tpu.memory_space<vmem>>
        %dma_wait3A_91 = arith.constant 0 : i32
        %dma_wait3A_92 = arith.constant 0 : i32
        %dma_wait3A_93 = tpu.memref_slice %arg5[%add3A_7, %dma_wait3A_91, %dma_wait3A_92] : memref<32x16x128xi32, #tpu.memory_space<hbm>> -> memref<1x16x128xi32, #tpu.memory_space<hbm>>
        %dma_wait3A_94 = tpu.memref_squeeze %dma_wait3A_93 : memref<1x16x128xi32, #tpu.memory_space<hbm>> -> memref<16x128xi32, #tpu.memory_space<hbm>>
        %dma_wait3A_95 = arith.constant 0 : i32
        %dma_wait3A_96 = arith.constant 0 : i32
        %dma_wait3A_97 = tpu.memref_slice %arg9[%dma_wait3A_95, %dma_wait3A_96] : memref<32x128xi32, #tpu.memory_space<vmem>> -> memref<16x128xi32, #tpu.memory_space<vmem>>
        %dma_wait3A_98 = arith.constant 0 : i32
        %dma_wait3A_99 = arith.constant 0 : i32
        %dma_wait3A_100 = tpu.memref_slice %arg5[%add3A_7, %dma_wait3A_98, %dma_wait3A_99] : memref<32x16x128xi32, #tpu.memory_space<hbm>> -> memref<1x16x128xi32, #tpu.memory_space<hbm>>
        %dma_wait3A_101 = tpu.memref_squeeze %dma_wait3A_100 : memref<1x16x128xi32, #tpu.memory_space<hbm>> -> memref<16x128xi32, #tpu.memory_space<hbm>>
        tpu.wait_dma2 semaphore(%run_scoped3A_73 : memref<!tpu.dma_semaphore, #tpu.memory_space<semaphore_mem>>) src(%dma_wait3A_101 : memref<16x128xi32, #tpu.memory_space<hbm>>) dst(%dma_wait3A_97 : memref<16x128xi32, #tpu.memory_space<vmem>>)
        tpu.yield
      }) : () -> ()
      %dma_start3A = arith.constant 0 : i32
      %dma_start3A_8 = arith.constant 0 : i32
      %dma_start3A_9 = tpu.memref_slice %arg8[%dma_start3A, %dma_start3A_8] : memref<32x128xi32, #tpu.memory_space<vmem>> -> memref<1x128xi32, #tpu.memory_space<vmem>>
      %dma_start3A_10 = tpu.memref_squeeze %dma_start3A_9 : memref<1x128xi32, #tpu.memory_space<vmem>> -> memref<128xi32, #tpu.memory_space<vmem>>
      %dma_start3A_11 = arith.constant 0 : i32
      %dma_start3A_12 = arith.constant 0 : i32
      %dma_start3A_13 = tpu.memref_slice %arg2[%dma_start3A_11, %dma_start3A_12] : memref<10112x128xf32, #tpu.memory_space<hbm>> -> memref<10112x128xf32, #tpu.memory_space<hbm>>
      tpu.enqueue_indirect_dma source(%dma_start3A_13 : memref<10112x128xf32, #tpu.memory_space<hbm>>) target(%arg10 : memref<128x128xf32, #tpu.memory_space<vmem>>) offsets(%dma_start3A_10 : memref<128xi32, #tpu.memory_space<vmem>>) semaphore(%arg13 : memref<!tpu.dma_semaphore, #tpu.memory_space<semaphore_mem>>)
      %mul3A = arith.constant 632 : i32
      %mul3A_14 = arith.muli %arg1, %mul3A : i32
      %mul3A_15 = arith.constant 632 : i32
      %mul3A_16 = arith.muli %arg1, %mul3A_15 : i32
      "tpu.region"() ({
        %run_scoped3A_73 = tpu.sem_alloc : memref<!tpu.dma_semaphore, #tpu.memory_space<semaphore_mem>>
        %dma_start3A_74 = arith.constant 0 : i32
        %dma_start3A_75 = tpu.memref_slice %arg12[%mul3A_16, %dma_start3A_74] : memref<10112x128xf32, #tpu.memory_space<vmem_shared>> -> memref<632x128xf32, #tpu.memory_space<vmem_shared>>
        %dma_start3A_76 = arith.constant 0 : i32
        %dma_start3A_77 = tpu.memref_slice %arg2[%mul3A_14, %dma_start3A_76] : memref<10112x128xf32, #tpu.memory_space<hbm>> -> memref<632x128xf32, #tpu.memory_space<hbm>>
        tpu.enqueue_dma source(%dma_start3A_77 : memref<632x128xf32, #tpu.memory_space<hbm>>) target(%dma_start3A_75 : memref<632x128xf32, #tpu.memory_space<vmem_shared>>) target_semaphore(%run_scoped3A_73 : memref<!tpu.dma_semaphore, #tpu.memory_space<semaphore_mem>>)
        %dma_wait3A_78 = arith.constant 0 : i32
        %dma_wait3A_79 = tpu.memref_slice %arg12[%mul3A_16, %dma_wait3A_78] : memref<10112x128xf32, #tpu.memory_space<vmem_shared>> -> memref<632x128xf32, #tpu.memory_space<vmem_shared>>
        %dma_wait3A_80 = arith.constant 0 : i32
        %dma_wait3A_81 = tpu.memref_slice %arg2[%mul3A_14, %dma_wait3A_80] : memref<10112x128xf32, #tpu.memory_space<hbm>> -> memref<632x128xf32, #tpu.memory_space<hbm>>
        tpu.wait_dma2 semaphore(%run_scoped3A_73 : memref<!tpu.dma_semaphore, #tpu.memory_space<semaphore_mem>>) src(%dma_wait3A_81 : memref<632x128xf32, #tpu.memory_space<hbm>>) dst(%dma_wait3A_79 : memref<632x128xf32, #tpu.memory_space<vmem_shared>>)
        tpu.yield
      }) : () -> ()
      %barrier3A = arith.constant 0 : index
      tpu.barrier barrier_id(%barrier3A)
      %scan3A = arith.constant 0 : i32
      %scan3A_17 = arith.constant 0 : i32
      %scan3A_18 = arith.constant 8 : i32
      %scan3A_19 = arith.addi %scan3A_17, %scan3A_18 : i32
      %scan3A_20 = arith.constant 1 : i32
      scf.for %scan3A_73 = %scan3A_17 to %scan3A_19 step %scan3A_20  : i32 {
        %mul3A_74 = arith.constant 2 : i32
        %mul3A_75 = arith.muli %mul3A_74, %scan3A_73 : i32
        %add3A_76 = arith.constant 1 : i32
        %add3A_77 = arith.addi %mul3A_75, %add3A_76 : i32
        %mul3A_78 = arith.constant 2 : i32
        %mul3A_79 = arith.muli %mul3A_78, %scan3A_73 : i32
        %add3A_80 = arith.constant 2 : i32
        %add3A_81 = arith.addi %mul3A_79, %add3A_80 : i32
        %rem3A = arith.constant 16 : i32
        %rem3A_82 = arith.remsi %add3A_81, %rem3A : i32
        %dma_wait3A_83 = arith.constant 0 : i32
        %dma_wait3A_84 = arith.constant 0 : i32
        %dma_wait3A_85 = tpu.memref_slice %arg8[%dma_wait3A_83, %dma_wait3A_84] : memref<32x128xi32, #tpu.memory_space<vmem>> -> memref<1x128xi32, #tpu.memory_space<vmem>>
        %dma_wait3A_86 = tpu.memref_squeeze %dma_wait3A_85 : memref<1x128xi32, #tpu.memory_space<vmem>> -> memref<128xi32, #tpu.memory_space<vmem>>
        %dma_wait3A_87 = arith.constant 0 : i32
        %dma_wait3A_88 = arith.constant 0 : i32
        %dma_wait3A_89 = tpu.memref_slice %arg2[%dma_wait3A_87, %dma_wait3A_88] : memref<10112x128xf32, #tpu.memory_space<hbm>> -> memref<10112x128xf32, #tpu.memory_space<hbm>>
        tpu.wait_indirect_dma semaphore(%arg13 : memref<!tpu.dma_semaphore, #tpu.memory_space<semaphore_mem>>) src(%dma_wait3A_89 : memref<10112x128xf32, #tpu.memory_space<hbm>>) dst(%arg10 : memref<128x128xf32, #tpu.memory_space<vmem>>)
        %dma_start3A_90 = arith.constant 0 : i32
        %dma_start3A_91 = tpu.memref_slice %arg8[%add3A_77, %dma_start3A_90] : memref<32x128xi32, #tpu.memory_space<vmem>> -> memref<1x128xi32, #tpu.memory_space<vmem>>
        %dma_start3A_92 = tpu.memref_squeeze %dma_start3A_91 : memref<1x128xi32, #tpu.memory_space<vmem>> -> memref<128xi32, #tpu.memory_space<vmem>>
        %dma_start3A_93 = arith.constant 0 : i32
        %dma_start3A_94 = arith.constant 0 : i32
        %dma_start3A_95 = tpu.memref_slice %arg2[%dma_start3A_93, %dma_start3A_94] : memref<10112x128xf32, #tpu.memory_space<hbm>> -> memref<10112x128xf32, #tpu.memory_space<hbm>>
        tpu.enqueue_indirect_dma source(%dma_start3A_95 : memref<10112x128xf32, #tpu.memory_space<hbm>>) target(%arg11 : memref<128x128xf32, #tpu.memory_space<vmem>>) offsets(%dma_start3A_92 : memref<128xi32, #tpu.memory_space<vmem>>) semaphore(%arg14 : memref<!tpu.dma_semaphore, #tpu.memory_space<semaphore_mem>>)
        %mul3A_96 = arith.constant 2 : i32
        %mul3A_97 = arith.muli %mul3A_96, %scan3A_73 : i32
        "tpu.region"() ({
          %run_scoped3A_111 = tpu.sem_alloc : memref<!tpu.dma_semaphore, #tpu.memory_space<semaphore_mem>>
          %dma_start3A_112 = arith.constant 0 : i32
          %dma_start3A_113 = tpu.memref_slice %arg9[%mul3A_97, %dma_start3A_112] : memref<32x128xi32, #tpu.memory_space<vmem>> -> memref<1x128xi32, #tpu.memory_space<vmem>>
          %dma_start3A_114 = tpu.memref_squeeze %dma_start3A_113 : memref<1x128xi32, #tpu.memory_space<vmem>> -> memref<128xi32, #tpu.memory_space<vmem>>
          %dma_start3A_115 = arith.constant 0 : i32
          %dma_start3A_116 = arith.constant 0 : i32
          %dma_start3A_117 = tpu.memref_slice %arg12[%dma_start3A_115, %dma_start3A_116] : memref<10112x128xf32, #tpu.memory_space<vmem_shared>> -> memref<10112x128xf32, #tpu.memory_space<vmem_shared>>
          tpu.enqueue_indirect_dma source(%arg10 : memref<128x128xf32, #tpu.memory_space<vmem>>) target(%dma_start3A_117 : memref<10112x128xf32, #tpu.memory_space<vmem_shared>>) offsets(%dma_start3A_114 : memref<128xi32, #tpu.memory_space<vmem>>) semaphore(%run_scoped3A_111 : memref<!tpu.dma_semaphore, #tpu.memory_space<semaphore_mem>>) {add = true}
          %dma_wait3A_118 = arith.constant 0 : i32
          %dma_wait3A_119 = tpu.memref_slice %arg9[%mul3A_97, %dma_wait3A_118] : memref<32x128xi32, #tpu.memory_space<vmem>> -> memref<1x128xi32, #tpu.memory_space<vmem>>
          %dma_wait3A_120 = tpu.memref_squeeze %dma_wait3A_119 : memref<1x128xi32, #tpu.memory_space<vmem>> -> memref<128xi32, #tpu.memory_space<vmem>>
          %dma_wait3A_121 = arith.constant 0 : i32
          %dma_wait3A_122 = arith.constant 0 : i32
          %dma_wait3A_123 = tpu.memref_slice %arg12[%dma_wait3A_121, %dma_wait3A_122] : memref<10112x128xf32, #tpu.memory_space<vmem_shared>> -> memref<10112x128xf32, #tpu.memory_space<vmem_shared>>
          tpu.wait_indirect_dma semaphore(%run_scoped3A_111 : memref<!tpu.dma_semaphore, #tpu.memory_space<semaphore_mem>>) src(%arg10 : memref<128x128xf32, #tpu.memory_space<vmem>>) dst(%dma_wait3A_123 : memref<10112x128xf32, #tpu.memory_space<vmem_shared>>)
          tpu.yield
        }) : () -> ()
        %dma_wait3A_98 = arith.constant 0 : i32
        %dma_wait3A_99 = arith.constant 0 : i32
        %dma_wait3A_100 = tpu.memref_slice %arg8[%dma_wait3A_98, %dma_wait3A_99] : memref<32x128xi32, #tpu.memory_space<vmem>> -> memref<1x128xi32, #tpu.memory_space<vmem>>
        %dma_wait3A_101 = tpu.memref_squeeze %dma_wait3A_100 : memref<1x128xi32, #tpu.memory_space<vmem>> -> memref<128xi32, #tpu.memory_space<vmem>>
        %dma_wait3A_102 = arith.constant 0 : i32
        %dma_wait3A_103 = arith.constant 0 : i32
        %dma_wait3A_104 = tpu.memref_slice %arg2[%dma_wait3A_102, %dma_wait3A_103] : memref<10112x128xf32, #tpu.memory_space<hbm>> -> memref<10112x128xf32, #tpu.memory_space<hbm>>
        tpu.wait_indirect_dma semaphore(%arg14 : memref<!tpu.dma_semaphore, #tpu.memory_space<semaphore_mem>>) src(%dma_wait3A_104 : memref<10112x128xf32, #tpu.memory_space<hbm>>) dst(%arg11 : memref<128x128xf32, #tpu.memory_space<vmem>>)
        %dma_start3A_105 = arith.constant 0 : i32
        %dma_start3A_106 = tpu.memref_slice %arg8[%rem3A_82, %dma_start3A_105] : memref<32x128xi32, #tpu.memory_space<vmem>> -> memref<1x128xi32, #tpu.memory_space<vmem>>
        %dma_start3A_107 = tpu.memref_squeeze %dma_start3A_106 : memref<1x128xi32, #tpu.memory_space<vmem>> -> memref<128xi32, #tpu.memory_space<vmem>>
        %dma_start3A_108 = arith.constant 0 : i32
        %dma_start3A_109 = arith.constant 0 : i32
        %dma_start3A_110 = tpu.memref_slice %arg2[%dma_start3A_108, %dma_start3A_109] : memref<10112x128xf32, #tpu.memory_space<hbm>> -> memref<10112x128xf32, #tpu.memory_space<hbm>>
        tpu.enqueue_indirect_dma source(%dma_start3A_110 : memref<10112x128xf32, #tpu.memory_space<hbm>>) target(%arg10 : memref<128x128xf32, #tpu.memory_space<vmem>>) offsets(%dma_start3A_107 : memref<128xi32, #tpu.memory_space<vmem>>) semaphore(%arg13 : memref<!tpu.dma_semaphore, #tpu.memory_space<semaphore_mem>>)
        "tpu.region"() ({
          %run_scoped3A_111 = tpu.sem_alloc : memref<!tpu.dma_semaphore, #tpu.memory_space<semaphore_mem>>
          %dma_start3A_112 = arith.constant 0 : i32
          %dma_start3A_113 = tpu.memref_slice %arg9[%add3A_77, %dma_start3A_112] : memref<32x128xi32, #tpu.memory_space<vmem>> -> memref<1x128xi32, #tpu.memory_space<vmem>>
          %dma_start3A_114 = tpu.memref_squeeze %dma_start3A_113 : memref<1x128xi32, #tpu.memory_space<vmem>> -> memref<128xi32, #tpu.memory_space<vmem>>
          %dma_start3A_115 = arith.constant 0 : i32
          %dma_start3A_116 = arith.constant 0 : i32
          %dma_start3A_117 = tpu.memref_slice %arg12[%dma_start3A_115, %dma_start3A_116] : memref<10112x128xf32, #tpu.memory_space<vmem_shared>> -> memref<10112x128xf32, #tpu.memory_space<vmem_shared>>
          tpu.enqueue_indirect_dma source(%arg11 : memref<128x128xf32, #tpu.memory_space<vmem>>) target(%dma_start3A_117 : memref<10112x128xf32, #tpu.memory_space<vmem_shared>>) offsets(%dma_start3A_114 : memref<128xi32, #tpu.memory_space<vmem>>) semaphore(%run_scoped3A_111 : memref<!tpu.dma_semaphore, #tpu.memory_space<semaphore_mem>>) {add = true}
          %dma_wait3A_118 = arith.constant 0 : i32
          %dma_wait3A_119 = tpu.memref_slice %arg9[%add3A_77, %dma_wait3A_118] : memref<32x128xi32, #tpu.memory_space<vmem>> -> memref<1x128xi32, #tpu.memory_space<vmem>>
          %dma_wait3A_120 = tpu.memref_squeeze %dma_wait3A_119 : memref<1x128xi32, #tpu.memory_space<vmem>> -> memref<128xi32, #tpu.memory_space<vmem>>
          %dma_wait3A_121 = arith.constant 0 : i32
          %dma_wait3A_122 = arith.constant 0 : i32
          %dma_wait3A_123 = tpu.memref_slice %arg12[%dma_wait3A_121, %dma_wait3A_122] : memref<10112x128xf32, #tpu.memory_space<vmem_shared>> -> memref<10112x128xf32, #tpu.memory_space<vmem_shared>>
          tpu.wait_indirect_dma semaphore(%run_scoped3A_111 : memref<!tpu.dma_semaphore, #tpu.memory_space<semaphore_mem>>) src(%arg11 : memref<128x128xf32, #tpu.memory_space<vmem>>) dst(%dma_wait3A_123 : memref<10112x128xf32, #tpu.memory_space<vmem_shared>>)
          tpu.yield
        }) : () -> ()
      }
      %scan3A_21 = arith.constant 8 : i32
      %dma_wait3A = arith.constant 0 : i32
      %dma_wait3A_22 = arith.constant 0 : i32
      %dma_wait3A_23 = tpu.memref_slice %arg8[%dma_wait3A, %dma_wait3A_22] : memref<32x128xi32, #tpu.memory_space<vmem>> -> memref<1x128xi32, #tpu.memory_space<vmem>>
      %dma_wait3A_24 = tpu.memref_squeeze %dma_wait3A_23 : memref<1x128xi32, #tpu.memory_space<vmem>> -> memref<128xi32, #tpu.memory_space<vmem>>
      %dma_wait3A_25 = arith.constant 0 : i32
      %dma_wait3A_26 = arith.constant 0 : i32
      %dma_wait3A_27 = tpu.memref_slice %arg2[%dma_wait3A_25, %dma_wait3A_26] : memref<10112x128xf32, #tpu.memory_space<hbm>> -> memref<10112x128xf32, #tpu.memory_space<hbm>>
      tpu.wait_indirect_dma semaphore(%arg13 : memref<!tpu.dma_semaphore, #tpu.memory_space<semaphore_mem>>) src(%dma_wait3A_27 : memref<10112x128xf32, #tpu.memory_space<hbm>>) dst(%arg10 : memref<128x128xf32, #tpu.memory_space<vmem>>)
      "tpu.region"() ({
        %run_scoped3A_73 = tpu.sem_alloc : memref<!tpu.dma_semaphore, #tpu.memory_space<semaphore_mem>>
        %dma_start3A_74 = arith.constant 0 : i32
        %dma_start3A_75 = arith.constant 0 : i32
        %dma_start3A_76 = tpu.memref_slice %arg4[%add3A_7, %dma_start3A_74, %dma_start3A_75] : memref<32x64x128xi32, #tpu.memory_space<hbm>> -> memref<1x64x128xi32, #tpu.memory_space<hbm>>
        %dma_start3A_77 = tpu.memref_squeeze %dma_start3A_76 : memref<1x64x128xi32, #tpu.memory_space<hbm>> -> memref<64x128xi32, #tpu.memory_space<hbm>>
        %dma_start3A_78 = arith.constant 0 : i32
        %dma_start3A_79 = arith.constant 0 : i32
        %dma_start3A_80 = tpu.memref_slice %dma_start3A_77[%dma_start3A_78, %dma_start3A_79] : memref<64x128xi32, #tpu.memory_space<hbm>> -> memref<32x128xi32, #tpu.memory_space<hbm>>
        %dma_start3A_81 = arith.constant 0 : i32
        %dma_start3A_82 = arith.constant 0 : i32
        %dma_start3A_83 = tpu.memref_slice %arg4[%add3A_7, %dma_start3A_81, %dma_start3A_82] : memref<32x64x128xi32, #tpu.memory_space<hbm>> -> memref<1x64x128xi32, #tpu.memory_space<hbm>>
        %dma_start3A_84 = tpu.memref_squeeze %dma_start3A_83 : memref<1x64x128xi32, #tpu.memory_space<hbm>> -> memref<64x128xi32, #tpu.memory_space<hbm>>
        %dma_start3A_85 = arith.constant 0 : i32
        %dma_start3A_86 = arith.constant 0 : i32
        %dma_start3A_87 = tpu.memref_slice %dma_start3A_84[%dma_start3A_85, %dma_start3A_86] : memref<64x128xi32, #tpu.memory_space<hbm>> -> memref<32x128xi32, #tpu.memory_space<hbm>>
        tpu.enqueue_dma source(%dma_start3A_87 : memref<32x128xi32, #tpu.memory_space<hbm>>) target(%arg8 : memref<32x128xi32, #tpu.memory_space<vmem>>) target_semaphore(%run_scoped3A_73 : memref<!tpu.dma_semaphore, #tpu.memory_space<semaphore_mem>>)
        %dma_wait3A_88 = arith.constant 0 : i32
        %dma_wait3A_89 = arith.constant 0 : i32
        %dma_wait3A_90 = tpu.memref_slice %arg4[%add3A_7, %dma_wait3A_88, %dma_wait3A_89] : memref<32x64x128xi32, #tpu.memory_space<hbm>> -> memref<1x64x128xi32, #tpu.memory_space<hbm>>
        %dma_wait3A_91 = tpu.memref_squeeze %dma_wait3A_90 : memref<1x64x128xi32, #tpu.memory_space<hbm>> -> memref<64x128xi32, #tpu.memory_space<hbm>>
        %dma_wait3A_92 = arith.constant 0 : i32
        %dma_wait3A_93 = arith.constant 0 : i32
        %dma_wait3A_94 = tpu.memref_slice %dma_wait3A_91[%dma_wait3A_92, %dma_wait3A_93] : memref<64x128xi32, #tpu.memory_space<hbm>> -> memref<32x128xi32, #tpu.memory_space<hbm>>
        %dma_wait3A_95 = arith.constant 0 : i32
        %dma_wait3A_96 = arith.constant 0 : i32
        %dma_wait3A_97 = tpu.memref_slice %arg4[%add3A_7, %dma_wait3A_95, %dma_wait3A_96] : memref<32x64x128xi32, #tpu.memory_space<hbm>> -> memref<1x64x128xi32, #tpu.memory_space<hbm>>
        %dma_wait3A_98 = tpu.memref_squeeze %dma_wait3A_97 : memref<1x64x128xi32, #tpu.memory_space<hbm>> -> memref<64x128xi32, #tpu.memory_space<hbm>>
        %dma_wait3A_99 = arith.constant 0 : i32
        %dma_wait3A_100 = arith.constant 0 : i32
        %dma_wait3A_101 = tpu.memref_slice %dma_wait3A_98[%dma_wait3A_99, %dma_wait3A_100] : memref<64x128xi32, #tpu.memory_space<hbm>> -> memref<32x128xi32, #tpu.memory_space<hbm>>
        tpu.wait_dma2 semaphore(%run_scoped3A_73 : memref<!tpu.dma_semaphore, #tpu.memory_space<semaphore_mem>>) src(%dma_wait3A_101 : memref<32x128xi32, #tpu.memory_space<hbm>>) dst(%arg8 : memref<32x128xi32, #tpu.memory_space<vmem>>)
        tpu.yield
      }) : () -> ()
      "tpu.region"() ({
        %run_scoped3A_73 = tpu.sem_alloc : memref<!tpu.dma_semaphore, #tpu.memory_space<semaphore_mem>>
        %dma_start3A_74 = arith.constant 0 : i32
        %dma_start3A_75 = arith.constant 0 : i32
        %dma_start3A_76 = tpu.memref_slice %arg3[%add3A_7, %dma_start3A_74, %dma_start3A_75] : memref<32x64x128xi32, #tpu.memory_space<hbm>> -> memref<1x64x128xi32, #tpu.memory_space<hbm>>
        %dma_start3A_77 = tpu.memref_squeeze %dma_start3A_76 : memref<1x64x128xi32, #tpu.memory_space<hbm>> -> memref<64x128xi32, #tpu.memory_space<hbm>>
        %dma_start3A_78 = arith.constant 0 : i32
        %dma_start3A_79 = arith.constant 0 : i32
        %dma_start3A_80 = tpu.memref_slice %dma_start3A_77[%dma_start3A_78, %dma_start3A_79] : memref<64x128xi32, #tpu.memory_space<hbm>> -> memref<32x128xi32, #tpu.memory_space<hbm>>
        %dma_start3A_81 = arith.constant 0 : i32
        %dma_start3A_82 = arith.constant 0 : i32
        %dma_start3A_83 = tpu.memref_slice %arg3[%add3A_7, %dma_start3A_81, %dma_start3A_82] : memref<32x64x128xi32, #tpu.memory_space<hbm>> -> memref<1x64x128xi32, #tpu.memory_space<hbm>>
        %dma_start3A_84 = tpu.memref_squeeze %dma_start3A_83 : memref<1x64x128xi32, #tpu.memory_space<hbm>> -> memref<64x128xi32, #tpu.memory_space<hbm>>
        %dma_start3A_85 = arith.constant 0 : i32
        %dma_start3A_86 = arith.constant 0 : i32
        %dma_start3A_87 = tpu.memref_slice %dma_start3A_84[%dma_start3A_85, %dma_start3A_86] : memref<64x128xi32, #tpu.memory_space<hbm>> -> memref<32x128xi32, #tpu.memory_space<hbm>>
        tpu.enqueue_dma source(%dma_start3A_87 : memref<32x128xi32, #tpu.memory_space<hbm>>) target(%arg9 : memref<32x128xi32, #tpu.memory_space<vmem>>) target_semaphore(%run_scoped3A_73 : memref<!tpu.dma_semaphore, #tpu.memory_space<semaphore_mem>>)
        %dma_wait3A_88 = arith.constant 0 : i32
        %dma_wait3A_89 = arith.constant 0 : i32
        %dma_wait3A_90 = tpu.memref_slice %arg3[%add3A_7, %dma_wait3A_88, %dma_wait3A_89] : memref<32x64x128xi32, #tpu.memory_space<hbm>> -> memref<1x64x128xi32, #tpu.memory_space<hbm>>
        %dma_wait3A_91 = tpu.memref_squeeze %dma_wait3A_90 : memref<1x64x128xi32, #tpu.memory_space<hbm>> -> memref<64x128xi32, #tpu.memory_space<hbm>>
        %dma_wait3A_92 = arith.constant 0 : i32
        %dma_wait3A_93 = arith.constant 0 : i32
        %dma_wait3A_94 = tpu.memref_slice %dma_wait3A_91[%dma_wait3A_92, %dma_wait3A_93] : memref<64x128xi32, #tpu.memory_space<hbm>> -> memref<32x128xi32, #tpu.memory_space<hbm>>
        %dma_wait3A_95 = arith.constant 0 : i32
        %dma_wait3A_96 = arith.constant 0 : i32
        %dma_wait3A_97 = tpu.memref_slice %arg3[%add3A_7, %dma_wait3A_95, %dma_wait3A_96] : memref<32x64x128xi32, #tpu.memory_space<hbm>> -> memref<1x64x128xi32, #tpu.memory_space<hbm>>
        %dma_wait3A_98 = tpu.memref_squeeze %dma_wait3A_97 : memref<1x64x128xi32, #tpu.memory_space<hbm>> -> memref<64x128xi32, #tpu.memory_space<hbm>>
        %dma_wait3A_99 = arith.constant 0 : i32
        %dma_wait3A_100 = arith.constant 0 : i32
        %dma_wait3A_101 = tpu.memref_slice %dma_wait3A_98[%dma_wait3A_99, %dma_wait3A_100] : memref<64x128xi32, #tpu.memory_space<hbm>> -> memref<32x128xi32, #tpu.memory_space<hbm>>
        tpu.wait_dma2 semaphore(%run_scoped3A_73 : memref<!tpu.dma_semaphore, #tpu.memory_space<semaphore_mem>>) src(%dma_wait3A_101 : memref<32x128xi32, #tpu.memory_space<hbm>>) dst(%arg9 : memref<32x128xi32, #tpu.memory_space<vmem>>)
        tpu.yield
      }) : () -> ()
      %dma_start3A_28 = arith.constant 0 : i32
      %dma_start3A_29 = arith.constant 0 : i32
      %dma_start3A_30 = tpu.memref_slice %arg8[%dma_start3A_28, %dma_start3A_29] : memref<32x128xi32, #tpu.memory_space<vmem>> -> memref<1x128xi32, #tpu.memory_space<vmem>>
      %dma_start3A_31 = tpu.memref_squeeze %dma_start3A_30 : memref<1x128xi32, #tpu.memory_space<vmem>> -> memref<128xi32, #tpu.memory_space<vmem>>
      %dma_start3A_32 = arith.constant 0 : i32
      %dma_start3A_33 = arith.constant 0 : i32
      %dma_start3A_34 = tpu.memref_slice %arg2[%dma_start3A_32, %dma_start3A_33] : memref<10112x128xf32, #tpu.memory_space<hbm>> -> memref<10112x128xf32, #tpu.memory_space<hbm>>
      tpu.enqueue_indirect_dma source(%dma_start3A_34 : memref<10112x128xf32, #tpu.memory_space<hbm>>) target(%arg10 : memref<128x128xf32, #tpu.memory_space<vmem>>) offsets(%dma_start3A_31 : memref<128xi32, #tpu.memory_space<vmem>>) semaphore(%arg13 : memref<!tpu.dma_semaphore, #tpu.memory_space<semaphore_mem>>)
      %scan3A_35 = arith.constant 0 : i32
      %scan3A_36 = arith.constant 0 : i32
      %scan3A_37 = arith.constant 16 : i32
      %scan3A_38 = arith.addi %scan3A_36, %scan3A_37 : i32
      %scan3A_39 = arith.constant 1 : i32
      scf.for %scan3A_73 = %scan3A_36 to %scan3A_38 step %scan3A_39  : i32 {
        %mul3A_74 = arith.constant 2 : i32
        %mul3A_75 = arith.muli %mul3A_74, %scan3A_73 : i32
        %add3A_76 = arith.constant 1 : i32
        %add3A_77 = arith.addi %mul3A_75, %add3A_76 : i32
        %mul3A_78 = arith.constant 2 : i32
        %mul3A_79 = arith.muli %mul3A_78, %scan3A_73 : i32
        %add3A_80 = arith.constant 2 : i32
        %add3A_81 = arith.addi %mul3A_79, %add3A_80 : i32
        %rem3A = arith.constant 32 : i32
        %rem3A_82 = arith.remsi %add3A_81, %rem3A : i32
        %dma_wait3A_83 = arith.constant 0 : i32
        %dma_wait3A_84 = arith.constant 0 : i32
        %dma_wait3A_85 = tpu.memref_slice %arg8[%dma_wait3A_83, %dma_wait3A_84] : memref<32x128xi32, #tpu.memory_space<vmem>> -> memref<1x128xi32, #tpu.memory_space<vmem>>
        %dma_wait3A_86 = tpu.memref_squeeze %dma_wait3A_85 : memref<1x128xi32, #tpu.memory_space<vmem>> -> memref<128xi32, #tpu.memory_space<vmem>>
        %dma_wait3A_87 = arith.constant 0 : i32
        %dma_wait3A_88 = arith.constant 0 : i32
        %dma_wait3A_89 = tpu.memref_slice %arg2[%dma_wait3A_87, %dma_wait3A_88] : memref<10112x128xf32, #tpu.memory_space<hbm>> -> memref<10112x128xf32, #tpu.memory_space<hbm>>
        tpu.wait_indirect_dma semaphore(%arg13 : memref<!tpu.dma_semaphore, #tpu.memory_space<semaphore_mem>>) src(%dma_wait3A_89 : memref<10112x128xf32, #tpu.memory_space<hbm>>) dst(%arg10 : memref<128x128xf32, #tpu.memory_space<vmem>>)
        %dma_start3A_90 = arith.constant 0 : i32
        %dma_start3A_91 = tpu.memref_slice %arg8[%add3A_77, %dma_start3A_90] : memref<32x128xi32, #tpu.memory_space<vmem>> -> memref<1x128xi32, #tpu.memory_space<vmem>>
        %dma_start3A_92 = tpu.memref_squeeze %dma_start3A_91 : memref<1x128xi32, #tpu.memory_space<vmem>> -> memref<128xi32, #tpu.memory_space<vmem>>
        %dma_start3A_93 = arith.constant 0 : i32
        %dma_start3A_94 = arith.constant 0 : i32
        %dma_start3A_95 = tpu.memref_slice %arg2[%dma_start3A_93, %dma_start3A_94] : memref<10112x128xf32, #tpu.memory_space<hbm>> -> memref<10112x128xf32, #tpu.memory_space<hbm>>
        tpu.enqueue_indirect_dma source(%dma_start3A_95 : memref<10112x128xf32, #tpu.memory_space<hbm>>) target(%arg11 : memref<128x128xf32, #tpu.memory_space<vmem>>) offsets(%dma_start3A_92 : memref<128xi32, #tpu.memory_space<vmem>>) semaphore(%arg14 : memref<!tpu.dma_semaphore, #tpu.memory_space<semaphore_mem>>)
        %mul3A_96 = arith.constant 2 : i32
        %mul3A_97 = arith.muli %mul3A_96, %scan3A_73 : i32
        "tpu.region"() ({
          %run_scoped3A_111 = tpu.sem_alloc : memref<!tpu.dma_semaphore, #tpu.memory_space<semaphore_mem>>
          %dma_start3A_112 = arith.constant 0 : i32
          %dma_start3A_113 = tpu.memref_slice %arg9[%mul3A_97, %dma_start3A_112] : memref<32x128xi32, #tpu.memory_space<vmem>> -> memref<1x128xi32, #tpu.memory_space<vmem>>
          %dma_start3A_114 = tpu.memref_squeeze %dma_start3A_113 : memref<1x128xi32, #tpu.memory_space<vmem>> -> memref<128xi32, #tpu.memory_space<vmem>>
          %dma_start3A_115 = arith.constant 0 : i32
          %dma_start3A_116 = arith.constant 0 : i32
          %dma_start3A_117 = tpu.memref_slice %arg12[%dma_start3A_115, %dma_start3A_116] : memref<10112x128xf32, #tpu.memory_space<vmem_shared>> -> memref<10112x128xf32, #tpu.memory_space<vmem_shared>>
          tpu.enqueue_indirect_dma source(%arg10 : memref<128x128xf32, #tpu.memory_space<vmem>>) target(%dma_start3A_117 : memref<10112x128xf32, #tpu.memory_space<vmem_shared>>) offsets(%dma_start3A_114 : memref<128xi32, #tpu.memory_space<vmem>>) semaphore(%run_scoped3A_111 : memref<!tpu.dma_semaphore, #tpu.memory_space<semaphore_mem>>) {add = true}
          %dma_wait3A_118 = arith.constant 0 : i32
          %dma_wait3A_119 = tpu.memref_slice %arg9[%mul3A_97, %dma_wait3A_118] : memref<32x128xi32, #tpu.memory_space<vmem>> -> memref<1x128xi32, #tpu.memory_space<vmem>>
          %dma_wait3A_120 = tpu.memref_squeeze %dma_wait3A_119 : memref<1x128xi32, #tpu.memory_space<vmem>> -> memref<128xi32, #tpu.memory_space<vmem>>
          %dma_wait3A_121 = arith.constant 0 : i32
          %dma_wait3A_122 = arith.constant 0 : i32
          %dma_wait3A_123 = tpu.memref_slice %arg12[%dma_wait3A_121, %dma_wait3A_122] : memref<10112x128xf32, #tpu.memory_space<vmem_shared>> -> memref<10112x128xf32, #tpu.memory_space<vmem_shared>>
          tpu.wait_indirect_dma semaphore(%run_scoped3A_111 : memref<!tpu.dma_semaphore, #tpu.memory_space<semaphore_mem>>) src(%arg10 : memref<128x128xf32, #tpu.memory_space<vmem>>) dst(%dma_wait3A_123 : memref<10112x128xf32, #tpu.memory_space<vmem_shared>>)
          tpu.yield
        }) : () -> ()
        %dma_wait3A_98 = arith.constant 0 : i32
        %dma_wait3A_99 = arith.constant 0 : i32
        %dma_wait3A_100 = tpu.memref_slice %arg8[%dma_wait3A_98, %dma_wait3A_99] : memref<32x128xi32, #tpu.memory_space<vmem>> -> memref<1x128xi32, #tpu.memory_space<vmem>>
        %dma_wait3A_101 = tpu.memref_squeeze %dma_wait3A_100 : memref<1x128xi32, #tpu.memory_space<vmem>> -> memref<128xi32, #tpu.memory_space<vmem>>
        %dma_wait3A_102 = arith.constant 0 : i32
        %dma_wait3A_103 = arith.constant 0 : i32
        %dma_wait3A_104 = tpu.memref_slice %arg2[%dma_wait3A_102, %dma_wait3A_103] : memref<10112x128xf32, #tpu.memory_space<hbm>> -> memref<10112x128xf32, #tpu.memory_space<hbm>>
        tpu.wait_indirect_dma semaphore(%arg14 : memref<!tpu.dma_semaphore, #tpu.memory_space<semaphore_mem>>) src(%dma_wait3A_104 : memref<10112x128xf32, #tpu.memory_space<hbm>>) dst(%arg11 : memref<128x128xf32, #tpu.memory_space<vmem>>)
        %dma_start3A_105 = arith.constant 0 : i32
        %dma_start3A_106 = tpu.memref_slice %arg8[%rem3A_82, %dma_start3A_105] : memref<32x128xi32, #tpu.memory_space<vmem>> -> memref<1x128xi32, #tpu.memory_space<vmem>>
        %dma_start3A_107 = tpu.memref_squeeze %dma_start3A_106 : memref<1x128xi32, #tpu.memory_space<vmem>> -> memref<128xi32, #tpu.memory_space<vmem>>
        %dma_start3A_108 = arith.constant 0 : i32
        %dma_start3A_109 = arith.constant 0 : i32
        %dma_start3A_110 = tpu.memref_slice %arg2[%dma_start3A_108, %dma_start3A_109] : memref<10112x128xf32, #tpu.memory_space<hbm>> -> memref<10112x128xf32, #tpu.memory_space<hbm>>
        tpu.enqueue_indirect_dma source(%dma_start3A_110 : memref<10112x128xf32, #tpu.memory_space<hbm>>) target(%arg10 : memref<128x128xf32, #tpu.memory_space<vmem>>) offsets(%dma_start3A_107 : memref<128xi32, #tpu.memory_space<vmem>>) semaphore(%arg13 : memref<!tpu.dma_semaphore, #tpu.memory_space<semaphore_mem>>)
        "tpu.region"() ({
          %run_scoped3A_111 = tpu.sem_alloc : memref<!tpu.dma_semaphore, #tpu.memory_space<semaphore_mem>>
          %dma_start3A_112 = arith.constant 0 : i32
          %dma_start3A_113 = tpu.memref_slice %arg9[%add3A_77, %dma_start3A_112] : memref<32x128xi32, #tpu.memory_space<vmem>> -> memref<1x128xi32, #tpu.memory_space<vmem>>
          %dma_start3A_114 = tpu.memref_squeeze %dma_start3A_113 : memref<1x128xi32, #tpu.memory_space<vmem>> -> memref<128xi32, #tpu.memory_space<vmem>>
          %dma_start3A_115 = arith.constant 0 : i32
          %dma_start3A_116 = arith.constant 0 : i32
          %dma_start3A_117 = tpu.memref_slice %arg12[%dma_start3A_115, %dma_start3A_116] : memref<10112x128xf32, #tpu.memory_space<vmem_shared>> -> memref<10112x128xf32, #tpu.memory_space<vmem_shared>>
          tpu.enqueue_indirect_dma source(%arg11 : memref<128x128xf32, #tpu.memory_space<vmem>>) target(%dma_start3A_117 : memref<10112x128xf32, #tpu.memory_space<vmem_shared>>) offsets(%dma_start3A_114 : memref<128xi32, #tpu.memory_space<vmem>>) semaphore(%run_scoped3A_111 : memref<!tpu.dma_semaphore, #tpu.memory_space<semaphore_mem>>) {add = true}
          %dma_wait3A_118 = arith.constant 0 : i32
          %dma_wait3A_119 = tpu.memref_slice %arg9[%add3A_77, %dma_wait3A_118] : memref<32x128xi32, #tpu.memory_space<vmem>> -> memref<1x128xi32, #tpu.memory_space<vmem>>
          %dma_wait3A_120 = tpu.memref_squeeze %dma_wait3A_119 : memref<1x128xi32, #tpu.memory_space<vmem>> -> memref<128xi32, #tpu.memory_space<vmem>>
          %dma_wait3A_121 = arith.constant 0 : i32
          %dma_wait3A_122 = arith.constant 0 : i32
          %dma_wait3A_123 = tpu.memref_slice %arg12[%dma_wait3A_121, %dma_wait3A_122] : memref<10112x128xf32, #tpu.memory_space<vmem_shared>> -> memref<10112x128xf32, #tpu.memory_space<vmem_shared>>
          tpu.wait_indirect_dma semaphore(%run_scoped3A_111 : memref<!tpu.dma_semaphore, #tpu.memory_space<semaphore_mem>>) src(%arg11 : memref<128x128xf32, #tpu.memory_space<vmem>>) dst(%dma_wait3A_123 : memref<10112x128xf32, #tpu.memory_space<vmem_shared>>)
          tpu.yield
        }) : () -> ()
      }
      %scan3A_40 = arith.constant 16 : i32
      %dma_wait3A_41 = arith.constant 0 : i32
      %dma_wait3A_42 = arith.constant 0 : i32
      %dma_wait3A_43 = tpu.memref_slice %arg8[%dma_wait3A_41, %dma_wait3A_42] : memref<32x128xi32, #tpu.memory_space<vmem>> -> memref<1x128xi32, #tpu.memory_space<vmem>>
      %dma_wait3A_44 = tpu.memref_squeeze %dma_wait3A_43 : memref<1x128xi32, #tpu.memory_space<vmem>> -> memref<128xi32, #tpu.memory_space<vmem>>
      %dma_wait3A_45 = arith.constant 0 : i32
      %dma_wait3A_46 = arith.constant 0 : i32
      %dma_wait3A_47 = tpu.memref_slice %arg2[%dma_wait3A_45, %dma_wait3A_46] : memref<10112x128xf32, #tpu.memory_space<hbm>> -> memref<10112x128xf32, #tpu.memory_space<hbm>>
      tpu.wait_indirect_dma semaphore(%arg13 : memref<!tpu.dma_semaphore, #tpu.memory_space<semaphore_mem>>) src(%dma_wait3A_47 : memref<10112x128xf32, #tpu.memory_space<hbm>>) dst(%arg10 : memref<128x128xf32, #tpu.memory_space<vmem>>)
      "tpu.region"() ({
        %run_scoped3A_73 = tpu.sem_alloc : memref<!tpu.dma_semaphore, #tpu.memory_space<semaphore_mem>>
        %dma_start3A_74 = arith.constant 0 : i32
        %dma_start3A_75 = arith.constant 0 : i32
        %dma_start3A_76 = tpu.memref_slice %arg4[%add3A_7, %dma_start3A_74, %dma_start3A_75] : memref<32x64x128xi32, #tpu.memory_space<hbm>> -> memref<1x64x128xi32, #tpu.memory_space<hbm>>
        %dma_start3A_77 = tpu.memref_squeeze %dma_start3A_76 : memref<1x64x128xi32, #tpu.memory_space<hbm>> -> memref<64x128xi32, #tpu.memory_space<hbm>>
        %dma_start3A_78 = arith.constant 32 : i32
        %dma_start3A_79 = arith.constant 0 : i32
        %dma_start3A_80 = tpu.memref_slice %dma_start3A_77[%dma_start3A_78, %dma_start3A_79] : memref<64x128xi32, #tpu.memory_space<hbm>> -> memref<32x128xi32, #tpu.memory_space<hbm>>
        %dma_start3A_81 = arith.constant 0 : i32
        %dma_start3A_82 = arith.constant 0 : i32
        %dma_start3A_83 = tpu.memref_slice %arg4[%add3A_7, %dma_start3A_81, %dma_start3A_82] : memref<32x64x128xi32, #tpu.memory_space<hbm>> -> memref<1x64x128xi32, #tpu.memory_space<hbm>>
        %dma_start3A_84 = tpu.memref_squeeze %dma_start3A_83 : memref<1x64x128xi32, #tpu.memory_space<hbm>> -> memref<64x128xi32, #tpu.memory_space<hbm>>
        %dma_start3A_85 = arith.constant 32 : i32
        %dma_start3A_86 = arith.constant 0 : i32
        %dma_start3A_87 = tpu.memref_slice %dma_start3A_84[%dma_start3A_85, %dma_start3A_86] : memref<64x128xi32, #tpu.memory_space<hbm>> -> memref<32x128xi32, #tpu.memory_space<hbm>>
        tpu.enqueue_dma source(%dma_start3A_87 : memref<32x128xi32, #tpu.memory_space<hbm>>) target(%arg8 : memref<32x128xi32, #tpu.memory_space<vmem>>) target_semaphore(%run_scoped3A_73 : memref<!tpu.dma_semaphore, #tpu.memory_space<semaphore_mem>>)
        %dma_wait3A_88 = arith.constant 0 : i32
        %dma_wait3A_89 = arith.constant 0 : i32
        %dma_wait3A_90 = tpu.memref_slice %arg4[%add3A_7, %dma_wait3A_88, %dma_wait3A_89] : memref<32x64x128xi32, #tpu.memory_space<hbm>> -> memref<1x64x128xi32, #tpu.memory_space<hbm>>
        %dma_wait3A_91 = tpu.memref_squeeze %dma_wait3A_90 : memref<1x64x128xi32, #tpu.memory_space<hbm>> -> memref<64x128xi32, #tpu.memory_space<hbm>>
        %dma_wait3A_92 = arith.constant 32 : i32
        %dma_wait3A_93 = arith.constant 0 : i32
        %dma_wait3A_94 = tpu.memref_slice %dma_wait3A_91[%dma_wait3A_92, %dma_wait3A_93] : memref<64x128xi32, #tpu.memory_space<hbm>> -> memref<32x128xi32, #tpu.memory_space<hbm>>
        %dma_wait3A_95 = arith.constant 0 : i32
        %dma_wait3A_96 = arith.constant 0 : i32
        %dma_wait3A_97 = tpu.memref_slice %arg4[%add3A_7, %dma_wait3A_95, %dma_wait3A_96] : memref<32x64x128xi32, #tpu.memory_space<hbm>> -> memref<1x64x128xi32, #tpu.memory_space<hbm>>
        %dma_wait3A_98 = tpu.memref_squeeze %dma_wait3A_97 : memref<1x64x128xi32, #tpu.memory_space<hbm>> -> memref<64x128xi32, #tpu.memory_space<hbm>>
        %dma_wait3A_99 = arith.constant 32 : i32
        %dma_wait3A_100 = arith.constant 0 : i32
        %dma_wait3A_101 = tpu.memref_slice %dma_wait3A_98[%dma_wait3A_99, %dma_wait3A_100] : memref<64x128xi32, #tpu.memory_space<hbm>> -> memref<32x128xi32, #tpu.memory_space<hbm>>
        tpu.wait_dma2 semaphore(%run_scoped3A_73 : memref<!tpu.dma_semaphore, #tpu.memory_space<semaphore_mem>>) src(%dma_wait3A_101 : memref<32x128xi32, #tpu.memory_space<hbm>>) dst(%arg8 : memref<32x128xi32, #tpu.memory_space<vmem>>)
        tpu.yield
      }) : () -> ()
      "tpu.region"() ({
        %run_scoped3A_73 = tpu.sem_alloc : memref<!tpu.dma_semaphore, #tpu.memory_space<semaphore_mem>>
        %dma_start3A_74 = arith.constant 0 : i32
        %dma_start3A_75 = arith.constant 0 : i32
        %dma_start3A_76 = tpu.memref_slice %arg3[%add3A_7, %dma_start3A_74, %dma_start3A_75] : memref<32x64x128xi32, #tpu.memory_space<hbm>> -> memref<1x64x128xi32, #tpu.memory_space<hbm>>
        %dma_start3A_77 = tpu.memref_squeeze %dma_start3A_76 : memref<1x64x128xi32, #tpu.memory_space<hbm>> -> memref<64x128xi32, #tpu.memory_space<hbm>>
        %dma_start3A_78 = arith.constant 32 : i32
        %dma_start3A_79 = arith.constant 0 : i32
        %dma_start3A_80 = tpu.memref_slice %dma_start3A_77[%dma_start3A_78, %dma_start3A_79] : memref<64x128xi32, #tpu.memory_space<hbm>> -> memref<32x128xi32, #tpu.memory_space<hbm>>
        %dma_start3A_81 = arith.constant 0 : i32
        %dma_start3A_82 = arith.constant 0 : i32
        %dma_start3A_83 = tpu.memref_slice %arg3[%add3A_7, %dma_start3A_81, %dma_start3A_82] : memref<32x64x128xi32, #tpu.memory_space<hbm>> -> memref<1x64x128xi32, #tpu.memory_space<hbm>>
        %dma_start3A_84 = tpu.memref_squeeze %dma_start3A_83 : memref<1x64x128xi32, #tpu.memory_space<hbm>> -> memref<64x128xi32, #tpu.memory_space<hbm>>
        %dma_start3A_85 = arith.constant 32 : i32
        %dma_start3A_86 = arith.constant 0 : i32
        %dma_start3A_87 = tpu.memref_slice %dma_start3A_84[%dma_start3A_85, %dma_start3A_86] : memref<64x128xi32, #tpu.memory_space<hbm>> -> memref<32x128xi32, #tpu.memory_space<hbm>>
        tpu.enqueue_dma source(%dma_start3A_87 : memref<32x128xi32, #tpu.memory_space<hbm>>) target(%arg9 : memref<32x128xi32, #tpu.memory_space<vmem>>) target_semaphore(%run_scoped3A_73 : memref<!tpu.dma_semaphore, #tpu.memory_space<semaphore_mem>>)
        %dma_wait3A_88 = arith.constant 0 : i32
        %dma_wait3A_89 = arith.constant 0 : i32
        %dma_wait3A_90 = tpu.memref_slice %arg3[%add3A_7, %dma_wait3A_88, %dma_wait3A_89] : memref<32x64x128xi32, #tpu.memory_space<hbm>> -> memref<1x64x128xi32, #tpu.memory_space<hbm>>
        %dma_wait3A_91 = tpu.memref_squeeze %dma_wait3A_90 : memref<1x64x128xi32, #tpu.memory_space<hbm>> -> memref<64x128xi32, #tpu.memory_space<hbm>>
        %dma_wait3A_92 = arith.constant 32 : i32
        %dma_wait3A_93 = arith.constant 0 : i32
        %dma_wait3A_94 = tpu.memref_slice %dma_wait3A_91[%dma_wait3A_92, %dma_wait3A_93] : memref<64x128xi32, #tpu.memory_space<hbm>> -> memref<32x128xi32, #tpu.memory_space<hbm>>
        %dma_wait3A_95 = arith.constant 0 : i32
        %dma_wait3A_96 = arith.constant 0 : i32
        %dma_wait3A_97 = tpu.memref_slice %arg3[%add3A_7, %dma_wait3A_95, %dma_wait3A_96] : memref<32x64x128xi32, #tpu.memory_space<hbm>> -> memref<1x64x128xi32, #tpu.memory_space<hbm>>
        %dma_wait3A_98 = tpu.memref_squeeze %dma_wait3A_97 : memref<1x64x128xi32, #tpu.memory_space<hbm>> -> memref<64x128xi32, #tpu.memory_space<hbm>>
        %dma_wait3A_99 = arith.constant 32 : i32
        %dma_wait3A_100 = arith.constant 0 : i32
        %dma_wait3A_101 = tpu.memref_slice %dma_wait3A_98[%dma_wait3A_99, %dma_wait3A_100] : memref<64x128xi32, #tpu.memory_space<hbm>> -> memref<32x128xi32, #tpu.memory_space<hbm>>
        tpu.wait_dma2 semaphore(%run_scoped3A_73 : memref<!tpu.dma_semaphore, #tpu.memory_space<semaphore_mem>>) src(%dma_wait3A_101 : memref<32x128xi32, #tpu.memory_space<hbm>>) dst(%arg9 : memref<32x128xi32, #tpu.memory_space<vmem>>)
        tpu.yield
      }) : () -> ()
      %dma_start3A_48 = arith.constant 0 : i32
      %dma_start3A_49 = arith.constant 0 : i32
      %dma_start3A_50 = tpu.memref_slice %arg8[%dma_start3A_48, %dma_start3A_49] : memref<32x128xi32, #tpu.memory_space<vmem>> -> memref<1x128xi32, #tpu.memory_space<vmem>>
      %dma_start3A_51 = tpu.memref_squeeze %dma_start3A_50 : memref<1x128xi32, #tpu.memory_space<vmem>> -> memref<128xi32, #tpu.memory_space<vmem>>
      %dma_start3A_52 = arith.constant 0 : i32
      %dma_start3A_53 = arith.constant 0 : i32
      %dma_start3A_54 = tpu.memref_slice %arg2[%dma_start3A_52, %dma_start3A_53] : memref<10112x128xf32, #tpu.memory_space<hbm>> -> memref<10112x128xf32, #tpu.memory_space<hbm>>
      tpu.enqueue_indirect_dma source(%dma_start3A_54 : memref<10112x128xf32, #tpu.memory_space<hbm>>) target(%arg10 : memref<128x128xf32, #tpu.memory_space<vmem>>) offsets(%dma_start3A_51 : memref<128xi32, #tpu.memory_space<vmem>>) semaphore(%arg13 : memref<!tpu.dma_semaphore, #tpu.memory_space<semaphore_mem>>)
      %scan3A_55 = arith.constant 0 : i32
      %scan3A_56 = arith.constant 0 : i32
      %scan3A_57 = arith.constant 16 : i32
      %scan3A_58 = arith.addi %scan3A_56, %scan3A_57 : i32
      %scan3A_59 = arith.constant 1 : i32
      scf.for %scan3A_73 = %scan3A_56 to %scan3A_58 step %scan3A_59  : i32 {
        %mul3A_74 = arith.constant 2 : i32
        %mul3A_75 = arith.muli %mul3A_74, %scan3A_73 : i32
        %add3A_76 = arith.constant 1 : i32
        %add3A_77 = arith.addi %mul3A_75, %add3A_76 : i32
        %mul3A_78 = arith.constant 2 : i32
        %mul3A_79 = arith.muli %mul3A_78, %scan3A_73 : i32
        %add3A_80 = arith.constant 2 : i32
        %add3A_81 = arith.addi %mul3A_79, %add3A_80 : i32
        %rem3A = arith.constant 32 : i32
        %rem3A_82 = arith.remsi %add3A_81, %rem3A : i32
        %dma_wait3A_83 = arith.constant 0 : i32
        %dma_wait3A_84 = arith.constant 0 : i32
        %dma_wait3A_85 = tpu.memref_slice %arg8[%dma_wait3A_83, %dma_wait3A_84] : memref<32x128xi32, #tpu.memory_space<vmem>> -> memref<1x128xi32, #tpu.memory_space<vmem>>
        %dma_wait3A_86 = tpu.memref_squeeze %dma_wait3A_85 : memref<1x128xi32, #tpu.memory_space<vmem>> -> memref<128xi32, #tpu.memory_space<vmem>>
        %dma_wait3A_87 = arith.constant 0 : i32
        %dma_wait3A_88 = arith.constant 0 : i32
        %dma_wait3A_89 = tpu.memref_slice %arg2[%dma_wait3A_87, %dma_wait3A_88] : memref<10112x128xf32, #tpu.memory_space<hbm>> -> memref<10112x128xf32, #tpu.memory_space<hbm>>
        tpu.wait_indirect_dma semaphore(%arg13 : memref<!tpu.dma_semaphore, #tpu.memory_space<semaphore_mem>>) src(%dma_wait3A_89 : memref<10112x128xf32, #tpu.memory_space<hbm>>) dst(%arg10 : memref<128x128xf32, #tpu.memory_space<vmem>>)
        %dma_start3A_90 = arith.constant 0 : i32
        %dma_start3A_91 = tpu.memref_slice %arg8[%add3A_77, %dma_start3A_90] : memref<32x128xi32, #tpu.memory_space<vmem>> -> memref<1x128xi32, #tpu.memory_space<vmem>>
        %dma_start3A_92 = tpu.memref_squeeze %dma_start3A_91 : memref<1x128xi32, #tpu.memory_space<vmem>> -> memref<128xi32, #tpu.memory_space<vmem>>
        %dma_start3A_93 = arith.constant 0 : i32
        %dma_start3A_94 = arith.constant 0 : i32
        %dma_start3A_95 = tpu.memref_slice %arg2[%dma_start3A_93, %dma_start3A_94] : memref<10112x128xf32, #tpu.memory_space<hbm>> -> memref<10112x128xf32, #tpu.memory_space<hbm>>
        tpu.enqueue_indirect_dma source(%dma_start3A_95 : memref<10112x128xf32, #tpu.memory_space<hbm>>) target(%arg11 : memref<128x128xf32, #tpu.memory_space<vmem>>) offsets(%dma_start3A_92 : memref<128xi32, #tpu.memory_space<vmem>>) semaphore(%arg14 : memref<!tpu.dma_semaphore, #tpu.memory_space<semaphore_mem>>)
        %mul3A_96 = arith.constant 2 : i32
        %mul3A_97 = arith.muli %mul3A_96, %scan3A_73 : i32
        "tpu.region"() ({
          %run_scoped3A_111 = tpu.sem_alloc : memref<!tpu.dma_semaphore, #tpu.memory_space<semaphore_mem>>
          %dma_start3A_112 = arith.constant 0 : i32
          %dma_start3A_113 = tpu.memref_slice %arg9[%mul3A_97, %dma_start3A_112] : memref<32x128xi32, #tpu.memory_space<vmem>> -> memref<1x128xi32, #tpu.memory_space<vmem>>
          %dma_start3A_114 = tpu.memref_squeeze %dma_start3A_113 : memref<1x128xi32, #tpu.memory_space<vmem>> -> memref<128xi32, #tpu.memory_space<vmem>>
          %dma_start3A_115 = arith.constant 0 : i32
          %dma_start3A_116 = arith.constant 0 : i32
          %dma_start3A_117 = tpu.memref_slice %arg12[%dma_start3A_115, %dma_start3A_116] : memref<10112x128xf32, #tpu.memory_space<vmem_shared>> -> memref<10112x128xf32, #tpu.memory_space<vmem_shared>>
          tpu.enqueue_indirect_dma source(%arg10 : memref<128x128xf32, #tpu.memory_space<vmem>>) target(%dma_start3A_117 : memref<10112x128xf32, #tpu.memory_space<vmem_shared>>) offsets(%dma_start3A_114 : memref<128xi32, #tpu.memory_space<vmem>>) semaphore(%run_scoped3A_111 : memref<!tpu.dma_semaphore, #tpu.memory_space<semaphore_mem>>) {add = true}
          %dma_wait3A_118 = arith.constant 0 : i32
          %dma_wait3A_119 = tpu.memref_slice %arg9[%mul3A_97, %dma_wait3A_118] : memref<32x128xi32, #tpu.memory_space<vmem>> -> memref<1x128xi32, #tpu.memory_space<vmem>>
          %dma_wait3A_120 = tpu.memref_squeeze %dma_wait3A_119 : memref<1x128xi32, #tpu.memory_space<vmem>> -> memref<128xi32, #tpu.memory_space<vmem>>
          %dma_wait3A_121 = arith.constant 0 : i32
          %dma_wait3A_122 = arith.constant 0 : i32
          %dma_wait3A_123 = tpu.memref_slice %arg12[%dma_wait3A_121, %dma_wait3A_122] : memref<10112x128xf32, #tpu.memory_space<vmem_shared>> -> memref<10112x128xf32, #tpu.memory_space<vmem_shared>>
          tpu.wait_indirect_dma semaphore(%run_scoped3A_111 : memref<!tpu.dma_semaphore, #tpu.memory_space<semaphore_mem>>) src(%arg10 : memref<128x128xf32, #tpu.memory_space<vmem>>) dst(%dma_wait3A_123 : memref<10112x128xf32, #tpu.memory_space<vmem_shared>>)
          tpu.yield
        }) : () -> ()
        %dma_wait3A_98 = arith.constant 0 : i32
        %dma_wait3A_99 = arith.constant 0 : i32
        %dma_wait3A_100 = tpu.memref_slice %arg8[%dma_wait3A_98, %dma_wait3A_99] : memref<32x128xi32, #tpu.memory_space<vmem>> -> memref<1x128xi32, #tpu.memory_space<vmem>>
        %dma_wait3A_101 = tpu.memref_squeeze %dma_wait3A_100 : memref<1x128xi32, #tpu.memory_space<vmem>> -> memref<128xi32, #tpu.memory_space<vmem>>
        %dma_wait3A_102 = arith.constant 0 : i32
        %dma_wait3A_103 = arith.constant 0 : i32
        %dma_wait3A_104 = tpu.memref_slice %arg2[%dma_wait3A_102, %dma_wait3A_103] : memref<10112x128xf32, #tpu.memory_space<hbm>> -> memref<10112x128xf32, #tpu.memory_space<hbm>>
        tpu.wait_indirect_dma semaphore(%arg14 : memref<!tpu.dma_semaphore, #tpu.memory_space<semaphore_mem>>) src(%dma_wait3A_104 : memref<10112x128xf32, #tpu.memory_space<hbm>>) dst(%arg11 : memref<128x128xf32, #tpu.memory_space<vmem>>)
        %dma_start3A_105 = arith.constant 0 : i32
        %dma_start3A_106 = tpu.memref_slice %arg8[%rem3A_82, %dma_start3A_105] : memref<32x128xi32, #tpu.memory_space<vmem>> -> memref<1x128xi32, #tpu.memory_space<vmem>>
        %dma_start3A_107 = tpu.memref_squeeze %dma_start3A_106 : memref<1x128xi32, #tpu.memory_space<vmem>> -> memref<128xi32, #tpu.memory_space<vmem>>
        %dma_start3A_108 = arith.constant 0 : i32
        %dma_start3A_109 = arith.constant 0 : i32
        %dma_start3A_110 = tpu.memref_slice %arg2[%dma_start3A_108, %dma_start3A_109] : memref<10112x128xf32, #tpu.memory_space<hbm>> -> memref<10112x128xf32, #tpu.memory_space<hbm>>
        tpu.enqueue_indirect_dma source(%dma_start3A_110 : memref<10112x128xf32, #tpu.memory_space<hbm>>) target(%arg10 : memref<128x128xf32, #tpu.memory_space<vmem>>) offsets(%dma_start3A_107 : memref<128xi32, #tpu.memory_space<vmem>>) semaphore(%arg13 : memref<!tpu.dma_semaphore, #tpu.memory_space<semaphore_mem>>)
        "tpu.region"() ({
          %run_scoped3A_111 = tpu.sem_alloc : memref<!tpu.dma_semaphore, #tpu.memory_space<semaphore_mem>>
          %dma_start3A_112 = arith.constant 0 : i32
          %dma_start3A_113 = tpu.memref_slice %arg9[%add3A_77, %dma_start3A_112] : memref<32x128xi32, #tpu.memory_space<vmem>> -> memref<1x128xi32, #tpu.memory_space<vmem>>
          %dma_start3A_114 = tpu.memref_squeeze %dma_start3A_113 : memref<1x128xi32, #tpu.memory_space<vmem>> -> memref<128xi32, #tpu.memory_space<vmem>>
          %dma_start3A_115 = arith.constant 0 : i32
          %dma_start3A_116 = arith.constant 0 : i32
          %dma_start3A_117 = tpu.memref_slice %arg12[%dma_start3A_115, %dma_start3A_116] : memref<10112x128xf32, #tpu.memory_space<vmem_shared>> -> memref<10112x128xf32, #tpu.memory_space<vmem_shared>>
          tpu.enqueue_indirect_dma source(%arg11 : memref<128x128xf32, #tpu.memory_space<vmem>>) target(%dma_start3A_117 : memref<10112x128xf32, #tpu.memory_space<vmem_shared>>) offsets(%dma_start3A_114 : memref<128xi32, #tpu.memory_space<vmem>>) semaphore(%run_scoped3A_111 : memref<!tpu.dma_semaphore, #tpu.memory_space<semaphore_mem>>) {add = true}
          %dma_wait3A_118 = arith.constant 0 : i32
          %dma_wait3A_119 = tpu.memref_slice %arg9[%add3A_77, %dma_wait3A_118] : memref<32x128xi32, #tpu.memory_space<vmem>> -> memref<1x128xi32, #tpu.memory_space<vmem>>
          %dma_wait3A_120 = tpu.memref_squeeze %dma_wait3A_119 : memref<1x128xi32, #tpu.memory_space<vmem>> -> memref<128xi32, #tpu.memory_space<vmem>>
          %dma_wait3A_121 = arith.constant 0 : i32
          %dma_wait3A_122 = arith.constant 0 : i32
          %dma_wait3A_123 = tpu.memref_slice %arg12[%dma_wait3A_121, %dma_wait3A_122] : memref<10112x128xf32, #tpu.memory_space<vmem_shared>> -> memref<10112x128xf32, #tpu.memory_space<vmem_shared>>
          tpu.wait_indirect_dma semaphore(%run_scoped3A_111 : memref<!tpu.dma_semaphore, #tpu.memory_space<semaphore_mem>>) src(%arg11 : memref<128x128xf32, #tpu.memory_space<vmem>>) dst(%dma_wait3A_123 : memref<10112x128xf32, #tpu.memory_space<vmem_shared>>)
          tpu.yield
        }) : () -> ()
      }
      %scan3A_60 = arith.constant 16 : i32
      %dma_wait3A_61 = arith.constant 0 : i32
      %dma_wait3A_62 = arith.constant 0 : i32
      %dma_wait3A_63 = tpu.memref_slice %arg8[%dma_wait3A_61, %dma_wait3A_62] : memref<32x128xi32, #tpu.memory_space<vmem>> -> memref<1x128xi32, #tpu.memory_space<vmem>>
      %dma_wait3A_64 = tpu.memref_squeeze %dma_wait3A_63 : memref<1x128xi32, #tpu.memory_space<vmem>> -> memref<128xi32, #tpu.memory_space<vmem>>
      %dma_wait3A_65 = arith.constant 0 : i32
      %dma_wait3A_66 = arith.constant 0 : i32
      %dma_wait3A_67 = tpu.memref_slice %arg2[%dma_wait3A_65, %dma_wait3A_66] : memref<10112x128xf32, #tpu.memory_space<hbm>> -> memref<10112x128xf32, #tpu.memory_space<hbm>>
      tpu.wait_indirect_dma semaphore(%arg13 : memref<!tpu.dma_semaphore, #tpu.memory_space<semaphore_mem>>) src(%dma_wait3A_67 : memref<10112x128xf32, #tpu.memory_space<hbm>>) dst(%arg10 : memref<128x128xf32, #tpu.memory_space<vmem>>)
      %barrier3A_68 = arith.constant 0 : index
      tpu.barrier barrier_id(%barrier3A_68)
      %mul3A_69 = arith.constant 632 : i32
      %mul3A_70 = arith.muli %arg1, %mul3A_69 : i32
      %mul3A_71 = arith.constant 632 : i32
      %mul3A_72 = arith.muli %arg1, %mul3A_71 : i32
      %run_scoped3A = arith.constant 0 : i32
      "tpu.region"() ({
        %run_scoped3A_73 = tpu.sem_alloc : memref<!tpu.dma_semaphore, #tpu.memory_space<semaphore_mem>>
        %dma_start3A_74 = arith.constant 0 : i32
        %dma_start3A_75 = arith.constant 0 : i32
        %dma_start3A_76 = tpu.memref_slice %arg7[%run_scoped3A, %dma_start3A_74, %dma_start3A_75] : memref<2x10112x128xf32, #tpu.memory_space<hbm>> -> memref<1x10112x128xf32, #tpu.memory_space<hbm>>
        %dma_start3A_77 = tpu.memref_squeeze %dma_start3A_76 : memref<1x10112x128xf32, #tpu.memory_space<hbm>> -> memref<10112x128xf32, #tpu.memory_space<hbm>>
        %dma_start3A_78 = arith.constant 0 : i32
        %dma_start3A_79 = tpu.memref_slice %dma_start3A_77[%mul3A_72, %dma_start3A_78] : memref<10112x128xf32, #tpu.memory_space<hbm>> -> memref<632x128xf32, #tpu.memory_space<hbm>>
        %dma_start3A_80 = arith.constant 0 : i32
        %dma_start3A_81 = tpu.memref_slice %arg12[%mul3A_70, %dma_start3A_80] : memref<10112x128xf32, #tpu.memory_space<vmem_shared>> -> memref<632x128xf32, #tpu.memory_space<vmem_shared>>
        tpu.enqueue_dma source(%dma_start3A_81 : memref<632x128xf32, #tpu.memory_space<vmem_shared>>) target(%dma_start3A_79 : memref<632x128xf32, #tpu.memory_space<hbm>>) target_semaphore(%run_scoped3A_73 : memref<!tpu.dma_semaphore, #tpu.memory_space<semaphore_mem>>)
        %dma_wait3A_82 = arith.constant 0 : i32
        %dma_wait3A_83 = arith.constant 0 : i32
        %dma_wait3A_84 = tpu.memref_slice %arg7[%run_scoped3A, %dma_wait3A_82, %dma_wait3A_83] : memref<2x10112x128xf32, #tpu.memory_space<hbm>> -> memref<1x10112x128xf32, #tpu.memory_space<hbm>>
        %dma_wait3A_85 = tpu.memref_squeeze %dma_wait3A_84 : memref<1x10112x128xf32, #tpu.memory_space<hbm>> -> memref<10112x128xf32, #tpu.memory_space<hbm>>
        %dma_wait3A_86 = arith.constant 0 : i32
        %dma_wait3A_87 = tpu.memref_slice %dma_wait3A_85[%mul3A_72, %dma_wait3A_86] : memref<10112x128xf32, #tpu.memory_space<hbm>> -> memref<632x128xf32, #tpu.memory_space<hbm>>
        %dma_wait3A_88 = arith.constant 0 : i32
        %dma_wait3A_89 = tpu.memref_slice %arg12[%mul3A_70, %dma_wait3A_88] : memref<10112x128xf32, #tpu.memory_space<vmem_shared>> -> memref<632x128xf32, #tpu.memory_space<vmem_shared>>
        tpu.wait_dma2 semaphore(%run_scoped3A_73 : memref<!tpu.dma_semaphore, #tpu.memory_space<semaphore_mem>>) src(%dma_wait3A_89 : memref<632x128xf32, #tpu.memory_space<vmem_shared>>) dst(%dma_wait3A_87 : memref<632x128xf32, #tpu.memory_space<hbm>>)
        tpu.yield
      }) : () -> ()
    } else {
    }
    %eq3A_2 = arith.constant 1 : i32
    %eq3A_3 = arith.cmpi eq, %arg0, %eq3A_2 : i32
    %convert_element_type3A_4 = arith.extui %eq3A_3 : i1 to i32
    %cond3A_5 = arith.constant 0 : i32
    %cond3A_6 = arith.cmpi ne, %convert_element_type3A_4, %cond3A_5 : i32
    scf.if %cond3A_6 {
      %add3A = arith.constant 16 : i32
      %add3A_7 = arith.addi %add3A, %arg1 : i32
      "tpu.region"() ({
        %run_scoped3A_73 = tpu.sem_alloc : memref<!tpu.dma_semaphore, #tpu.memory_space<semaphore_mem>>
        %dma_start3A_74 = arith.constant 0 : i32
        %dma_start3A_75 = arith.constant 0 : i32
        %dma_start3A_76 = tpu.memref_slice %arg8[%dma_start3A_74, %dma_start3A_75] : memref<32x128xi32, #tpu.memory_space<vmem>> -> memref<16x128xi32, #tpu.memory_space<vmem>>
        %dma_start3A_77 = arith.constant 0 : i32
        %dma_start3A_78 = arith.constant 0 : i32
        %dma_start3A_79 = tpu.memref_slice %arg6[%add3A_7, %dma_start3A_77, %dma_start3A_78] : memref<32x16x128xi32, #tpu.memory_space<hbm>> -> memref<1x16x128xi32, #tpu.memory_space<hbm>>
        %dma_start3A_80 = tpu.memref_squeeze %dma_start3A_79 : memref<1x16x128xi32, #tpu.memory_space<hbm>> -> memref<16x128xi32, #tpu.memory_space<hbm>>
        %dma_start3A_81 = arith.constant 0 : i32
        %dma_start3A_82 = arith.constant 0 : i32
        %dma_start3A_83 = tpu.memref_slice %arg8[%dma_start3A_81, %dma_start3A_82] : memref<32x128xi32, #tpu.memory_space<vmem>> -> memref<16x128xi32, #tpu.memory_space<vmem>>
        %dma_start3A_84 = arith.constant 0 : i32
        %dma_start3A_85 = arith.constant 0 : i32
        %dma_start3A_86 = tpu.memref_slice %arg6[%add3A_7, %dma_start3A_84, %dma_start3A_85] : memref<32x16x128xi32, #tpu.memory_space<hbm>> -> memref<1x16x128xi32, #tpu.memory_space<hbm>>
        %dma_start3A_87 = tpu.memref_squeeze %dma_start3A_86 : memref<1x16x128xi32, #tpu.memory_space<hbm>> -> memref<16x128xi32, #tpu.memory_space<hbm>>
        tpu.enqueue_dma source(%dma_start3A_87 : memref<16x128xi32, #tpu.memory_space<hbm>>) target(%dma_start3A_83 : memref<16x128xi32, #tpu.memory_space<vmem>>) target_semaphore(%run_scoped3A_73 : memref<!tpu.dma_semaphore, #tpu.memory_space<semaphore_mem>>)
        %dma_wait3A_88 = arith.constant 0 : i32
        %dma_wait3A_89 = arith.constant 0 : i32
        %dma_wait3A_90 = tpu.memref_slice %arg8[%dma_wait3A_88, %dma_wait3A_89] : memref<32x128xi32, #tpu.memory_space<vmem>> -> memref<16x128xi32, #tpu.memory_space<vmem>>
        %dma_wait3A_91 = arith.constant 0 : i32
        %dma_wait3A_92 = arith.constant 0 : i32
        %dma_wait3A_93 = tpu.memref_slice %arg6[%add3A_7, %dma_wait3A_91, %dma_wait3A_92] : memref<32x16x128xi32, #tpu.memory_space<hbm>> -> memref<1x16x128xi32, #tpu.memory_space<hbm>>
        %dma_wait3A_94 = tpu.memref_squeeze %dma_wait3A_93 : memref<1x16x128xi32, #tpu.memory_space<hbm>> -> memref<16x128xi32, #tpu.memory_space<hbm>>
        %dma_wait3A_95 = arith.constant 0 : i32
        %dma_wait3A_96 = arith.constant 0 : i32
        %dma_wait3A_97 = tpu.memref_slice %arg8[%dma_wait3A_95, %dma_wait3A_96] : memref<32x128xi32, #tpu.memory_space<vmem>> -> memref<16x128xi32, #tpu.memory_space<vmem>>
        %dma_wait3A_98 = arith.constant 0 : i32
        %dma_wait3A_99 = arith.constant 0 : i32
        %dma_wait3A_100 = tpu.memref_slice %arg6[%add3A_7, %dma_wait3A_98, %dma_wait3A_99] : memref<32x16x128xi32, #tpu.memory_space<hbm>> -> memref<1x16x128xi32, #tpu.memory_space<hbm>>
        %dma_wait3A_101 = tpu.memref_squeeze %dma_wait3A_100 : memref<1x16x128xi32, #tpu.memory_space<hbm>> -> memref<16x128xi32, #tpu.memory_space<hbm>>
        tpu.wait_dma2 semaphore(%run_scoped3A_73 : memref<!tpu.dma_semaphore, #tpu.memory_space<semaphore_mem>>) src(%dma_wait3A_101 : memref<16x128xi32, #tpu.memory_space<hbm>>) dst(%dma_wait3A_97 : memref<16x128xi32, #tpu.memory_space<vmem>>)
        tpu.yield
      }) : () -> ()
      "tpu.region"() ({
        %run_scoped3A_73 = tpu.sem_alloc : memref<!tpu.dma_semaphore, #tpu.memory_space<semaphore_mem>>
        %dma_start3A_74 = arith.constant 0 : i32
        %dma_start3A_75 = arith.constant 0 : i32
        %dma_start3A_76 = tpu.memref_slice %arg9[%dma_start3A_74, %dma_start3A_75] : memref<32x128xi32, #tpu.memory_space<vmem>> -> memref<16x128xi32, #tpu.memory_space<vmem>>
        %dma_start3A_77 = arith.constant 0 : i32
        %dma_start3A_78 = arith.constant 0 : i32
        %dma_start3A_79 = tpu.memref_slice %arg5[%add3A_7, %dma_start3A_77, %dma_start3A_78] : memref<32x16x128xi32, #tpu.memory_space<hbm>> -> memref<1x16x128xi32, #tpu.memory_space<hbm>>
        %dma_start3A_80 = tpu.memref_squeeze %dma_start3A_79 : memref<1x16x128xi32, #tpu.memory_space<hbm>> -> memref<16x128xi32, #tpu.memory_space<hbm>>
        %dma_start3A_81 = arith.constant 0 : i32
        %dma_start3A_82 = arith.constant 0 : i32
        %dma_start3A_83 = tpu.memref_slice %arg9[%dma_start3A_81, %dma_start3A_82] : memref<32x128xi32, #tpu.memory_space<vmem>> -> memref<16x128xi32, #tpu.memory_space<vmem>>
        %dma_start3A_84 = arith.constant 0 : i32
        %dma_start3A_85 = arith.constant 0 : i32
        %dma_start3A_86 = tpu.memref_slice %arg5[%add3A_7, %dma_start3A_84, %dma_start3A_85] : memref<32x16x128xi32, #tpu.memory_space<hbm>> -> memref<1x16x128xi32, #tpu.memory_space<hbm>>
        %dma_start3A_87 = tpu.memref_squeeze %dma_start3A_86 : memref<1x16x128xi32, #tpu.memory_space<hbm>> -> memref<16x128xi32, #tpu.memory_space<hbm>>
        tpu.enqueue_dma source(%dma_start3A_87 : memref<16x128xi32, #tpu.memory_space<hbm>>) target(%dma_start3A_83 : memref<16x128xi32, #tpu.memory_space<vmem>>) target_semaphore(%run_scoped3A_73 : memref<!tpu.dma_semaphore, #tpu.memory_space<semaphore_mem>>)
        %dma_wait3A_88 = arith.constant 0 : i32
        %dma_wait3A_89 = arith.constant 0 : i32
        %dma_wait3A_90 = tpu.memref_slice %arg9[%dma_wait3A_88, %dma_wait3A_89] : memref<32x128xi32, #tpu.memory_space<vmem>> -> memref<16x128xi32, #tpu.memory_space<vmem>>
        %dma_wait3A_91 = arith.constant 0 : i32
        %dma_wait3A_92 = arith.constant 0 : i32
        %dma_wait3A_93 = tpu.memref_slice %arg5[%add3A_7, %dma_wait3A_91, %dma_wait3A_92] : memref<32x16x128xi32, #tpu.memory_space<hbm>> -> memref<1x16x128xi32, #tpu.memory_space<hbm>>
        %dma_wait3A_94 = tpu.memref_squeeze %dma_wait3A_93 : memref<1x16x128xi32, #tpu.memory_space<hbm>> -> memref<16x128xi32, #tpu.memory_space<hbm>>
        %dma_wait3A_95 = arith.constant 0 : i32
        %dma_wait3A_96 = arith.constant 0 : i32
        %dma_wait3A_97 = tpu.memref_slice %arg9[%dma_wait3A_95, %dma_wait3A_96] : memref<32x128xi32, #tpu.memory_space<vmem>> -> memref<16x128xi32, #tpu.memory_space<vmem>>
        %dma_wait3A_98 = arith.constant 0 : i32
        %dma_wait3A_99 = arith.constant 0 : i32
        %dma_wait3A_100 = tpu.memref_slice %arg5[%add3A_7, %dma_wait3A_98, %dma_wait3A_99] : memref<32x16x128xi32, #tpu.memory_space<hbm>> -> memref<1x16x128xi32, #tpu.memory_space<hbm>>
        %dma_wait3A_101 = tpu.memref_squeeze %dma_wait3A_100 : memref<1x16x128xi32, #tpu.memory_space<hbm>> -> memref<16x128xi32, #tpu.memory_space<hbm>>
        tpu.wait_dma2 semaphore(%run_scoped3A_73 : memref<!tpu.dma_semaphore, #tpu.memory_space<semaphore_mem>>) src(%dma_wait3A_101 : memref<16x128xi32, #tpu.memory_space<hbm>>) dst(%dma_wait3A_97 : memref<16x128xi32, #tpu.memory_space<vmem>>)
        tpu.yield
      }) : () -> ()
      %dma_start3A = arith.constant 0 : i32
      %dma_start3A_8 = arith.constant 0 : i32
      %dma_start3A_9 = tpu.memref_slice %arg8[%dma_start3A, %dma_start3A_8] : memref<32x128xi32, #tpu.memory_space<vmem>> -> memref<1x128xi32, #tpu.memory_space<vmem>>
      %dma_start3A_10 = tpu.memref_squeeze %dma_start3A_9 : memref<1x128xi32, #tpu.memory_space<vmem>> -> memref<128xi32, #tpu.memory_space<vmem>>
      %dma_start3A_11 = arith.constant 0 : i32
      %dma_start3A_12 = arith.constant 0 : i32
      %dma_start3A_13 = tpu.memref_slice %arg2[%dma_start3A_11, %dma_start3A_12] : memref<10112x128xf32, #tpu.memory_space<hbm>> -> memref<10112x128xf32, #tpu.memory_space<hbm>>
      tpu.enqueue_indirect_dma source(%dma_start3A_13 : memref<10112x128xf32, #tpu.memory_space<hbm>>) target(%arg10 : memref<128x128xf32, #tpu.memory_space<vmem>>) offsets(%dma_start3A_10 : memref<128xi32, #tpu.memory_space<vmem>>) semaphore(%arg13 : memref<!tpu.dma_semaphore, #tpu.memory_space<semaphore_mem>>)
      %mul3A = arith.constant 632 : i32
      %mul3A_14 = arith.muli %arg1, %mul3A : i32
      %mul3A_15 = arith.constant 632 : i32
      %mul3A_16 = arith.muli %arg1, %mul3A_15 : i32
      "tpu.region"() ({
        %run_scoped3A_73 = tpu.sem_alloc : memref<!tpu.dma_semaphore, #tpu.memory_space<semaphore_mem>>
        %dma_start3A_74 = arith.constant 0 : i32
        %dma_start3A_75 = tpu.memref_slice %arg12[%mul3A_16, %dma_start3A_74] : memref<10112x128xf32, #tpu.memory_space<vmem_shared>> -> memref<632x128xf32, #tpu.memory_space<vmem_shared>>
        %dma_start3A_76 = arith.constant 0 : i32
        %dma_start3A_77 = tpu.memref_slice %arg2[%mul3A_14, %dma_start3A_76] : memref<10112x128xf32, #tpu.memory_space<hbm>> -> memref<632x128xf32, #tpu.memory_space<hbm>>
        tpu.enqueue_dma source(%dma_start3A_77 : memref<632x128xf32, #tpu.memory_space<hbm>>) target(%dma_start3A_75 : memref<632x128xf32, #tpu.memory_space<vmem_shared>>) target_semaphore(%run_scoped3A_73 : memref<!tpu.dma_semaphore, #tpu.memory_space<semaphore_mem>>)
        %dma_wait3A_78 = arith.constant 0 : i32
        %dma_wait3A_79 = tpu.memref_slice %arg12[%mul3A_16, %dma_wait3A_78] : memref<10112x128xf32, #tpu.memory_space<vmem_shared>> -> memref<632x128xf32, #tpu.memory_space<vmem_shared>>
        %dma_wait3A_80 = arith.constant 0 : i32
        %dma_wait3A_81 = tpu.memref_slice %arg2[%mul3A_14, %dma_wait3A_80] : memref<10112x128xf32, #tpu.memory_space<hbm>> -> memref<632x128xf32, #tpu.memory_space<hbm>>
        tpu.wait_dma2 semaphore(%run_scoped3A_73 : memref<!tpu.dma_semaphore, #tpu.memory_space<semaphore_mem>>) src(%dma_wait3A_81 : memref<632x128xf32, #tpu.memory_space<hbm>>) dst(%dma_wait3A_79 : memref<632x128xf32, #tpu.memory_space<vmem_shared>>)
        tpu.yield
      }) : () -> ()
      %barrier3A = arith.constant 0 : index
      tpu.barrier barrier_id(%barrier3A)
      %scan3A = arith.constant 0 : i32
      %scan3A_17 = arith.constant 0 : i32
      %scan3A_18 = arith.constant 8 : i32
      %scan3A_19 = arith.addi %scan3A_17, %scan3A_18 : i32
      %scan3A_20 = arith.constant 1 : i32
      scf.for %scan3A_73 = %scan3A_17 to %scan3A_19 step %scan3A_20  : i32 {
        %mul3A_74 = arith.constant 2 : i32
        %mul3A_75 = arith.muli %mul3A_74, %scan3A_73 : i32
        %add3A_76 = arith.constant 1 : i32
        %add3A_77 = arith.addi %mul3A_75, %add3A_76 : i32
        %mul3A_78 = arith.constant 2 : i32
        %mul3A_79 = arith.muli %mul3A_78, %scan3A_73 : i32
        %add3A_80 = arith.constant 2 : i32
        %add3A_81 = arith.addi %mul3A_79, %add3A_80 : i32
        %rem3A = arith.constant 16 : i32
        %rem3A_82 = arith.remsi %add3A_81, %rem3A : i32
        %dma_wait3A_83 = arith.constant 0 : i32
        %dma_wait3A_84 = arith.constant 0 : i32
        %dma_wait3A_85 = tpu.memref_slice %arg8[%dma_wait3A_83, %dma_wait3A_84] : memref<32x128xi32, #tpu.memory_space<vmem>> -> memref<1x128xi32, #tpu.memory_space<vmem>>
        %dma_wait3A_86 = tpu.memref_squeeze %dma_wait3A_85 : memref<1x128xi32, #tpu.memory_space<vmem>> -> memref<128xi32, #tpu.memory_space<vmem>>
        %dma_wait3A_87 = arith.constant 0 : i32
        %dma_wait3A_88 = arith.constant 0 : i32
        %dma_wait3A_89 = tpu.memref_slice %arg2[%dma_wait3A_87, %dma_wait3A_88] : memref<10112x128xf32, #tpu.memory_space<hbm>> -> memref<10112x128xf32, #tpu.memory_space<hbm>>
        tpu.wait_indirect_dma semaphore(%arg13 : memref<!tpu.dma_semaphore, #tpu.memory_space<semaphore_mem>>) src(%dma_wait3A_89 : memref<10112x128xf32, #tpu.memory_space<hbm>>) dst(%arg10 : memref<128x128xf32, #tpu.memory_space<vmem>>)
        %dma_start3A_90 = arith.constant 0 : i32
        %dma_start3A_91 = tpu.memref_slice %arg8[%add3A_77, %dma_start3A_90] : memref<32x128xi32, #tpu.memory_space<vmem>> -> memref<1x128xi32, #tpu.memory_space<vmem>>
        %dma_start3A_92 = tpu.memref_squeeze %dma_start3A_91 : memref<1x128xi32, #tpu.memory_space<vmem>> -> memref<128xi32, #tpu.memory_space<vmem>>
        %dma_start3A_93 = arith.constant 0 : i32
        %dma_start3A_94 = arith.constant 0 : i32
        %dma_start3A_95 = tpu.memref_slice %arg2[%dma_start3A_93, %dma_start3A_94] : memref<10112x128xf32, #tpu.memory_space<hbm>> -> memref<10112x128xf32, #tpu.memory_space<hbm>>
        tpu.enqueue_indirect_dma source(%dma_start3A_95 : memref<10112x128xf32, #tpu.memory_space<hbm>>) target(%arg11 : memref<128x128xf32, #tpu.memory_space<vmem>>) offsets(%dma_start3A_92 : memref<128xi32, #tpu.memory_space<vmem>>) semaphore(%arg14 : memref<!tpu.dma_semaphore, #tpu.memory_space<semaphore_mem>>)
        %mul3A_96 = arith.constant 2 : i32
        %mul3A_97 = arith.muli %mul3A_96, %scan3A_73 : i32
        "tpu.region"() ({
          %run_scoped3A_111 = tpu.sem_alloc : memref<!tpu.dma_semaphore, #tpu.memory_space<semaphore_mem>>
          %dma_start3A_112 = arith.constant 0 : i32
          %dma_start3A_113 = tpu.memref_slice %arg9[%mul3A_97, %dma_start3A_112] : memref<32x128xi32, #tpu.memory_space<vmem>> -> memref<1x128xi32, #tpu.memory_space<vmem>>
          %dma_start3A_114 = tpu.memref_squeeze %dma_start3A_113 : memref<1x128xi32, #tpu.memory_space<vmem>> -> memref<128xi32, #tpu.memory_space<vmem>>
          %dma_start3A_115 = arith.constant 0 : i32
          %dma_start3A_116 = arith.constant 0 : i32
          %dma_start3A_117 = tpu.memref_slice %arg12[%dma_start3A_115, %dma_start3A_116] : memref<10112x128xf32, #tpu.memory_space<vmem_shared>> -> memref<10112x128xf32, #tpu.memory_space<vmem_shared>>
          tpu.enqueue_indirect_dma source(%arg10 : memref<128x128xf32, #tpu.memory_space<vmem>>) target(%dma_start3A_117 : memref<10112x128xf32, #tpu.memory_space<vmem_shared>>) offsets(%dma_start3A_114 : memref<128xi32, #tpu.memory_space<vmem>>) semaphore(%run_scoped3A_111 : memref<!tpu.dma_semaphore, #tpu.memory_space<semaphore_mem>>) {add = true}
          %dma_wait3A_118 = arith.constant 0 : i32
          %dma_wait3A_119 = tpu.memref_slice %arg9[%mul3A_97, %dma_wait3A_118] : memref<32x128xi32, #tpu.memory_space<vmem>> -> memref<1x128xi32, #tpu.memory_space<vmem>>
          %dma_wait3A_120 = tpu.memref_squeeze %dma_wait3A_119 : memref<1x128xi32, #tpu.memory_space<vmem>> -> memref<128xi32, #tpu.memory_space<vmem>>
          %dma_wait3A_121 = arith.constant 0 : i32
          %dma_wait3A_122 = arith.constant 0 : i32
          %dma_wait3A_123 = tpu.memref_slice %arg12[%dma_wait3A_121, %dma_wait3A_122] : memref<10112x128xf32, #tpu.memory_space<vmem_shared>> -> memref<10112x128xf32, #tpu.memory_space<vmem_shared>>
          tpu.wait_indirect_dma semaphore(%run_scoped3A_111 : memref<!tpu.dma_semaphore, #tpu.memory_space<semaphore_mem>>) src(%arg10 : memref<128x128xf32, #tpu.memory_space<vmem>>) dst(%dma_wait3A_123 : memref<10112x128xf32, #tpu.memory_space<vmem_shared>>)
          tpu.yield
        }) : () -> ()
        %dma_wait3A_98 = arith.constant 0 : i32
        %dma_wait3A_99 = arith.constant 0 : i32
        %dma_wait3A_100 = tpu.memref_slice %arg8[%dma_wait3A_98, %dma_wait3A_99] : memref<32x128xi32, #tpu.memory_space<vmem>> -> memref<1x128xi32, #tpu.memory_space<vmem>>
        %dma_wait3A_101 = tpu.memref_squeeze %dma_wait3A_100 : memref<1x128xi32, #tpu.memory_space<vmem>> -> memref<128xi32, #tpu.memory_space<vmem>>
        %dma_wait3A_102 = arith.constant 0 : i32
        %dma_wait3A_103 = arith.constant 0 : i32
        %dma_wait3A_104 = tpu.memref_slice %arg2[%dma_wait3A_102, %dma_wait3A_103] : memref<10112x128xf32, #tpu.memory_space<hbm>> -> memref<10112x128xf32, #tpu.memory_space<hbm>>
        tpu.wait_indirect_dma semaphore(%arg14 : memref<!tpu.dma_semaphore, #tpu.memory_space<semaphore_mem>>) src(%dma_wait3A_104 : memref<10112x128xf32, #tpu.memory_space<hbm>>) dst(%arg11 : memref<128x128xf32, #tpu.memory_space<vmem>>)
        %dma_start3A_105 = arith.constant 0 : i32
        %dma_start3A_106 = tpu.memref_slice %arg8[%rem3A_82, %dma_start3A_105] : memref<32x128xi32, #tpu.memory_space<vmem>> -> memref<1x128xi32, #tpu.memory_space<vmem>>
        %dma_start3A_107 = tpu.memref_squeeze %dma_start3A_106 : memref<1x128xi32, #tpu.memory_space<vmem>> -> memref<128xi32, #tpu.memory_space<vmem>>
        %dma_start3A_108 = arith.constant 0 : i32
        %dma_start3A_109 = arith.constant 0 : i32
        %dma_start3A_110 = tpu.memref_slice %arg2[%dma_start3A_108, %dma_start3A_109] : memref<10112x128xf32, #tpu.memory_space<hbm>> -> memref<10112x128xf32, #tpu.memory_space<hbm>>
        tpu.enqueue_indirect_dma source(%dma_start3A_110 : memref<10112x128xf32, #tpu.memory_space<hbm>>) target(%arg10 : memref<128x128xf32, #tpu.memory_space<vmem>>) offsets(%dma_start3A_107 : memref<128xi32, #tpu.memory_space<vmem>>) semaphore(%arg13 : memref<!tpu.dma_semaphore, #tpu.memory_space<semaphore_mem>>)
        "tpu.region"() ({
          %run_scoped3A_111 = tpu.sem_alloc : memref<!tpu.dma_semaphore, #tpu.memory_space<semaphore_mem>>
          %dma_start3A_112 = arith.constant 0 : i32
          %dma_start3A_113 = tpu.memref_slice %arg9[%add3A_77, %dma_start3A_112] : memref<32x128xi32, #tpu.memory_space<vmem>> -> memref<1x128xi32, #tpu.memory_space<vmem>>
          %dma_start3A_114 = tpu.memref_squeeze %dma_start3A_113 : memref<1x128xi32, #tpu.memory_space<vmem>> -> memref<128xi32, #tpu.memory_space<vmem>>
          %dma_start3A_115 = arith.constant 0 : i32
          %dma_start3A_116 = arith.constant 0 : i32
          %dma_start3A_117 = tpu.memref_slice %arg12[%dma_start3A_115, %dma_start3A_116] : memref<10112x128xf32, #tpu.memory_space<vmem_shared>> -> memref<10112x128xf32, #tpu.memory_space<vmem_shared>>
          tpu.enqueue_indirect_dma source(%arg11 : memref<128x128xf32, #tpu.memory_space<vmem>>) target(%dma_start3A_117 : memref<10112x128xf32, #tpu.memory_space<vmem_shared>>) offsets(%dma_start3A_114 : memref<128xi32, #tpu.memory_space<vmem>>) semaphore(%run_scoped3A_111 : memref<!tpu.dma_semaphore, #tpu.memory_space<semaphore_mem>>) {add = true}
          %dma_wait3A_118 = arith.constant 0 : i32
          %dma_wait3A_119 = tpu.memref_slice %arg9[%add3A_77, %dma_wait3A_118] : memref<32x128xi32, #tpu.memory_space<vmem>> -> memref<1x128xi32, #tpu.memory_space<vmem>>
          %dma_wait3A_120 = tpu.memref_squeeze %dma_wait3A_119 : memref<1x128xi32, #tpu.memory_space<vmem>> -> memref<128xi32, #tpu.memory_space<vmem>>
          %dma_wait3A_121 = arith.constant 0 : i32
          %dma_wait3A_122 = arith.constant 0 : i32
          %dma_wait3A_123 = tpu.memref_slice %arg12[%dma_wait3A_121, %dma_wait3A_122] : memref<10112x128xf32, #tpu.memory_space<vmem_shared>> -> memref<10112x128xf32, #tpu.memory_space<vmem_shared>>
          tpu.wait_indirect_dma semaphore(%run_scoped3A_111 : memref<!tpu.dma_semaphore, #tpu.memory_space<semaphore_mem>>) src(%arg11 : memref<128x128xf32, #tpu.memory_space<vmem>>) dst(%dma_wait3A_123 : memref<10112x128xf32, #tpu.memory_space<vmem_shared>>)
          tpu.yield
        }) : () -> ()
      }
      %scan3A_21 = arith.constant 8 : i32
      %dma_wait3A = arith.constant 0 : i32
      %dma_wait3A_22 = arith.constant 0 : i32
      %dma_wait3A_23 = tpu.memref_slice %arg8[%dma_wait3A, %dma_wait3A_22] : memref<32x128xi32, #tpu.memory_space<vmem>> -> memref<1x128xi32, #tpu.memory_space<vmem>>
      %dma_wait3A_24 = tpu.memref_squeeze %dma_wait3A_23 : memref<1x128xi32, #tpu.memory_space<vmem>> -> memref<128xi32, #tpu.memory_space<vmem>>
      %dma_wait3A_25 = arith.constant 0 : i32
      %dma_wait3A_26 = arith.constant 0 : i32
      %dma_wait3A_27 = tpu.memref_slice %arg2[%dma_wait3A_25, %dma_wait3A_26] : memref<10112x128xf32, #tpu.memory_space<hbm>> -> memref<10112x128xf32, #tpu.memory_space<hbm>>
      tpu.wait_indirect_dma semaphore(%arg13 : memref<!tpu.dma_semaphore, #tpu.memory_space<semaphore_mem>>) src(%dma_wait3A_27 : memref<10112x128xf32, #tpu.memory_space<hbm>>) dst(%arg10 : memref<128x128xf32, #tpu.memory_space<vmem>>)
      "tpu.region"() ({
        %run_scoped3A_73 = tpu.sem_alloc : memref<!tpu.dma_semaphore, #tpu.memory_space<semaphore_mem>>
        %dma_start3A_74 = arith.constant 0 : i32
        %dma_start3A_75 = arith.constant 0 : i32
        %dma_start3A_76 = tpu.memref_slice %arg4[%add3A_7, %dma_start3A_74, %dma_start3A_75] : memref<32x64x128xi32, #tpu.memory_space<hbm>> -> memref<1x64x128xi32, #tpu.memory_space<hbm>>
        %dma_start3A_77 = tpu.memref_squeeze %dma_start3A_76 : memref<1x64x128xi32, #tpu.memory_space<hbm>> -> memref<64x128xi32, #tpu.memory_space<hbm>>
        %dma_start3A_78 = arith.constant 0 : i32
        %dma_start3A_79 = arith.constant 0 : i32
        %dma_start3A_80 = tpu.memref_slice %dma_start3A_77[%dma_start3A_78, %dma_start3A_79] : memref<64x128xi32, #tpu.memory_space<hbm>> -> memref<32x128xi32, #tpu.memory_space<hbm>>
        %dma_start3A_81 = arith.constant 0 : i32
        %dma_start3A_82 = arith.constant 0 : i32
        %dma_start3A_83 = tpu.memref_slice %arg4[%add3A_7, %dma_start3A_81, %dma_start3A_82] : memref<32x64x128xi32, #tpu.memory_space<hbm>> -> memref<1x64x128xi32, #tpu.memory_space<hbm>>
        %dma_start3A_84 = tpu.memref_squeeze %dma_start3A_83 : memref<1x64x128xi32, #tpu.memory_space<hbm>> -> memref<64x128xi32, #tpu.memory_space<hbm>>
        %dma_start3A_85 = arith.constant 0 : i32
        %dma_start3A_86 = arith.constant 0 : i32
        %dma_start3A_87 = tpu.memref_slice %dma_start3A_84[%dma_start3A_85, %dma_start3A_86] : memref<64x128xi32, #tpu.memory_space<hbm>> -> memref<32x128xi32, #tpu.memory_space<hbm>>
        tpu.enqueue_dma source(%dma_start3A_87 : memref<32x128xi32, #tpu.memory_space<hbm>>) target(%arg8 : memref<32x128xi32, #tpu.memory_space<vmem>>) target_semaphore(%run_scoped3A_73 : memref<!tpu.dma_semaphore, #tpu.memory_space<semaphore_mem>>)
        %dma_wait3A_88 = arith.constant 0 : i32
        %dma_wait3A_89 = arith.constant 0 : i32
        %dma_wait3A_90 = tpu.memref_slice %arg4[%add3A_7, %dma_wait3A_88, %dma_wait3A_89] : memref<32x64x128xi32, #tpu.memory_space<hbm>> -> memref<1x64x128xi32, #tpu.memory_space<hbm>>
        %dma_wait3A_91 = tpu.memref_squeeze %dma_wait3A_90 : memref<1x64x128xi32, #tpu.memory_space<hbm>> -> memref<64x128xi32, #tpu.memory_space<hbm>>
        %dma_wait3A_92 = arith.constant 0 : i32
        %dma_wait3A_93 = arith.constant 0 : i32
        %dma_wait3A_94 = tpu.memref_slice %dma_wait3A_91[%dma_wait3A_92, %dma_wait3A_93] : memref<64x128xi32, #tpu.memory_space<hbm>> -> memref<32x128xi32, #tpu.memory_space<hbm>>
        %dma_wait3A_95 = arith.constant 0 : i32
        %dma_wait3A_96 = arith.constant 0 : i32
        %dma_wait3A_97 = tpu.memref_slice %arg4[%add3A_7, %dma_wait3A_95, %dma_wait3A_96] : memref<32x64x128xi32, #tpu.memory_space<hbm>> -> memref<1x64x128xi32, #tpu.memory_space<hbm>>
        %dma_wait3A_98 = tpu.memref_squeeze %dma_wait3A_97 : memref<1x64x128xi32, #tpu.memory_space<hbm>> -> memref<64x128xi32, #tpu.memory_space<hbm>>
        %dma_wait3A_99 = arith.constant 0 : i32
        %dma_wait3A_100 = arith.constant 0 : i32
        %dma_wait3A_101 = tpu.memref_slice %dma_wait3A_98[%dma_wait3A_99, %dma_wait3A_100] : memref<64x128xi32, #tpu.memory_space<hbm>> -> memref<32x128xi32, #tpu.memory_space<hbm>>
        tpu.wait_dma2 semaphore(%run_scoped3A_73 : memref<!tpu.dma_semaphore, #tpu.memory_space<semaphore_mem>>) src(%dma_wait3A_101 : memref<32x128xi32, #tpu.memory_space<hbm>>) dst(%arg8 : memref<32x128xi32, #tpu.memory_space<vmem>>)
        tpu.yield
      }) : () -> ()
      "tpu.region"() ({
        %run_scoped3A_73 = tpu.sem_alloc : memref<!tpu.dma_semaphore, #tpu.memory_space<semaphore_mem>>
        %dma_start3A_74 = arith.constant 0 : i32
        %dma_start3A_75 = arith.constant 0 : i32
        %dma_start3A_76 = tpu.memref_slice %arg3[%add3A_7, %dma_start3A_74, %dma_start3A_75] : memref<32x64x128xi32, #tpu.memory_space<hbm>> -> memref<1x64x128xi32, #tpu.memory_space<hbm>>
        %dma_start3A_77 = tpu.memref_squeeze %dma_start3A_76 : memref<1x64x128xi32, #tpu.memory_space<hbm>> -> memref<64x128xi32, #tpu.memory_space<hbm>>
        %dma_start3A_78 = arith.constant 0 : i32
        %dma_start3A_79 = arith.constant 0 : i32
        %dma_start3A_80 = tpu.memref_slice %dma_start3A_77[%dma_start3A_78, %dma_start3A_79] : memref<64x128xi32, #tpu.memory_space<hbm>> -> memref<32x128xi32, #tpu.memory_space<hbm>>
        %dma_start3A_81 = arith.constant 0 : i32
        %dma_start3A_82 = arith.constant 0 : i32
        %dma_start3A_83 = tpu.memref_slice %arg3[%add3A_7, %dma_start3A_81, %dma_start3A_82] : memref<32x64x128xi32, #tpu.memory_space<hbm>> -> memref<1x64x128xi32, #tpu.memory_space<hbm>>
        %dma_start3A_84 = tpu.memref_squeeze %dma_start3A_83 : memref<1x64x128xi32, #tpu.memory_space<hbm>> -> memref<64x128xi32, #tpu.memory_space<hbm>>
        %dma_start3A_85 = arith.constant 0 : i32
        %dma_start3A_86 = arith.constant 0 : i32
        %dma_start3A_87 = tpu.memref_slice %dma_start3A_84[%dma_start3A_85, %dma_start3A_86] : memref<64x128xi32, #tpu.memory_space<hbm>> -> memref<32x128xi32, #tpu.memory_space<hbm>>
        tpu.enqueue_dma source(%dma_start3A_87 : memref<32x128xi32, #tpu.memory_space<hbm>>) target(%arg9 : memref<32x128xi32, #tpu.memory_space<vmem>>) target_semaphore(%run_scoped3A_73 : memref<!tpu.dma_semaphore, #tpu.memory_space<semaphore_mem>>)
        %dma_wait3A_88 = arith.constant 0 : i32
        %dma_wait3A_89 = arith.constant 0 : i32
        %dma_wait3A_90 = tpu.memref_slice %arg3[%add3A_7, %dma_wait3A_88, %dma_wait3A_89] : memref<32x64x128xi32, #tpu.memory_space<hbm>> -> memref<1x64x128xi32, #tpu.memory_space<hbm>>
        %dma_wait3A_91 = tpu.memref_squeeze %dma_wait3A_90 : memref<1x64x128xi32, #tpu.memory_space<hbm>> -> memref<64x128xi32, #tpu.memory_space<hbm>>
        %dma_wait3A_92 = arith.constant 0 : i32
        %dma_wait3A_93 = arith.constant 0 : i32
        %dma_wait3A_94 = tpu.memref_slice %dma_wait3A_91[%dma_wait3A_92, %dma_wait3A_93] : memref<64x128xi32, #tpu.memory_space<hbm>> -> memref<32x128xi32, #tpu.memory_space<hbm>>
        %dma_wait3A_95 = arith.constant 0 : i32
        %dma_wait3A_96 = arith.constant 0 : i32
        %dma_wait3A_97 = tpu.memref_slice %arg3[%add3A_7, %dma_wait3A_95, %dma_wait3A_96] : memref<32x64x128xi32, #tpu.memory_space<hbm>> -> memref<1x64x128xi32, #tpu.memory_space<hbm>>
        %dma_wait3A_98 = tpu.memref_squeeze %dma_wait3A_97 : memref<1x64x128xi32, #tpu.memory_space<hbm>> -> memref<64x128xi32, #tpu.memory_space<hbm>>
        %dma_wait3A_99 = arith.constant 0 : i32
        %dma_wait3A_100 = arith.constant 0 : i32
        %dma_wait3A_101 = tpu.memref_slice %dma_wait3A_98[%dma_wait3A_99, %dma_wait3A_100] : memref<64x128xi32, #tpu.memory_space<hbm>> -> memref<32x128xi32, #tpu.memory_space<hbm>>
        tpu.wait_dma2 semaphore(%run_scoped3A_73 : memref<!tpu.dma_semaphore, #tpu.memory_space<semaphore_mem>>) src(%dma_wait3A_101 : memref<32x128xi32, #tpu.memory_space<hbm>>) dst(%arg9 : memref<32x128xi32, #tpu.memory_space<vmem>>)
        tpu.yield
      }) : () -> ()
      %dma_start3A_28 = arith.constant 0 : i32
      %dma_start3A_29 = arith.constant 0 : i32
      %dma_start3A_30 = tpu.memref_slice %arg8[%dma_start3A_28, %dma_start3A_29] : memref<32x128xi32, #tpu.memory_space<vmem>> -> memref<1x128xi32, #tpu.memory_space<vmem>>
      %dma_start3A_31 = tpu.memref_squeeze %dma_start3A_30 : memref<1x128xi32, #tpu.memory_space<vmem>> -> memref<128xi32, #tpu.memory_space<vmem>>
      %dma_start3A_32 = arith.constant 0 : i32
      %dma_start3A_33 = arith.constant 0 : i32
      %dma_start3A_34 = tpu.memref_slice %arg2[%dma_start3A_32, %dma_start3A_33] : memref<10112x128xf32, #tpu.memory_space<hbm>> -> memref<10112x128xf32, #tpu.memory_space<hbm>>
      tpu.enqueue_indirect_dma source(%dma_start3A_34 : memref<10112x128xf32, #tpu.memory_space<hbm>>) target(%arg10 : memref<128x128xf32, #tpu.memory_space<vmem>>) offsets(%dma_start3A_31 : memref<128xi32, #tpu.memory_space<vmem>>) semaphore(%arg13 : memref<!tpu.dma_semaphore, #tpu.memory_space<semaphore_mem>>)
      %scan3A_35 = arith.constant 0 : i32
      %scan3A_36 = arith.constant 0 : i32
      %scan3A_37 = arith.constant 16 : i32
      %scan3A_38 = arith.addi %scan3A_36, %scan3A_37 : i32
      %scan3A_39 = arith.constant 1 : i32
      scf.for %scan3A_73 = %scan3A_36 to %scan3A_38 step %scan3A_39  : i32 {
        %mul3A_74 = arith.constant 2 : i32
        %mul3A_75 = arith.muli %mul3A_74, %scan3A_73 : i32
        %add3A_76 = arith.constant 1 : i32
        %add3A_77 = arith.addi %mul3A_75, %add3A_76 : i32
        %mul3A_78 = arith.constant 2 : i32
        %mul3A_79 = arith.muli %mul3A_78, %scan3A_73 : i32
        %add3A_80 = arith.constant 2 : i32
        %add3A_81 = arith.addi %mul3A_79, %add3A_80 : i32
        %rem3A = arith.constant 32 : i32
        %rem3A_82 = arith.remsi %add3A_81, %rem3A : i32
        %dma_wait3A_83 = arith.constant 0 : i32
        %dma_wait3A_84 = arith.constant 0 : i32
        %dma_wait3A_85 = tpu.memref_slice %arg8[%dma_wait3A_83, %dma_wait3A_84] : memref<32x128xi32, #tpu.memory_space<vmem>> -> memref<1x128xi32, #tpu.memory_space<vmem>>
        %dma_wait3A_86 = tpu.memref_squeeze %dma_wait3A_85 : memref<1x128xi32, #tpu.memory_space<vmem>> -> memref<128xi32, #tpu.memory_space<vmem>>
        %dma_wait3A_87 = arith.constant 0 : i32
        %dma_wait3A_88 = arith.constant 0 : i32
        %dma_wait3A_89 = tpu.memref_slice %arg2[%dma_wait3A_87, %dma_wait3A_88] : memref<10112x128xf32, #tpu.memory_space<hbm>> -> memref<10112x128xf32, #tpu.memory_space<hbm>>
        tpu.wait_indirect_dma semaphore(%arg13 : memref<!tpu.dma_semaphore, #tpu.memory_space<semaphore_mem>>) src(%dma_wait3A_89 : memref<10112x128xf32, #tpu.memory_space<hbm>>) dst(%arg10 : memref<128x128xf32, #tpu.memory_space<vmem>>)
        %dma_start3A_90 = arith.constant 0 : i32
        %dma_start3A_91 = tpu.memref_slice %arg8[%add3A_77, %dma_start3A_90] : memref<32x128xi32, #tpu.memory_space<vmem>> -> memref<1x128xi32, #tpu.memory_space<vmem>>
        %dma_start3A_92 = tpu.memref_squeeze %dma_start3A_91 : memref<1x128xi32, #tpu.memory_space<vmem>> -> memref<128xi32, #tpu.memory_space<vmem>>
        %dma_start3A_93 = arith.constant 0 : i32
        %dma_start3A_94 = arith.constant 0 : i32
        %dma_start3A_95 = tpu.memref_slice %arg2[%dma_start3A_93, %dma_start3A_94] : memref<10112x128xf32, #tpu.memory_space<hbm>> -> memref<10112x128xf32, #tpu.memory_space<hbm>>
        tpu.enqueue_indirect_dma source(%dma_start3A_95 : memref<10112x128xf32, #tpu.memory_space<hbm>>) target(%arg11 : memref<128x128xf32, #tpu.memory_space<vmem>>) offsets(%dma_start3A_92 : memref<128xi32, #tpu.memory_space<vmem>>) semaphore(%arg14 : memref<!tpu.dma_semaphore, #tpu.memory_space<semaphore_mem>>)
        %mul3A_96 = arith.constant 2 : i32
        %mul3A_97 = arith.muli %mul3A_96, %scan3A_73 : i32
        "tpu.region"() ({
          %run_scoped3A_111 = tpu.sem_alloc : memref<!tpu.dma_semaphore, #tpu.memory_space<semaphore_mem>>
          %dma_start3A_112 = arith.constant 0 : i32
          %dma_start3A_113 = tpu.memref_slice %arg9[%mul3A_97, %dma_start3A_112] : memref<32x128xi32, #tpu.memory_space<vmem>> -> memref<1x128xi32, #tpu.memory_space<vmem>>
          %dma_start3A_114 = tpu.memref_squeeze %dma_start3A_113 : memref<1x128xi32, #tpu.memory_space<vmem>> -> memref<128xi32, #tpu.memory_space<vmem>>
          %dma_start3A_115 = arith.constant 0 : i32
          %dma_start3A_116 = arith.constant 0 : i32
          %dma_start3A_117 = tpu.memref_slice %arg12[%dma_start3A_115, %dma_start3A_116] : memref<10112x128xf32, #tpu.memory_space<vmem_shared>> -> memref<10112x128xf32, #tpu.memory_space<vmem_shared>>
          tpu.enqueue_indirect_dma source(%arg10 : memref<128x128xf32, #tpu.memory_space<vmem>>) target(%dma_start3A_117 : memref<10112x128xf32, #tpu.memory_space<vmem_shared>>) offsets(%dma_start3A_114 : memref<128xi32, #tpu.memory_space<vmem>>) semaphore(%run_scoped3A_111 : memref<!tpu.dma_semaphore, #tpu.memory_space<semaphore_mem>>) {add = true}
          %dma_wait3A_118 = arith.constant 0 : i32
          %dma_wait3A_119 = tpu.memref_slice %arg9[%mul3A_97, %dma_wait3A_118] : memref<32x128xi32, #tpu.memory_space<vmem>> -> memref<1x128xi32, #tpu.memory_space<vmem>>
          %dma_wait3A_120 = tpu.memref_squeeze %dma_wait3A_119 : memref<1x128xi32, #tpu.memory_space<vmem>> -> memref<128xi32, #tpu.memory_space<vmem>>
          %dma_wait3A_121 = arith.constant 0 : i32
          %dma_wait3A_122 = arith.constant 0 : i32
          %dma_wait3A_123 = tpu.memref_slice %arg12[%dma_wait3A_121, %dma_wait3A_122] : memref<10112x128xf32, #tpu.memory_space<vmem_shared>> -> memref<10112x128xf32, #tpu.memory_space<vmem_shared>>
          tpu.wait_indirect_dma semaphore(%run_scoped3A_111 : memref<!tpu.dma_semaphore, #tpu.memory_space<semaphore_mem>>) src(%arg10 : memref<128x128xf32, #tpu.memory_space<vmem>>) dst(%dma_wait3A_123 : memref<10112x128xf32, #tpu.memory_space<vmem_shared>>)
          tpu.yield
        }) : () -> ()
        %dma_wait3A_98 = arith.constant 0 : i32
        %dma_wait3A_99 = arith.constant 0 : i32
        %dma_wait3A_100 = tpu.memref_slice %arg8[%dma_wait3A_98, %dma_wait3A_99] : memref<32x128xi32, #tpu.memory_space<vmem>> -> memref<1x128xi32, #tpu.memory_space<vmem>>
        %dma_wait3A_101 = tpu.memref_squeeze %dma_wait3A_100 : memref<1x128xi32, #tpu.memory_space<vmem>> -> memref<128xi32, #tpu.memory_space<vmem>>
        %dma_wait3A_102 = arith.constant 0 : i32
        %dma_wait3A_103 = arith.constant 0 : i32
        %dma_wait3A_104 = tpu.memref_slice %arg2[%dma_wait3A_102, %dma_wait3A_103] : memref<10112x128xf32, #tpu.memory_space<hbm>> -> memref<10112x128xf32, #tpu.memory_space<hbm>>
        tpu.wait_indirect_dma semaphore(%arg14 : memref<!tpu.dma_semaphore, #tpu.memory_space<semaphore_mem>>) src(%dma_wait3A_104 : memref<10112x128xf32, #tpu.memory_space<hbm>>) dst(%arg11 : memref<128x128xf32, #tpu.memory_space<vmem>>)
        %dma_start3A_105 = arith.constant 0 : i32
        %dma_start3A_106 = tpu.memref_slice %arg8[%rem3A_82, %dma_start3A_105] : memref<32x128xi32, #tpu.memory_space<vmem>> -> memref<1x128xi32, #tpu.memory_space<vmem>>
        %dma_start3A_107 = tpu.memref_squeeze %dma_start3A_106 : memref<1x128xi32, #tpu.memory_space<vmem>> -> memref<128xi32, #tpu.memory_space<vmem>>
        %dma_start3A_108 = arith.constant 0 : i32
        %dma_start3A_109 = arith.constant 0 : i32
        %dma_start3A_110 = tpu.memref_slice %arg2[%dma_start3A_108, %dma_start3A_109] : memref<10112x128xf32, #tpu.memory_space<hbm>> -> memref<10112x128xf32, #tpu.memory_space<hbm>>
        tpu.enqueue_indirect_dma source(%dma_start3A_110 : memref<10112x128xf32, #tpu.memory_space<hbm>>) target(%arg10 : memref<128x128xf32, #tpu.memory_space<vmem>>) offsets(%dma_start3A_107 : memref<128xi32, #tpu.memory_space<vmem>>) semaphore(%arg13 : memref<!tpu.dma_semaphore, #tpu.memory_space<semaphore_mem>>)
        "tpu.region"() ({
          %run_scoped3A_111 = tpu.sem_alloc : memref<!tpu.dma_semaphore, #tpu.memory_space<semaphore_mem>>
          %dma_start3A_112 = arith.constant 0 : i32
          %dma_start3A_113 = tpu.memref_slice %arg9[%add3A_77, %dma_start3A_112] : memref<32x128xi32, #tpu.memory_space<vmem>> -> memref<1x128xi32, #tpu.memory_space<vmem>>
          %dma_start3A_114 = tpu.memref_squeeze %dma_start3A_113 : memref<1x128xi32, #tpu.memory_space<vmem>> -> memref<128xi32, #tpu.memory_space<vmem>>
          %dma_start3A_115 = arith.constant 0 : i32
          %dma_start3A_116 = arith.constant 0 : i32
          %dma_start3A_117 = tpu.memref_slice %arg12[%dma_start3A_115, %dma_start3A_116] : memref<10112x128xf32, #tpu.memory_space<vmem_shared>> -> memref<10112x128xf32, #tpu.memory_space<vmem_shared>>
          tpu.enqueue_indirect_dma source(%arg11 : memref<128x128xf32, #tpu.memory_space<vmem>>) target(%dma_start3A_117 : memref<10112x128xf32, #tpu.memory_space<vmem_shared>>) offsets(%dma_start3A_114 : memref<128xi32, #tpu.memory_space<vmem>>) semaphore(%run_scoped3A_111 : memref<!tpu.dma_semaphore, #tpu.memory_space<semaphore_mem>>) {add = true}
          %dma_wait3A_118 = arith.constant 0 : i32
          %dma_wait3A_119 = tpu.memref_slice %arg9[%add3A_77, %dma_wait3A_118] : memref<32x128xi32, #tpu.memory_space<vmem>> -> memref<1x128xi32, #tpu.memory_space<vmem>>
          %dma_wait3A_120 = tpu.memref_squeeze %dma_wait3A_119 : memref<1x128xi32, #tpu.memory_space<vmem>> -> memref<128xi32, #tpu.memory_space<vmem>>
          %dma_wait3A_121 = arith.constant 0 : i32
          %dma_wait3A_122 = arith.constant 0 : i32
          %dma_wait3A_123 = tpu.memref_slice %arg12[%dma_wait3A_121, %dma_wait3A_122] : memref<10112x128xf32, #tpu.memory_space<vmem_shared>> -> memref<10112x128xf32, #tpu.memory_space<vmem_shared>>
          tpu.wait_indirect_dma semaphore(%run_scoped3A_111 : memref<!tpu.dma_semaphore, #tpu.memory_space<semaphore_mem>>) src(%arg11 : memref<128x128xf32, #tpu.memory_space<vmem>>) dst(%dma_wait3A_123 : memref<10112x128xf32, #tpu.memory_space<vmem_shared>>)
          tpu.yield
        }) : () -> ()
      }
      %scan3A_40 = arith.constant 16 : i32
      %dma_wait3A_41 = arith.constant 0 : i32
      %dma_wait3A_42 = arith.constant 0 : i32
      %dma_wait3A_43 = tpu.memref_slice %arg8[%dma_wait3A_41, %dma_wait3A_42] : memref<32x128xi32, #tpu.memory_space<vmem>> -> memref<1x128xi32, #tpu.memory_space<vmem>>
      %dma_wait3A_44 = tpu.memref_squeeze %dma_wait3A_43 : memref<1x128xi32, #tpu.memory_space<vmem>> -> memref<128xi32, #tpu.memory_space<vmem>>
      %dma_wait3A_45 = arith.constant 0 : i32
      %dma_wait3A_46 = arith.constant 0 : i32
      %dma_wait3A_47 = tpu.memref_slice %arg2[%dma_wait3A_45, %dma_wait3A_46] : memref<10112x128xf32, #tpu.memory_space<hbm>> -> memref<10112x128xf32, #tpu.memory_space<hbm>>
      tpu.wait_indirect_dma semaphore(%arg13 : memref<!tpu.dma_semaphore, #tpu.memory_space<semaphore_mem>>) src(%dma_wait3A_47 : memref<10112x128xf32, #tpu.memory_space<hbm>>) dst(%arg10 : memref<128x128xf32, #tpu.memory_space<vmem>>)
      "tpu.region"() ({
        %run_scoped3A_73 = tpu.sem_alloc : memref<!tpu.dma_semaphore, #tpu.memory_space<semaphore_mem>>
        %dma_start3A_74 = arith.constant 0 : i32
        %dma_start3A_75 = arith.constant 0 : i32
        %dma_start3A_76 = tpu.memref_slice %arg4[%add3A_7, %dma_start3A_74, %dma_start3A_75] : memref<32x64x128xi32, #tpu.memory_space<hbm>> -> memref<1x64x128xi32, #tpu.memory_space<hbm>>
        %dma_start3A_77 = tpu.memref_squeeze %dma_start3A_76 : memref<1x64x128xi32, #tpu.memory_space<hbm>> -> memref<64x128xi32, #tpu.memory_space<hbm>>
        %dma_start3A_78 = arith.constant 32 : i32
        %dma_start3A_79 = arith.constant 0 : i32
        %dma_start3A_80 = tpu.memref_slice %dma_start3A_77[%dma_start3A_78, %dma_start3A_79] : memref<64x128xi32, #tpu.memory_space<hbm>> -> memref<32x128xi32, #tpu.memory_space<hbm>>
        %dma_start3A_81 = arith.constant 0 : i32
        %dma_start3A_82 = arith.constant 0 : i32
        %dma_start3A_83 = tpu.memref_slice %arg4[%add3A_7, %dma_start3A_81, %dma_start3A_82] : memref<32x64x128xi32, #tpu.memory_space<hbm>> -> memref<1x64x128xi32, #tpu.memory_space<hbm>>
        %dma_start3A_84 = tpu.memref_squeeze %dma_start3A_83 : memref<1x64x128xi32, #tpu.memory_space<hbm>> -> memref<64x128xi32, #tpu.memory_space<hbm>>
        %dma_start3A_85 = arith.constant 32 : i32
        %dma_start3A_86 = arith.constant 0 : i32
        %dma_start3A_87 = tpu.memref_slice %dma_start3A_84[%dma_start3A_85, %dma_start3A_86] : memref<64x128xi32, #tpu.memory_space<hbm>> -> memref<32x128xi32, #tpu.memory_space<hbm>>
        tpu.enqueue_dma source(%dma_start3A_87 : memref<32x128xi32, #tpu.memory_space<hbm>>) target(%arg8 : memref<32x128xi32, #tpu.memory_space<vmem>>) target_semaphore(%run_scoped3A_73 : memref<!tpu.dma_semaphore, #tpu.memory_space<semaphore_mem>>)
        %dma_wait3A_88 = arith.constant 0 : i32
        %dma_wait3A_89 = arith.constant 0 : i32
        %dma_wait3A_90 = tpu.memref_slice %arg4[%add3A_7, %dma_wait3A_88, %dma_wait3A_89] : memref<32x64x128xi32, #tpu.memory_space<hbm>> -> memref<1x64x128xi32, #tpu.memory_space<hbm>>
        %dma_wait3A_91 = tpu.memref_squeeze %dma_wait3A_90 : memref<1x64x128xi32, #tpu.memory_space<hbm>> -> memref<64x128xi32, #tpu.memory_space<hbm>>
        %dma_wait3A_92 = arith.constant 32 : i32
        %dma_wait3A_93 = arith.constant 0 : i32
        %dma_wait3A_94 = tpu.memref_slice %dma_wait3A_91[%dma_wait3A_92, %dma_wait3A_93] : memref<64x128xi32, #tpu.memory_space<hbm>> -> memref<32x128xi32, #tpu.memory_space<hbm>>
        %dma_wait3A_95 = arith.constant 0 : i32
        %dma_wait3A_96 = arith.constant 0 : i32
        %dma_wait3A_97 = tpu.memref_slice %arg4[%add3A_7, %dma_wait3A_95, %dma_wait3A_96] : memref<32x64x128xi32, #tpu.memory_space<hbm>> -> memref<1x64x128xi32, #tpu.memory_space<hbm>>
        %dma_wait3A_98 = tpu.memref_squeeze %dma_wait3A_97 : memref<1x64x128xi32, #tpu.memory_space<hbm>> -> memref<64x128xi32, #tpu.memory_space<hbm>>
        %dma_wait3A_99 = arith.constant 32 : i32
        %dma_wait3A_100 = arith.constant 0 : i32
        %dma_wait3A_101 = tpu.memref_slice %dma_wait3A_98[%dma_wait3A_99, %dma_wait3A_100] : memref<64x128xi32, #tpu.memory_space<hbm>> -> memref<32x128xi32, #tpu.memory_space<hbm>>
        tpu.wait_dma2 semaphore(%run_scoped3A_73 : memref<!tpu.dma_semaphore, #tpu.memory_space<semaphore_mem>>) src(%dma_wait3A_101 : memref<32x128xi32, #tpu.memory_space<hbm>>) dst(%arg8 : memref<32x128xi32, #tpu.memory_space<vmem>>)
        tpu.yield
      }) : () -> ()
      "tpu.region"() ({
        %run_scoped3A_73 = tpu.sem_alloc : memref<!tpu.dma_semaphore, #tpu.memory_space<semaphore_mem>>
        %dma_start3A_74 = arith.constant 0 : i32
        %dma_start3A_75 = arith.constant 0 : i32
        %dma_start3A_76 = tpu.memref_slice %arg3[%add3A_7, %dma_start3A_74, %dma_start3A_75] : memref<32x64x128xi32, #tpu.memory_space<hbm>> -> memref<1x64x128xi32, #tpu.memory_space<hbm>>
        %dma_start3A_77 = tpu.memref_squeeze %dma_start3A_76 : memref<1x64x128xi32, #tpu.memory_space<hbm>> -> memref<64x128xi32, #tpu.memory_space<hbm>>
        %dma_start3A_78 = arith.constant 32 : i32
        %dma_start3A_79 = arith.constant 0 : i32
        %dma_start3A_80 = tpu.memref_slice %dma_start3A_77[%dma_start3A_78, %dma_start3A_79] : memref<64x128xi32, #tpu.memory_space<hbm>> -> memref<32x128xi32, #tpu.memory_space<hbm>>
        %dma_start3A_81 = arith.constant 0 : i32
        %dma_start3A_82 = arith.constant 0 : i32
        %dma_start3A_83 = tpu.memref_slice %arg3[%add3A_7, %dma_start3A_81, %dma_start3A_82] : memref<32x64x128xi32, #tpu.memory_space<hbm>> -> memref<1x64x128xi32, #tpu.memory_space<hbm>>
        %dma_start3A_84 = tpu.memref_squeeze %dma_start3A_83 : memref<1x64x128xi32, #tpu.memory_space<hbm>> -> memref<64x128xi32, #tpu.memory_space<hbm>>
        %dma_start3A_85 = arith.constant 32 : i32
        %dma_start3A_86 = arith.constant 0 : i32
        %dma_start3A_87 = tpu.memref_slice %dma_start3A_84[%dma_start3A_85, %dma_start3A_86] : memref<64x128xi32, #tpu.memory_space<hbm>> -> memref<32x128xi32, #tpu.memory_space<hbm>>
        tpu.enqueue_dma source(%dma_start3A_87 : memref<32x128xi32, #tpu.memory_space<hbm>>) target(%arg9 : memref<32x128xi32, #tpu.memory_space<vmem>>) target_semaphore(%run_scoped3A_73 : memref<!tpu.dma_semaphore, #tpu.memory_space<semaphore_mem>>)
        %dma_wait3A_88 = arith.constant 0 : i32
        %dma_wait3A_89 = arith.constant 0 : i32
        %dma_wait3A_90 = tpu.memref_slice %arg3[%add3A_7, %dma_wait3A_88, %dma_wait3A_89] : memref<32x64x128xi32, #tpu.memory_space<hbm>> -> memref<1x64x128xi32, #tpu.memory_space<hbm>>
        %dma_wait3A_91 = tpu.memref_squeeze %dma_wait3A_90 : memref<1x64x128xi32, #tpu.memory_space<hbm>> -> memref<64x128xi32, #tpu.memory_space<hbm>>
        %dma_wait3A_92 = arith.constant 32 : i32
        %dma_wait3A_93 = arith.constant 0 : i32
        %dma_wait3A_94 = tpu.memref_slice %dma_wait3A_91[%dma_wait3A_92, %dma_wait3A_93] : memref<64x128xi32, #tpu.memory_space<hbm>> -> memref<32x128xi32, #tpu.memory_space<hbm>>
        %dma_wait3A_95 = arith.constant 0 : i32
        %dma_wait3A_96 = arith.constant 0 : i32
        %dma_wait3A_97 = tpu.memref_slice %arg3[%add3A_7, %dma_wait3A_95, %dma_wait3A_96] : memref<32x64x128xi32, #tpu.memory_space<hbm>> -> memref<1x64x128xi32, #tpu.memory_space<hbm>>
        %dma_wait3A_98 = tpu.memref_squeeze %dma_wait3A_97 : memref<1x64x128xi32, #tpu.memory_space<hbm>> -> memref<64x128xi32, #tpu.memory_space<hbm>>
        %dma_wait3A_99 = arith.constant 32 : i32
        %dma_wait3A_100 = arith.constant 0 : i32
        %dma_wait3A_101 = tpu.memref_slice %dma_wait3A_98[%dma_wait3A_99, %dma_wait3A_100] : memref<64x128xi32, #tpu.memory_space<hbm>> -> memref<32x128xi32, #tpu.memory_space<hbm>>
        tpu.wait_dma2 semaphore(%run_scoped3A_73 : memref<!tpu.dma_semaphore, #tpu.memory_space<semaphore_mem>>) src(%dma_wait3A_101 : memref<32x128xi32, #tpu.memory_space<hbm>>) dst(%arg9 : memref<32x128xi32, #tpu.memory_space<vmem>>)
        tpu.yield
      }) : () -> ()
      %dma_start3A_48 = arith.constant 0 : i32
      %dma_start3A_49 = arith.constant 0 : i32
      %dma_start3A_50 = tpu.memref_slice %arg8[%dma_start3A_48, %dma_start3A_49] : memref<32x128xi32, #tpu.memory_space<vmem>> -> memref<1x128xi32, #tpu.memory_space<vmem>>
      %dma_start3A_51 = tpu.memref_squeeze %dma_start3A_50 : memref<1x128xi32, #tpu.memory_space<vmem>> -> memref<128xi32, #tpu.memory_space<vmem>>
      %dma_start3A_52 = arith.constant 0 : i32
      %dma_start3A_53 = arith.constant 0 : i32
      %dma_start3A_54 = tpu.memref_slice %arg2[%dma_start3A_52, %dma_start3A_53] : memref<10112x128xf32, #tpu.memory_space<hbm>> -> memref<10112x128xf32, #tpu.memory_space<hbm>>
      tpu.enqueue_indirect_dma source(%dma_start3A_54 : memref<10112x128xf32, #tpu.memory_space<hbm>>) target(%arg10 : memref<128x128xf32, #tpu.memory_space<vmem>>) offsets(%dma_start3A_51 : memref<128xi32, #tpu.memory_space<vmem>>) semaphore(%arg13 : memref<!tpu.dma_semaphore, #tpu.memory_space<semaphore_mem>>)
      %scan3A_55 = arith.constant 0 : i32
      %scan3A_56 = arith.constant 0 : i32
      %scan3A_57 = arith.constant 16 : i32
      %scan3A_58 = arith.addi %scan3A_56, %scan3A_57 : i32
      %scan3A_59 = arith.constant 1 : i32
      scf.for %scan3A_73 = %scan3A_56 to %scan3A_58 step %scan3A_59  : i32 {
        %mul3A_74 = arith.constant 2 : i32
        %mul3A_75 = arith.muli %mul3A_74, %scan3A_73 : i32
        %add3A_76 = arith.constant 1 : i32
        %add3A_77 = arith.addi %mul3A_75, %add3A_76 : i32
        %mul3A_78 = arith.constant 2 : i32
        %mul3A_79 = arith.muli %mul3A_78, %scan3A_73 : i32
        %add3A_80 = arith.constant 2 : i32
        %add3A_81 = arith.addi %mul3A_79, %add3A_80 : i32
        %rem3A = arith.constant 32 : i32
        %rem3A_82 = arith.remsi %add3A_81, %rem3A : i32
        %dma_wait3A_83 = arith.constant 0 : i32
        %dma_wait3A_84 = arith.constant 0 : i32
        %dma_wait3A_85 = tpu.memref_slice %arg8[%dma_wait3A_83, %dma_wait3A_84] : memref<32x128xi32, #tpu.memory_space<vmem>> -> memref<1x128xi32, #tpu.memory_space<vmem>>
        %dma_wait3A_86 = tpu.memref_squeeze %dma_wait3A_85 : memref<1x128xi32, #tpu.memory_space<vmem>> -> memref<128xi32, #tpu.memory_space<vmem>>
        %dma_wait3A_87 = arith.constant 0 : i32
        %dma_wait3A_88 = arith.constant 0 : i32
        %dma_wait3A_89 = tpu.memref_slice %arg2[%dma_wait3A_87, %dma_wait3A_88] : memref<10112x128xf32, #tpu.memory_space<hbm>> -> memref<10112x128xf32, #tpu.memory_space<hbm>>
        tpu.wait_indirect_dma semaphore(%arg13 : memref<!tpu.dma_semaphore, #tpu.memory_space<semaphore_mem>>) src(%dma_wait3A_89 : memref<10112x128xf32, #tpu.memory_space<hbm>>) dst(%arg10 : memref<128x128xf32, #tpu.memory_space<vmem>>)
        %dma_start3A_90 = arith.constant 0 : i32
        %dma_start3A_91 = tpu.memref_slice %arg8[%add3A_77, %dma_start3A_90] : memref<32x128xi32, #tpu.memory_space<vmem>> -> memref<1x128xi32, #tpu.memory_space<vmem>>
        %dma_start3A_92 = tpu.memref_squeeze %dma_start3A_91 : memref<1x128xi32, #tpu.memory_space<vmem>> -> memref<128xi32, #tpu.memory_space<vmem>>
        %dma_start3A_93 = arith.constant 0 : i32
        %dma_start3A_94 = arith.constant 0 : i32
        %dma_start3A_95 = tpu.memref_slice %arg2[%dma_start3A_93, %dma_start3A_94] : memref<10112x128xf32, #tpu.memory_space<hbm>> -> memref<10112x128xf32, #tpu.memory_space<hbm>>
        tpu.enqueue_indirect_dma source(%dma_start3A_95 : memref<10112x128xf32, #tpu.memory_space<hbm>>) target(%arg11 : memref<128x128xf32, #tpu.memory_space<vmem>>) offsets(%dma_start3A_92 : memref<128xi32, #tpu.memory_space<vmem>>) semaphore(%arg14 : memref<!tpu.dma_semaphore, #tpu.memory_space<semaphore_mem>>)
        %mul3A_96 = arith.constant 2 : i32
        %mul3A_97 = arith.muli %mul3A_96, %scan3A_73 : i32
        "tpu.region"() ({
          %run_scoped3A_111 = tpu.sem_alloc : memref<!tpu.dma_semaphore, #tpu.memory_space<semaphore_mem>>
          %dma_start3A_112 = arith.constant 0 : i32
          %dma_start3A_113 = tpu.memref_slice %arg9[%mul3A_97, %dma_start3A_112] : memref<32x128xi32, #tpu.memory_space<vmem>> -> memref<1x128xi32, #tpu.memory_space<vmem>>
          %dma_start3A_114 = tpu.memref_squeeze %dma_start3A_113 : memref<1x128xi32, #tpu.memory_space<vmem>> -> memref<128xi32, #tpu.memory_space<vmem>>
          %dma_start3A_115 = arith.constant 0 : i32
          %dma_start3A_116 = arith.constant 0 : i32
          %dma_start3A_117 = tpu.memref_slice %arg12[%dma_start3A_115, %dma_start3A_116] : memref<10112x128xf32, #tpu.memory_space<vmem_shared>> -> memref<10112x128xf32, #tpu.memory_space<vmem_shared>>
          tpu.enqueue_indirect_dma source(%arg10 : memref<128x128xf32, #tpu.memory_space<vmem>>) target(%dma_start3A_117 : memref<10112x128xf32, #tpu.memory_space<vmem_shared>>) offsets(%dma_start3A_114 : memref<128xi32, #tpu.memory_space<vmem>>) semaphore(%run_scoped3A_111 : memref<!tpu.dma_semaphore, #tpu.memory_space<semaphore_mem>>) {add = true}
          %dma_wait3A_118 = arith.constant 0 : i32
          %dma_wait3A_119 = tpu.memref_slice %arg9[%mul3A_97, %dma_wait3A_118] : memref<32x128xi32, #tpu.memory_space<vmem>> -> memref<1x128xi32, #tpu.memory_space<vmem>>
          %dma_wait3A_120 = tpu.memref_squeeze %dma_wait3A_119 : memref<1x128xi32, #tpu.memory_space<vmem>> -> memref<128xi32, #tpu.memory_space<vmem>>
          %dma_wait3A_121 = arith.constant 0 : i32
          %dma_wait3A_122 = arith.constant 0 : i32
          %dma_wait3A_123 = tpu.memref_slice %arg12[%dma_wait3A_121, %dma_wait3A_122] : memref<10112x128xf32, #tpu.memory_space<vmem_shared>> -> memref<10112x128xf32, #tpu.memory_space<vmem_shared>>
          tpu.wait_indirect_dma semaphore(%run_scoped3A_111 : memref<!tpu.dma_semaphore, #tpu.memory_space<semaphore_mem>>) src(%arg10 : memref<128x128xf32, #tpu.memory_space<vmem>>) dst(%dma_wait3A_123 : memref<10112x128xf32, #tpu.memory_space<vmem_shared>>)
          tpu.yield
        }) : () -> ()
        %dma_wait3A_98 = arith.constant 0 : i32
        %dma_wait3A_99 = arith.constant 0 : i32
        %dma_wait3A_100 = tpu.memref_slice %arg8[%dma_wait3A_98, %dma_wait3A_99] : memref<32x128xi32, #tpu.memory_space<vmem>> -> memref<1x128xi32, #tpu.memory_space<vmem>>
        %dma_wait3A_101 = tpu.memref_squeeze %dma_wait3A_100 : memref<1x128xi32, #tpu.memory_space<vmem>> -> memref<128xi32, #tpu.memory_space<vmem>>
        %dma_wait3A_102 = arith.constant 0 : i32
        %dma_wait3A_103 = arith.constant 0 : i32
        %dma_wait3A_104 = tpu.memref_slice %arg2[%dma_wait3A_102, %dma_wait3A_103] : memref<10112x128xf32, #tpu.memory_space<hbm>> -> memref<10112x128xf32, #tpu.memory_space<hbm>>
        tpu.wait_indirect_dma semaphore(%arg14 : memref<!tpu.dma_semaphore, #tpu.memory_space<semaphore_mem>>) src(%dma_wait3A_104 : memref<10112x128xf32, #tpu.memory_space<hbm>>) dst(%arg11 : memref<128x128xf32, #tpu.memory_space<vmem>>)
        %dma_start3A_105 = arith.constant 0 : i32
        %dma_start3A_106 = tpu.memref_slice %arg8[%rem3A_82, %dma_start3A_105] : memref<32x128xi32, #tpu.memory_space<vmem>> -> memref<1x128xi32, #tpu.memory_space<vmem>>
        %dma_start3A_107 = tpu.memref_squeeze %dma_start3A_106 : memref<1x128xi32, #tpu.memory_space<vmem>> -> memref<128xi32, #tpu.memory_space<vmem>>
        %dma_start3A_108 = arith.constant 0 : i32
        %dma_start3A_109 = arith.constant 0 : i32
        %dma_start3A_110 = tpu.memref_slice %arg2[%dma_start3A_108, %dma_start3A_109] : memref<10112x128xf32, #tpu.memory_space<hbm>> -> memref<10112x128xf32, #tpu.memory_space<hbm>>
        tpu.enqueue_indirect_dma source(%dma_start3A_110 : memref<10112x128xf32, #tpu.memory_space<hbm>>) target(%arg10 : memref<128x128xf32, #tpu.memory_space<vmem>>) offsets(%dma_start3A_107 : memref<128xi32, #tpu.memory_space<vmem>>) semaphore(%arg13 : memref<!tpu.dma_semaphore, #tpu.memory_space<semaphore_mem>>)
        "tpu.region"() ({
          %run_scoped3A_111 = tpu.sem_alloc : memref<!tpu.dma_semaphore, #tpu.memory_space<semaphore_mem>>
          %dma_start3A_112 = arith.constant 0 : i32
          %dma_start3A_113 = tpu.memref_slice %arg9[%add3A_77, %dma_start3A_112] : memref<32x128xi32, #tpu.memory_space<vmem>> -> memref<1x128xi32, #tpu.memory_space<vmem>>
          %dma_start3A_114 = tpu.memref_squeeze %dma_start3A_113 : memref<1x128xi32, #tpu.memory_space<vmem>> -> memref<128xi32, #tpu.memory_space<vmem>>
          %dma_start3A_115 = arith.constant 0 : i32
          %dma_start3A_116 = arith.constant 0 : i32
          %dma_start3A_117 = tpu.memref_slice %arg12[%dma_start3A_115, %dma_start3A_116] : memref<10112x128xf32, #tpu.memory_space<vmem_shared>> -> memref<10112x128xf32, #tpu.memory_space<vmem_shared>>
          tpu.enqueue_indirect_dma source(%arg11 : memref<128x128xf32, #tpu.memory_space<vmem>>) target(%dma_start3A_117 : memref<10112x128xf32, #tpu.memory_space<vmem_shared>>) offsets(%dma_start3A_114 : memref<128xi32, #tpu.memory_space<vmem>>) semaphore(%run_scoped3A_111 : memref<!tpu.dma_semaphore, #tpu.memory_space<semaphore_mem>>) {add = true}
          %dma_wait3A_118 = arith.constant 0 : i32
          %dma_wait3A_119 = tpu.memref_slice %arg9[%add3A_77, %dma_wait3A_118] : memref<32x128xi32, #tpu.memory_space<vmem>> -> memref<1x128xi32, #tpu.memory_space<vmem>>
          %dma_wait3A_120 = tpu.memref_squeeze %dma_wait3A_119 : memref<1x128xi32, #tpu.memory_space<vmem>> -> memref<128xi32, #tpu.memory_space<vmem>>
          %dma_wait3A_121 = arith.constant 0 : i32
          %dma_wait3A_122 = arith.constant 0 : i32
          %dma_wait3A_123 = tpu.memref_slice %arg12[%dma_wait3A_121, %dma_wait3A_122] : memref<10112x128xf32, #tpu.memory_space<vmem_shared>> -> memref<10112x128xf32, #tpu.memory_space<vmem_shared>>
          tpu.wait_indirect_dma semaphore(%run_scoped3A_111 : memref<!tpu.dma_semaphore, #tpu.memory_space<semaphore_mem>>) src(%arg11 : memref<128x128xf32, #tpu.memory_space<vmem>>) dst(%dma_wait3A_123 : memref<10112x128xf32, #tpu.memory_space<vmem_shared>>)
          tpu.yield
        }) : () -> ()
      }
      %scan3A_60 = arith.constant 16 : i32
      %dma_wait3A_61 = arith.constant 0 : i32
      %dma_wait3A_62 = arith.constant 0 : i32
      %dma_wait3A_63 = tpu.memref_slice %arg8[%dma_wait3A_61, %dma_wait3A_62] : memref<32x128xi32, #tpu.memory_space<vmem>> -> memref<1x128xi32, #tpu.memory_space<vmem>>
      %dma_wait3A_64 = tpu.memref_squeeze %dma_wait3A_63 : memref<1x128xi32, #tpu.memory_space<vmem>> -> memref<128xi32, #tpu.memory_space<vmem>>
      %dma_wait3A_65 = arith.constant 0 : i32
      %dma_wait3A_66 = arith.constant 0 : i32
      %dma_wait3A_67 = tpu.memref_slice %arg2[%dma_wait3A_65, %dma_wait3A_66] : memref<10112x128xf32, #tpu.memory_space<hbm>> -> memref<10112x128xf32, #tpu.memory_space<hbm>>
      tpu.wait_indirect_dma semaphore(%arg13 : memref<!tpu.dma_semaphore, #tpu.memory_space<semaphore_mem>>) src(%dma_wait3A_67 : memref<10112x128xf32, #tpu.memory_space<hbm>>) dst(%arg10 : memref<128x128xf32, #tpu.memory_space<vmem>>)
      %barrier3A_68 = arith.constant 0 : index
      tpu.barrier barrier_id(%barrier3A_68)
      %mul3A_69 = arith.constant 632 : i32
      %mul3A_70 = arith.muli %arg1, %mul3A_69 : i32
      %mul3A_71 = arith.constant 632 : i32
      %mul3A_72 = arith.muli %arg1, %mul3A_71 : i32
      %run_scoped3A = arith.constant 1 : i32
      "tpu.region"() ({
        %run_scoped3A_73 = tpu.sem_alloc : memref<!tpu.dma_semaphore, #tpu.memory_space<semaphore_mem>>
        %dma_start3A_74 = arith.constant 0 : i32
        %dma_start3A_75 = arith.constant 0 : i32
        %dma_start3A_76 = tpu.memref_slice %arg7[%run_scoped3A, %dma_start3A_74, %dma_start3A_75] : memref<2x10112x128xf32, #tpu.memory_space<hbm>> -> memref<1x10112x128xf32, #tpu.memory_space<hbm>>
        %dma_start3A_77 = tpu.memref_squeeze %dma_start3A_76 : memref<1x10112x128xf32, #tpu.memory_space<hbm>> -> memref<10112x128xf32, #tpu.memory_space<hbm>>
        %dma_start3A_78 = arith.constant 0 : i32
        %dma_start3A_79 = tpu.memref_slice %dma_start3A_77[%mul3A_72, %dma_start3A_78] : memref<10112x128xf32, #tpu.memory_space<hbm>> -> memref<632x128xf32, #tpu.memory_space<hbm>>
        %dma_start3A_80 = arith.constant 0 : i32
        %dma_start3A_81 = tpu.memref_slice %arg12[%mul3A_70, %dma_start3A_80] : memref<10112x128xf32, #tpu.memory_space<vmem_shared>> -> memref<632x128xf32, #tpu.memory_space<vmem_shared>>
        tpu.enqueue_dma source(%dma_start3A_81 : memref<632x128xf32, #tpu.memory_space<vmem_shared>>) target(%dma_start3A_79 : memref<632x128xf32, #tpu.memory_space<hbm>>) target_semaphore(%run_scoped3A_73 : memref<!tpu.dma_semaphore, #tpu.memory_space<semaphore_mem>>)
        %dma_wait3A_82 = arith.constant 0 : i32
        %dma_wait3A_83 = arith.constant 0 : i32
        %dma_wait3A_84 = tpu.memref_slice %arg7[%run_scoped3A, %dma_wait3A_82, %dma_wait3A_83] : memref<2x10112x128xf32, #tpu.memory_space<hbm>> -> memref<1x10112x128xf32, #tpu.memory_space<hbm>>
        %dma_wait3A_85 = tpu.memref_squeeze %dma_wait3A_84 : memref<1x10112x128xf32, #tpu.memory_space<hbm>> -> memref<10112x128xf32, #tpu.memory_space<hbm>>
        %dma_wait3A_86 = arith.constant 0 : i32
        %dma_wait3A_87 = tpu.memref_slice %dma_wait3A_85[%mul3A_72, %dma_wait3A_86] : memref<10112x128xf32, #tpu.memory_space<hbm>> -> memref<632x128xf32, #tpu.memory_space<hbm>>
        %dma_wait3A_88 = arith.constant 0 : i32
        %dma_wait3A_89 = tpu.memref_slice %arg12[%mul3A_70, %dma_wait3A_88] : memref<10112x128xf32, #tpu.memory_space<vmem_shared>> -> memref<632x128xf32, #tpu.memory_space<vmem_shared>>
        tpu.wait_dma2 semaphore(%run_scoped3A_73 : memref<!tpu.dma_semaphore, #tpu.memory_space<semaphore_mem>>) src(%dma_wait3A_89 : memref<632x128xf32, #tpu.memory_space<vmem_shared>>) dst(%dma_wait3A_87 : memref<632x128xf32, #tpu.memory_space<hbm>>)
        tpu.yield
      }) : () -> ()
    } else {
    }
    return
  }
}

module attributes {stable_mosaic.version = 14 : i64} {
  func.func @body(%arg0: i32, %arg1: memref<2528x128xf32, #tpu.memory_space<vmem>>, %arg2: memref<128x128xf32, #tpu.memory_space<vmem>>, %arg3: memref<2528x1xf32, #tpu.memory_space<vmem>>, %arg4: memref<2528x1xf32, #tpu.memory_space<vmem>>, %arg5: memref<2528x128xf32, #tpu.memory_space<vmem>>, %arg6: memref<2528x1xf32, #tpu.memory_space<vmem>>) attributes {dimension_semantics = [#tpu.dimension_semantics<arbitrary>], iteration_bounds = array<i64: 4>, scalar_prefetch = 0 : i64, scratch_operands = 0 : i64, tpu.core_type = #tpu.core_type<tc>, window_params = [{transform_indices = @transform_0, window_bounds = array<i64: 2528, 128>}, {pipeline_mode = #tpu.pipeline_mode<synchronous>, transform_indices = @transform_1, window_bounds = array<i64: 128, 128>}, {transform_indices = @transform_2, window_bounds = array<i64: 2528, 1>}, {transform_indices = @transform_3, window_bounds = array<i64: 2528, 1>}, {transform_indices = @transform_4, window_bounds = array<i64: 2528, 128>}, {transform_indices = @transform_5, window_bounds = array<i64: 2528, 1>}]} {
    %get3A = arith.constant 0 : index
    %get3A_0 = arith.constant 0 : index
    %get3A_1 = vector.load %arg1[%get3A, %get3A_0] : memref<2528x128xf32, #tpu.memory_space<vmem>>, vector<2528x128xf32>
    %get3A_2 = arith.constant 0 : index
    %get3A_3 = arith.constant 0 : index
    %get3A_4 = vector.load %arg2[%get3A_2, %get3A_3] : memref<128x128xf32, #tpu.memory_space<vmem>>, vector<128x128xf32>
    %dot_general3A = arith.constant dense<0.000000e+00> : vector<2528x128xf32>
    %dot_general3A_5 = tpu.matmul %get3A_1, %get3A_4, %dot_general3A {dimension_numbers = #tpu.dot_dimension_numbers<[1], [0], [0], [1], [0, 0, 1, 1], [], []>, transpose_lhs_hint = false} : vector<2528x128xf32>, vector<128x128xf32>, vector<2528x128xf32> -> vector<2528x128xf32>
    %get3A_6 = arith.constant 0 : index
    %get3A_7 = arith.constant 0 : index
    %get3A_8 = vector.load %arg3[%get3A_6, %get3A_7] : memref<2528x1xf32, #tpu.memory_space<vmem>>, vector<2528x1xf32>
    %get3A_9 = arith.constant 0 : index
    %get3A_10 = arith.constant 0 : index
    %get3A_11 = vector.load %arg4[%get3A_9, %get3A_10] : memref<2528x1xf32, #tpu.memory_space<vmem>>, vector<2528x1xf32>
    %add3A = arith.addf %get3A_8, %get3A_11 : vector<2528x1xf32>
    %add3A_12 = arith.constant 1.000000e+00 : f32
    %add3A_13 = vector.broadcast %add3A_12 : f32 to vector<2528x1xf32>
    %add3A_14 = arith.addf %add3A, %add3A_13 : vector<2528x1xf32>
    %rsqrt3A = math.rsqrt %add3A_14 : vector<2528x1xf32>
    %mul3A = vector.broadcast %rsqrt3A : vector<2528x1xf32> to vector<2528x128xf32>
    %mul3A_15 = arith.mulf %dot_general3A_5, %mul3A : vector<2528x128xf32>
    %swap3A = arith.constant 0 : index
    %swap3A_16 = arith.constant 0 : index
    %swap3A_17 = vector.load %arg5[%swap3A, %swap3A_16] : memref<2528x128xf32, #tpu.memory_space<vmem>>, vector<2528x128xf32>
    tpu.vector_store %arg5[%swap3A, %swap3A_16], %mul3A_15 {strides = array<i32>} : memref<2528x128xf32, #tpu.memory_space<vmem>>, vector<2528x128xf32>,
    %swap3A_18 = arith.constant 0 : index
    %swap3A_19 = arith.constant 0 : index
    %swap3A_20 = vector.load %arg6[%swap3A_18, %swap3A_19] : memref<2528x1xf32, #tpu.memory_space<vmem>>, vector<2528x1xf32>
    tpu.vector_store %arg6[%swap3A_18, %swap3A_19], %rsqrt3A {strides = array<i32>} : memref<2528x1xf32, #tpu.memory_space<vmem>>, vector<2528x1xf32>,
    return
  }
  func.func @transform_0(%arg0: i32) -> (i32, i32) {
    %c0_i32 = arith.constant 0 : i32
    %c0_i32_0 = arith.constant 0 : i32
    return %arg0, %c0_i32 : i32, i32
  }
  func.func @transform_1(%arg0: i32) -> (i32, i32) {
    %c0_i32 = arith.constant 0 : i32
    %c0_i32_0 = arith.constant 0 : i32
    %c0_i32_1 = arith.constant 0 : i32
    return %c0_i32, %c0_i32_0 : i32, i32
  }
  func.func @transform_2(%arg0: i32) -> (i32, i32) {
    %c0_i32 = arith.constant 0 : i32
    %c0_i32_0 = arith.constant 0 : i32
    return %arg0, %c0_i32 : i32, i32
  }
  func.func @transform_3(%arg0: i32) -> (i32, i32) {
    %c0_i32 = arith.constant 0 : i32
    %c0_i32_0 = arith.constant 0 : i32
    return %arg0, %c0_i32 : i32, i32
  }
  func.func @transform_4(%arg0: i32) -> (i32, i32) {
    %c0_i32 = arith.constant 0 : i32
    %c0_i32_0 = arith.constant 0 : i32
    return %arg0, %c0_i32 : i32, i32
  }
  func.func @transform_5(%arg0: i32) -> (i32, i32) {
    %c0_i32 = arith.constant 0 : i32
    %c0_i32_0 = arith.constant 0 : i32
    return %arg0, %c0_i32 : i32, i32
  }
}

module attributes {stable_mosaic.version = 14 : i64} {
  func.func @body(%arg0: i32, %arg1: memref<2x2000x128xf32, #tpu.memory_space<vmem>>, %arg2: memref<2000x128xf32, #tpu.memory_space<vmem>>, %arg3: memref<2000x1xf32, #tpu.memory_space<vmem>>, %arg4: memref<1x128xf32, #tpu.memory_space<vmem>>, %arg5: memref<2000x128xf32, #tpu.memory_space<vmem>>) attributes {dimension_semantics = [#tpu.dimension_semantics<arbitrary>], iteration_bounds = array<i64: 5>, scalar_prefetch = 0 : i64, scratch_operands = 0 : i64, tpu.core_type = #tpu.core_type<tc>, window_params = [{transform_indices = @transform_0, window_bounds = array<i64: 2, 2000, 128>}, {transform_indices = @transform_1, window_bounds = array<i64: 2000, 128>}, {transform_indices = @transform_2, window_bounds = array<i64: 2000, 1>}, {pipeline_mode = #tpu.pipeline_mode<synchronous>, transform_indices = @transform_3, window_bounds = array<i64: 1, 128>}, {transform_indices = @transform_4, window_bounds = array<i64: 2000, 128>}]} {
    %get3A = arith.constant 0 : index
    %get3A_0 = arith.constant 0 : index
    %get3A_1 = arith.constant 0 : index
    %get3A_2 = vector.load %arg1[%get3A, %get3A_0, %get3A_1] : memref<2x2000x128xf32, #tpu.memory_space<vmem>>, vector<1x2000x128xf32>
    %get3A_3 = vector.shape_cast %get3A_2 : vector<1x2000x128xf32> to vector<2000x128xf32>
    %get3A_4 = arith.constant 1 : index
    %get3A_5 = arith.constant 0 : index
    %get3A_6 = arith.constant 0 : index
    %get3A_7 = vector.load %arg1[%get3A_4, %get3A_5, %get3A_6] : memref<2x2000x128xf32, #tpu.memory_space<vmem>>, vector<1x2000x128xf32>
    %get3A_8 = vector.shape_cast %get3A_7 : vector<1x2000x128xf32> to vector<2000x128xf32>
    %add3A = arith.addf %get3A_3, %get3A_8 : vector<2000x128xf32>
    %get3A_9 = arith.constant 0 : index
    %get3A_10 = arith.constant 0 : index
    %get3A_11 = vector.load %arg2[%get3A_9, %get3A_10] : memref<2000x128xf32, #tpu.memory_space<vmem>>, vector<2000x128xf32>
    %sub3A = arith.subf %add3A, %get3A_11 : vector<2000x128xf32>
    %get3A_12 = arith.constant 0 : index
    %get3A_13 = arith.constant 0 : index
    %get3A_14 = vector.load %arg3[%get3A_12, %get3A_13] : memref<2000x1xf32, #tpu.memory_space<vmem>>, vector<2000x1xf32>
    %mul3A = vector.broadcast %get3A_14 : vector<2000x1xf32> to vector<2000x128xf32>
    %mul3A_15 = arith.mulf %sub3A, %mul3A : vector<2000x128xf32>
    %get3A_16 = arith.constant 0 : index
    %get3A_17 = arith.constant 0 : index
    %get3A_18 = vector.load %arg4[%get3A_16, %get3A_17] : memref<1x128xf32, #tpu.memory_space<vmem>>, vector<1x128xf32>
    %add3A_19 = vector.broadcast %get3A_18 : vector<1x128xf32> to vector<2000x128xf32>
    %add3A_20 = arith.addf %mul3A_15, %add3A_19 : vector<2000x128xf32>
    %swap3A = arith.constant 0 : index
    %swap3A_21 = arith.constant 0 : index
    %swap3A_22 = vector.load %arg5[%swap3A, %swap3A_21] : memref<2000x128xf32, #tpu.memory_space<vmem>>, vector<2000x128xf32>
    tpu.vector_store %arg5[%swap3A, %swap3A_21], %add3A_20 {strides = array<i32>} : memref<2000x128xf32, #tpu.memory_space<vmem>>, vector<2000x128xf32>,
    return
  }
  func.func @transform_0(%arg0: i32) -> (i32, i32, i32) {
    %c0_i32 = arith.constant 0 : i32
    %c0_i32_0 = arith.constant 0 : i32
    %c0_i32_1 = arith.constant 0 : i32
    return %c0_i32, %arg0, %c0_i32_0 : i32, i32, i32
  }
  func.func @transform_1(%arg0: i32) -> (i32, i32) {
    %c0_i32 = arith.constant 0 : i32
    %c0_i32_0 = arith.constant 0 : i32
    return %arg0, %c0_i32 : i32, i32
  }
  func.func @transform_2(%arg0: i32) -> (i32, i32) {
    %c0_i32 = arith.constant 0 : i32
    %c0_i32_0 = arith.constant 0 : i32
    return %arg0, %c0_i32 : i32, i32
  }
  func.func @transform_3(%arg0: i32) -> (i32, i32) {
    %c0_i32 = arith.constant 0 : i32
    %c0_i32_0 = arith.constant 0 : i32
    %c0_i32_1 = arith.constant 0 : i32
    return %c0_i32, %c0_i32_0 : i32, i32
  }
  func.func @transform_4(%arg0: i32) -> (i32, i32) {
    %c0_i32 = arith.constant 0 : i32
    %c0_i32_0 = arith.constant 0 : i32
    return %arg0, %c0_i32 : i32, i32
  }
}

</mosaic_0001>

<sc_bundles>
// kernel: kernel.10.cloned.1.call-start
scs
__scs_entry_jumppad:
0x0: {  	(pc) =	sbr.rel $0x88, $3  }
0x1: {  	(tag) =	ssettag $0x0;
	lr =	simm.s32 $0x1  }
0x2: {  	[smem:$0x3F9D] =	sst lr;
	_ =	strace $0xD0000000  }
0x3: {  	_ = 	snop  }
0x4: {  	_ = 	snop  }
0x5: {  	_ = 	snop  }
0x6: {  	_ = 	snop  }
0x7: {  	_ = 	snop  }
__scs_overlays_trampoline_lowered:
0x8: {  	[smem:$0x3FAC] =	sst s0  }
0x9: {  	[smem:$0x3FAD] =	sst s1  }
0xa: {  	[smem:$0x3FAE] =	sst s2  }
0xb: {  	[smem:$0x3FAF] =	sst s3  }
0xc: {  	[smem:$0x3FB0] =	sst s4  }
0xd: {  	[smem:$0x3FB1] =	sst s5  }
0xe: {  	[smem:$0x3FB2] =	sst s6  }
0xf: {  	[smem:$0x3FB3] =	sst s7  }
0x10: {  	[smem:$0x3FB4] =	sst s8  }
0x11: {  	[smem:$0x3FB5] =	sst s9;
	s0 =	simm.s32 @!p0 $0x0  }
0x12: {  	s1 =	sld [smem:$0x3F9B];
	s0 =	simm.s32 @p0 $0x1  }
0x13: {  	[smem:$0x3FB6] =	sst s0;
	s0 =	simm.s32 @!p1 $0x0  }
0x14: {  	s2 =	sld [smem:$0x3F9A];
	s0 =	simm.s32 @p1 $0x1  }
0x15: {  	[smem:$0x3FB7] =	sst s0;
	s0 =	simm.s32 @!p2 $0x0  }
0x16: {  	s3 =	sld [smem:$0x3FDB];
	s0 =	simm.s32 @p2 $0x1  }
0x17: {  	s4 =	simm.s32 $0x1BF5;
	[smem:$0x3FB9] =	sst s0  }
0x18: {  	s0 =	sld [smem:$0x3F9C];
	_ =	swait.ge [sflag:s4], $0x0  }
0x19: {  	s7 =	sld [smem:$0x3F9D]  }
0x1a: {  	s8 =	sadd.s32 $0xFFFFE003, lr  }
0x1b: {  	s9 =	sadd.s32 $0xFFFFFEF7, lr;
	s5 =	simm.s32 $0xFFFFFFFF;
	p2 =	slt.u32 s8, $0xFFFFF086  }
0x1c: {  	p1 =	slt.u32 s9, $0xF7A;
	s5 =	simm.s32 @!p2 $0x0  }
0x1d: {  	s5 =	simm.s32 @p1 $0x1;
	p0 =	seq.s32 s7, s2  }
0x1e: {  	s7 =	smul.u32 @!p0 $0xF7A, s2;
	p2 =	seq.s32 @!p0 s5, $0x0  }
0x1f: {  	s9 =	smul.u32 $0xF7A, s1;
	s8 =	simm.s32 @!p0 $0x1BF5;
	p2 =	por !p2, p0  }
0x20: {  	[sflag:s8] =	ssyncset.s32 @!p0 $0xFFFFF086;
	s6 =	sadd.s32 @!p0 s3, s7;
	s7 =	simm.s32 @!p0 $0x108  }
0x21: {  	s3 =	sadd.s32 s3, s9;
	s6 =	sadd.s32 @!p0 $0x88, s6;
	s7 =	simm.s32 @p2 $0x1082  }
0x22: {  	[simem:s7], [sflag:s8] =	dma.local @!p0 [hbm:s6], $0xF7A  }
0x23: {  	s9 =	sor.u32 $0xD0000000, s2;
	s6 =	simm.s32 $0x108;
	_ =	swait.ge @!p0 [sflag:s8], $0x0  }
0x24: {  	s3 =	sadd.s32 $0x88, s3;
	s6 =	simm.s32 @!p1 $0x1082;
	[sflag:s4] =	ssyncset.s32 $0xFFFFF086  }
0x25: {  	[simem:s6], [sflag:s4] =	dma.local [hbm:s3], $0xF7A  }
0x26: {  	[smem:$0x3F9D] =	sst s1;
	(tag) =	ssettag s2;
	_ =	strace s9  }
0x27: {  	s1 =	sld [smem:$0x3FAD]  }
0x28: {  	s2 =	sld [smem:$0x3FAE]  }
0x29: {  	s4 =	sld [smem:$0x3FB0]  }
0x2a: {  	p0 =	seq.s32 s5, $0x0;
	s5 =	sld [smem:$0x3FB1]  }
0x2b: {  	s6 =	sld [smem:$0x3FB2]  }
0x2c: {  	s7 =	sld [smem:$0x3FB3]  }
0x2d: {  	s3 =	simm.s32 $0x108;
	s8 =	sld [smem:$0x3FB4]  }
0x2e: {  	s3 =	simm.s32 @!p0 $0x1082;
	s9 =	sld [smem:$0x3FB5]  }
0x2f: {  	lr =	sadd.s32 s0, s3;
	s0 =	sld [smem:$0x3FAC]  }
0x30: {  	s3 =	sld [smem:$0x3FAF]  }
0x31: {  	[smem:$0x3FB8] =	sst s10  }
0x32: {  	s10 =	sld [smem:$0x3FB6];
	_ =	sdelay $0x3  }
0x33: {  	p0 =	seq.s32 s10, $0x1;
	s10 =	sld [smem:$0x3FB8];
	_ =	sdelay $0x3  }
0x34: {  	[smem:$0x3FB8] =	sst s10  }
0x35: {  	s10 =	sld [smem:$0x3FB7];
	_ =	sdelay $0x3  }
0x36: {  	p1 =	seq.s32 s10, $0x1;
	s10 =	sld [smem:$0x3FB8];
	_ =	sdelay $0x3  }
0x37: {  	[smem:$0x3FB8] =	sst s10  }
0x38: {  	s10 =	sld [smem:$0x3FB9]  }
0x39: {  	_ = 	snop;
	(pc) =	sbr.ind lr, $3  }
0x3a: {  	_ = 	snop  }
0x3b: {  	_ = 	snop  }
0x3c: {  	p2 =	seq.s32 s10, $0x1;
	s10 =	sld [smem:$0x3FB8]  }
0x3d: {  	_ =	shalt  }
0x3e: {  	_ =	shalt  }
0x3f: {  	_ =	shalt  }
0x40: {  	_ =	shalt  }
0x41: {  	_ =	shalt  }
0x42: {  	_ =	shalt  }
0x43: {  	_ =	shalt  }
0x44: {  	_ =	shalt  }
0x45: {  	_ =	shalt  }
0x46: {  	_ =	shalt  }
0x47: {  	_ =	shalt  }
0x48: {  	_ =	shalt  }
0x49: {  	_ =	shalt  }
0x4a: {  	_ =	shalt  }
0x4b: {  	_ =	shalt  }
0x4c: {  	_ =	shalt  }
0x4d: {  	_ =	shalt  }
0x4e: {  	_ =	shalt  }
0x4f: {  	_ =	shalt  }
0x50: {  	_ =	shalt  }
0x51: {  	_ =	shalt  }
0x52: {  	_ =	shalt  }
0x53: {  	_ =	shalt  }
0x54: {  	_ =	shalt  }
0x55: {  	_ =	shalt  }
0x56: {  	_ =	shalt  }
0x57: {  	_ =	shalt  }
0x58: {  	_ =	shalt  }
0x59: {  	_ =	shalt  }
0x5a: {  	_ =	shalt  }
0x5b: {  	_ =	shalt  }
0x5c: {  	_ =	shalt  }
0x5d: {  	_ =	shalt  }
0x5e: {  	_ =	shalt  }
0x5f: {  	_ =	shalt  }
0x60: {  	_ =	shalt  }
0x61: {  	_ =	shalt  }
0x62: {  	_ =	shalt  }
0x63: {  	_ =	shalt  }
0x64: {  	_ =	shalt  }
0x65: {  	_ =	shalt  }
0x66: {  	_ =	shalt  }
0x67: {  	_ =	shalt  }
0x68: {  	_ =	shalt  }
0x69: {  	_ =	shalt  }
0x6a: {  	_ =	shalt  }
0x6b: {  	_ =	shalt  }
0x6c: {  	_ =	shalt  }
0x6d: {  	_ =	shalt  }
0x6e: {  	_ =	shalt  }
0x6f: {  	_ =	shalt  }
0x70: {  	_ =	shalt  }
0x71: {  	_ =	shalt  }
0x72: {  	_ =	shalt  }
0x73: {  	_ =	shalt  }
0x74: {  	_ =	shalt  }
0x75: {  	_ =	shalt  }
0x76: {  	_ =	shalt  }
0x77: {  	_ =	shalt  }
0x78: {  	_ =	shalt  }
0x79: {  	_ =	shalt  }
0x7a: {  	_ =	shalt  }
0x7b: {  	_ =	shalt  }
0x7c: {  	_ =	shalt  }
0x7d: {  	_ =	shalt  }
0x7e: {  	_ =	shalt  }
0x7f: {  	_ =	shalt  }
0x80: {  	_ =	shalt  }
0x81: {  	_ =	shalt  }
0x82: {  	_ =	shalt  }
0x83: {  	_ =	shalt  }
0x84: {  	_ =	shalt  }
0x85: {  	_ =	shalt  }
0x86: {  	_ =	shalt  }
0x87: {  	_ =	shalt  }
.Lfunc_end0:
.L_simem_size_0:
called_computation.1_lowered:
.L_overlay_start_0:
0x88: {  	s2 =	sld [smem:$0x3FD9]  }
0x89: {  	s3 =	sld [smem:$0x3FFE];
	_ =	sdelay $0x1  }
0x8a: {  	s1 =	srdreg.scid  }
0x8b: {  	s0 =	sand.u32 $0x1, s1  }
0x8c: {  	s16 =	sshll.u32 s0, $0xA;
	s2 =	sadd.s32 s3, s2  }
0x8d: {  	s2 =	sadd.s32 s2, s16  }
0x8e: {  	[smem:$0x3FC4] =	sst s2  }
0x8f: {  	_ = 	snop  }
0x90: {  	(tm) =	ssettm $0x1  }
0x91: {  	s17 =	sld [smem:$0x3FFB];
	_ =	sdelay $0x3  }
0x92: {  	_ =	strace s17  }
0x93: {  	s2 =	sld [smem:$0x3FFC];
	_ =	sdelay $0x3  }
0x94: {  	_ =	strace s2  }
0x95: {  	s2 =	sld [smem:$0x3FFD];
	_ =	sdelay $0x3  }
0x96: {  	_ =	strace s2  }
0x97: {  	_ =	strace $0x8FFFFFFF  }
0x98: {  	s18 =	sld [smem:$0x3FDB];
	_ =	sdelay $0x1  }
0x99: {  	s19 =	simm.s32 $_scs_section_size  }
0x9a: {  	s4 =	simm.s32 $_size__tile_overlayer_lowered;
	s5 =	simm.s32 $_tile_overlayer_lowered  }
0x9b: {  	s22 =	simm.s32 $0x1BFF;
	s21 =	sshll.u32 s5, $0x1;
	s2 =	sadd.s32 s19, s18  }
0x9c: {  	s6 =	simm.s32 $0x0;
	s20 =	sshll.u32 s4, $0x1;
	s4 =	sadd.s32 s21, s2  }
0x9d: {  	[timem:s6], [sflag:s22] =	dma.local [hbm:s4], s20  }
0x9e: {  	_ =	swait.ge [sflag:s22], s20  }
0x9f: {  	s3 =	ssub.s32 $0x0, s20;
	[sflag:s22] =	ssyncset.done $0x0  }
0xa0: {  	[sflag:s22] =	ssyncadd.s32 s3;
	_ =	sdelay $0x1  }
0xa1: {  	s23 =	simm.s32 $0x1B8B  }
0xa2: {  	_ =	swait.ge [sflag:s23], $0x1  }
0xa3: {  	[sflag:s23] =	ssyncset.done $0x0  }
0xa4: {  	s25 =	simm.s32 $0x1B8E;
	s24 =	sld [smem:$0x3FFE];
	[sflag:s23] =	ssyncadd.s32 $0xFFFFFFFF  }
0xa5: {  	s26 =	simm.s32 $execute0_lowered;
	[smem:$0x3FD2] =	sst s25  }
0xa6: {  	s4 =	sshll.u32 s26, $0x1;
	_ =	strace $0x80000049;
	[dreg:$0x1] =	wrdreg $0xFFFFFFFF  }
0xa7: {  	s28 =	simm.s32 $_size_execute0_lowered;
	s2 =	sadd.s32 s2, s4;
	[dreg:$0x0] =	wrdreg $0x0  }
0xa8: {  	s4 =	sshll.u32 s28, $0x1;
	[dreg:$0x2] =	wrdreg s2  }
0xa9: {  	[dreg:$0x3] =	wrdreg s4  }
0xaa: {  	[dreg:$0x4] =	wrdreg $0xC0  }
0xab: {  	_ =	task [dreg:s6], $0x5FFFF  }
0xac: {  	[dreg:$0x1] =	wrdreg $0xFFFFFFFF  }
0xad: {  	[dreg:$0x0] =	wrdreg $0x60  }
0xae: {  	[dreg:$0x2] =	wrdreg s24  }
0xaf: {  	[dreg:$0x3] =	wrdreg $0xA0000  }
0xb0: {  	[dreg:$0x4] =	wrdreg $0x9  }
0xb1: {  	_ =	task.clear_ibuf [dreg:s6], $0x5FFFF;
	_ =	strace $0x90000049  }
0xb2: {  	s29 =	simm.s32 $0x9;
	_ =	strace $0x8000004B  }
0xb3: {  	_ =	swait.ge [sflag:s29], $0x1  }
0xb4: {  	[sflag:s29] =	ssyncadd.s32 $0xFFFFFFFF  }
0xb5: {  	_ =	strace $0x9000004B  }
0xb6: {  	_ =	sfence  }
0xb7: {  	s30 =	sld [smem:$0x0];
	_ =	sdelay $0x2  }
0xb8: {  	s31 =	sshll.u32 s1, $0xD;
	s1 =	sshrl.u32 s1, $0x2  }
0xb9: {  	s3 =	sand.u32 $0x4000, s31;
	s1 =	sadd.s32 s1, s30  }
0xba: {  	s0 =	sor.u32 s3, s0;
	s1 =	sshll.u32 s1, $0x11  }
0xbb: {  	s0 =	sor.u32 s1, s0  }
0xbc: {  	s0 =	sadd.s32 $0x8F2B, s0  }
0xbd: {  	[sflag:s0] =	ssyncadd.remote.s32 $0x1  }
0xbe: {  	_ =	sfence.sel $0xFFFF  }
0xbf: {  	[dreg:$0x0] =	wrdreg $0xFFFFFFFF;
	(pc) =	sbr.abs _section_cstart, $3  }
0xc0: {  	[dreg:$0x1] =	wrdreg $0xFFFFFFFF  }
0xc1: {  	_ =	task.clear_ibuf [dreg:s6], $0x2FFFF;
	_ =	strace $0x9FFFFFFF  }
0xc2: {  	(tm) =	ssettm $0x7FFFFFFF  }
0xc3: {  	_ =	shalt  }
tec
execute0_lowered:
.L_overlay_start_1:
0x0: {  	(tag) =	ssettag $0x1  }
0x1: {  	s0 =	rddreg [dreg:$0x0]  }
0x2: {  	s1 =	rddreg [dreg:$0x1];
	s2 =	simm.s32 $0x0  }
0x3: {  	s5 =	srdreg.scid;
	s3 =	stileid.u32;
	s18 =	simm.s32 $0x1000  }
0x4: {  	s19 =	simm.s32 $0x80;
	s20 =	simm.s32 $0x2000;
	s28 =	simm.s32 $0x680  }
0x5: {  	s29 =	simm.s32 $0x1600;
	s30 =	simm.s32 $0x1680;
	s31 =	simm.s32 $0x780  }
0x6: {  	[smem:$0x7FF] =	sst s2;
	s4 =	sadd.s32 $0x17000, s0;
	s6 =	sadd.s32 $0xF000, s0  }
0x7: {  	s5 =	sand.u32 $0x1, s5;
	s11 =	sadd.s32 $0x7000, s0;
	s12 =	smul.u32 $0x2780, s3  }
0x8: {  	s13 =	sadd.s32 $0x3000, s0;
	s9 =	smul.u32 $0x4F000, s3;
	s14 =	sadd.s32 $0x5000, s0  }
0x9: {  	s21 =	sshll.u32 s3, $0x8;
	s24 =	sshll.u32 s3, $0xA;
	s17 =	sor.u32 $0x10, s3  }
0xa: {  	_ =	strace $0x8000004A;
	s7 =	ssub.s32 $0x2, s5;
	p0 =	seq.s32 s5, $0x1  }
0xb: {  	s23 =	sadd.s32 s14, s21;
	s5 =	sadd.s32 s13, s21;
	s10 =	sadd.s32 s6, s24  }
0xc: {  	s25 =	sshll.u32 s17, $0x8;
	s26 =	sshll.u32 s17, $0xA;
	s17 =	simm.s32 $0x3  }
0xd: {  	s21 =	simm.s32 $0x1;
	s8 =	sshrl.u32 s7, $0x1;
	[dreg:$0x3] =	wrdreg s23  }
0xe: {  	s15 =	sadd.s32 s12, s0;
	s22 =	sshrl.u32 s9, $0x2;
	[dreg:$0x4] =	wrdreg s5  }
0xf: {  	s9 =	sadd.s32 s11, s24;
	s14 =	sadd.s32 s14, s25;
	s5 =	sadd.s32 s13, s25  }
0x10: {  	s0 =	sadd.s32 $0x66000, s0;
	s23 =	simm.s32 $0x2;
	s16 =	ssub.s32 s7, s8  }
.Ltmp0:
0x11: {  	s7 =	sadd.s32 s22, s1;
	[dreg:$0x6] =	wrdreg s14;
	(pc) =	sbr.rel .LBB2_1-.Ltmp0, $4  }
0x12: {  	s8 =	sadd.s32 s4, s12;
	s15 =	sadd.s32 $0x3E800, s15;
	[dreg:$0x7] =	wrdreg s5  }
0x13: {  	s14 =	sadd.s32 s11, s26;
	s22 =	simm.s32 $0x6000;
	s24 =	sadd.s32 s12, s0  }
0x14: {  	s11 =	simm.s32 $0x700;
	s0 =	simm.s32 $0x1700;
	s12 =	simm.s32 $0x1780  }
0x15: {  	[dreg:$0x5] =	wrdreg s15;
	s15 =	sadd.s32 s6, s26;
	s16 =	smax.u32 s16, $0x1  }
.LBB2_11:
0x16: {  	[sflag:s17] =	ssyncadd.s32 $0xFFFFC000  }
0x17: {  	_ =	swait.ge [sflag:s21], $0x4000  }
0x18: {  	[sflag:s21] =	ssyncset.done $0x0  }
0x19: {  	[sflag:s21] =	ssyncadd.s32 $0xFFFFC000  }
0x1a: {  	s6 =	smov.u32 s24;
	[bflag:$0x0] =	sbarrier.arrive $0xFFFF  }
.LBB2_12:
0x1b: {  	s2 =	sadd.s32 $0x1, s2  }
0x1c: {  	p1 =	sne.s32 s2, s16  }
.Ltmp1:
0x1d: {  	s13 =	sshrl.u32 s7, $0x3;
	(pc) =	sbr.rel @!p1 .LBB2_13-.Ltmp1, $4  }
0x1e: {  	[hbm:s6], [sflag:s5] =	dma.local [spmem:s13], $0x2780  }
0x1f: {  	_ =	swait.ge [sflag:s17], $0x2780  }
0x20: {  	[sflag:s17] =	ssyncset.done $0x0  }
0x21: {  	[sflag:s17] =	ssyncadd.s32 $0xFFFFD880  }
.LBB2_1:
.Ltmp2:
0x22: {  	(pc) =	sbr.rel @!p0 .LBB2_2-.Ltmp2, $2  }
0x23: {  	_ =	sdelay $0x2  }
0x24: {  	s6 =	simm.s32 $0x0  }
0x25: {  	s5 =	rddreg [dreg:$0x6]  }
0x26: {  	[tilespmem:s6], [sflag:$0x3] =	stream.linear.gather [hbm4b:s5+s6], $0x800, $0x38;
	[tilespmem:$0x1DC00] =	vst v63  }
0x27: {  	_ =	swait.ge [sflag:s17], $0x800  }
0x28: {  	[sflag:s17] =	ssyncset.done $0x0  }
0x29: {  	s13 =	rddreg [dreg:$0x7];
	[sflag:s17] =	ssyncadd.s32 $0xFFFFF800  }
0x2a: {  	[tilespmem:s18], [sflag:$0x3] =	stream.linear.gather [hbm4b:s13+s6], $0x800, $0x38;
	[tilespmem:$0x1DC00] =	vst v63  }
0x2b: {  	_ =	swait.ge [sflag:s17], $0x800  }
0x2c: {  	s25 =	sshll.u32 s3, $0x6;
	[sflag:s17] =	ssyncset.done $0x0  }
0x2d: {  	s5 =	sor.u32 $0x1C03, s25;
	s13 =	sshrl.u32 s7, $0x3;
	[sflag:s17] =	ssyncadd.s32 $0xFFFFF800  }
0x2e: {  	[tilespmem:s20], [sflag:$0x1] =	stream.indirect.gather [hbm4b:s4+s19], $0x80, s6, s19, $0xb8;
	[tilespmem:$0x1DC00] =	vst v63  }
0x2f: {  	[spmem:s13], [sflag:s5] =	dma.local [hbm:s8], $0x2780  }
0x30: {  	_ =	swait.ge [sflag:s17], $0x2780  }
0x31: {  	[sflag:s17] =	ssyncset.done $0x0  }
0x32: {  	[sflag:s17] =	ssyncadd.s32 $0xFFFFD880  }
0x33: {  	[bflag:$0x0] =	sbarrier.arrive $0xFFFF  }
0x34: {  	_ =	swait.ge [sflag:s21], $0x4000  }
0x35: {  	[sflag:s21] =	ssyncset.done $0x0  }
0x36: {  	[sflag:s21] =	ssyncadd.s32 $0xFFFFC000  }
0x37: {  	[tilespmem:s22], [sflag:$0x2] =	stream.indirect.gather [hbm4b:s4+s19], $0x80, s19, s19, $0xb8;
	[tilespmem:$0x1DC00] =	vst v63  }
0x38: {  	_ = 	snop  }
0x39: {  	[spmem:s1] =	stream.indirect.scatter.add.f32 [tilespmem:s20], [sflag:$0x3], $0x80, s18, s19, $0xb8;
	[tilespmem:$0x1DC00] =	vst v63  }
0x3a: {  	_ =	swait.ge [sflag:s17], $0x4000  }
0x3b: {  	[sflag:s17] =	ssyncset.done $0x0  }
0x3c: {  	[sflag:s17] =	ssyncadd.s32 $0xFFFFC000  }
0x3d: {  	_ =	swait.ge [sflag:s23], $0x4000  }
0x3e: {  	[sflag:s23] =	ssyncset.done $0x0  }
0x3f: {  	s26 =	simm.s32 $0x100;
	[sflag:s23] =	ssyncadd.s32 $0xFFFFC000  }
0x40: {  	[tilespmem:s20], [sflag:$0x1] =	stream.indirect.gather [hbm4b:s4+s19], $0x80, s26, s19, $0xb8;
	[tilespmem:$0x1DC00] =	vst v63  }
0x41: {  	s25 =	simm.s32 $0x1080  }
0x42: {  	[spmem:s1] =	stream.indirect.scatter.add.f32 [tilespmem:s22], [sflag:$0x3], $0x80, s25, s19, $0xb8;
	[tilespmem:$0x1DC00] =	vst v63  }
0x43: {  	_ =	swait.ge [sflag:s17], $0x4000  }
0x44: {  	[sflag:s17] =	ssyncset.done $0x0  }
0x45: {  	[sflag:s17] =	ssyncadd.s32 $0xFFFFC000  }
0x46: {  	_ =	swait.ge [sflag:s21], $0x4000  }
0x47: {  	[sflag:s21] =	ssyncset.done $0x0  }
0x48: {  	s26 =	simm.s32 $0x180;
	[sflag:s21] =	ssyncadd.s32 $0xFFFFC000  }
0x49: {  	[tilespmem:s22], [sflag:$0x2] =	stream.indirect.gather [hbm4b:s4+s19], $0x80, s26, s19, $0xb8;
	[tilespmem:$0x1DC00] =	vst v63  }
0x4a: {  	s25 =	simm.s32 $0x1100  }
0x4b: {  	[spmem:s1] =	stream.indirect.scatter.add.f32 [tilespmem:s20], [sflag:$0x3], $0x80, s25, s19, $0xb8;
	[tilespmem:$0x1DC00] =	vst v63  }
0x4c: {  	_ =	swait.ge [sflag:s17], $0x4000  }
0x4d: {  	[sflag:s17] =	ssyncset.done $0x0  }
0x4e: {  	[sflag:s17] =	ssyncadd.s32 $0xFFFFC000  }
0x4f: {  	_ =	swait.ge [sflag:s23], $0x4000  }
0x50: {  	[sflag:s23] =	ssyncset.done $0x0  }
0x51: {  	s26 =	simm.s32 $0x200;
	[sflag:s23] =	ssyncadd.s32 $0xFFFFC000  }
0x52: {  	[tilespmem:s20], [sflag:$0x1] =	stream.indirect.gather [hbm4b:s4+s19], $0x80, s26, s19, $0xb8;
	[tilespmem:$0x1DC00] =	vst v63  }
0x53: {  	s25 =	simm.s32 $0x1180  }
0x54: {  	[spmem:s1] =	stream.indirect.scatter.add.f32 [tilespmem:s22], [sflag:$0x3], $0x80, s25, s19, $0xb8;
	[tilespmem:$0x1DC00] =	vst v63  }
0x55: {  	_ =	swait.ge [sflag:s17], $0x4000  }
0x56: {  	[sflag:s17] =	ssyncset.done $0x0  }
0x57: {  	[sflag:s17] =	ssyncadd.s32 $0xFFFFC000  }
0x58: {  	_ =	swait.ge [sflag:s21], $0x4000  }
0x59: {  	[sflag:s21] =	ssyncset.done $0x0  }
0x5a: {  	s26 =	simm.s32 $0x280;
	[sflag:s21] =	ssyncadd.s32 $0xFFFFC000  }
0x5b: {  	[tilespmem:s22], [sflag:$0x2] =	stream.indirect.gather [hbm4b:s4+s19], $0x80, s26, s19, $0xb8;
	[tilespmem:$0x1DC00] =	vst v63  }
0x5c: {  	s25 =	simm.s32 $0x1200  }
0x5d: {  	[spmem:s1] =	stream.indirect.scatter.add.f32 [tilespmem:s20], [sflag:$0x3], $0x80, s25, s19, $0xb8;
	[tilespmem:$0x1DC00] =	vst v63  }
0x5e: {  	_ =	swait.ge [sflag:s17], $0x4000  }
0x5f: {  	[sflag:s17] =	ssyncset.done $0x0  }
0x60: {  	[sflag:s17] =	ssyncadd.s32 $0xFFFFC000  }
0x61: {  	_ =	swait.ge [sflag:s23], $0x4000  }
0x62: {  	[sflag:s23] =	ssyncset.done $0x0  }
0x63: {  	s26 =	simm.s32 $0x300;
	[sflag:s23] =	ssyncadd.s32 $0xFFFFC000  }
0x64: {  	[tilespmem:s20], [sflag:$0x1] =	stream.indirect.gather [hbm4b:s4+s19], $0x80, s26, s19, $0xb8;
	[tilespmem:$0x1DC00] =	vst v63  }
0x65: {  	s25 =	simm.s32 $0x1280  }
0x66: {  	[spmem:s1] =	stream.indirect.scatter.add.f32 [tilespmem:s22], [sflag:$0x3], $0x80, s25, s19, $0xb8;
	[tilespmem:$0x1DC00] =	vst v63  }
0x67: {  	_ =	swait.ge [sflag:s17], $0x4000  }
0x68: {  	[sflag:s17] =	ssyncset.done $0x0  }
0x69: {  	[sflag:s17] =	ssyncadd.s32 $0xFFFFC000  }
0x6a: {  	_ =	swait.ge [sflag:s21], $0x4000  }
0x6b: {  	[sflag:s21] =	ssyncset.done $0x0  }
0x6c: {  	s26 =	simm.s32 $0x380;
	[sflag:s21] =	ssyncadd.s32 $0xFFFFC000  }
0x6d: {  	[tilespmem:s22], [sflag:$0x2] =	stream.indirect.gather [hbm4b:s4+s19], $0x80, s26, s19, $0xb8;
	[tilespmem:$0x1DC00] =	vst v63  }
0x6e: {  	s25 =	simm.s32 $0x1300  }
0x6f: {  	[spmem:s1] =	stream.indirect.scatter.add.f32 [tilespmem:s20], [sflag:$0x3], $0x80, s25, s19, $0xb8;
	[tilespmem:$0x1DC00] =	vst v63  }
0x70: {  	_ =	swait.ge [sflag:s17], $0x4000  }
0x71: {  	[sflag:s17] =	ssyncset.done $0x0  }
0x72: {  	[sflag:s17] =	ssyncadd.s32 $0xFFFFC000  }
0x73: {  	_ =	swait.ge [sflag:s23], $0x4000  }
0x74: {  	[sflag:s23] =	ssyncset.done $0x0  }
0x75: {  	s26 =	simm.s32 $0x400;
	[sflag:s23] =	ssyncadd.s32 $0xFFFFC000  }
0x76: {  	[tilespmem:s20], [sflag:$0x1] =	stream.indirect.gather [hbm4b:s4+s19], $0x80, s26, s19, $0xb8;
	[tilespmem:$0x1DC00] =	vst v63  }
0x77: {  	s25 =	simm.s32 $0x1380  }
0x78: {  	[spmem:s1] =	stream.indirect.scatter.add.f32 [tilespmem:s22], [sflag:$0x3], $0x80, s25, s19, $0xb8;
	[tilespmem:$0x1DC00] =	vst v63  }
0x79: {  	_ =	swait.ge [sflag:s17], $0x4000  }
0x7a: {  	[sflag:s17] =	ssyncset.done $0x0  }
0x7b: {  	[sflag:s17] =	ssyncadd.s32 $0xFFFFC000  }
0x7c: {  	_ =	swait.ge [sflag:s21], $0x4000  }
0x7d: {  	[sflag:s21] =	ssyncset.done $0x0  }
0x7e: {  	s26 =	simm.s32 $0x480;
	[sflag:s21] =	ssyncadd.s32 $0xFFFFC000  }
0x7f: {  	[tilespmem:s22], [sflag:$0x2] =	stream.indirect.gather [hbm4b:s4+s19], $0x80, s26, s19, $0xb8;
	[tilespmem:$0x1DC00] =	vst v63  }
0x80: {  	s25 =	simm.s32 $0x1400  }
0x81: {  	[spmem:s1] =	stream.indirect.scatter.add.f32 [tilespmem:s20], [sflag:$0x3], $0x80, s25, s19, $0xb8;
	[tilespmem:$0x1DC00] =	vst v63  }
0x82: {  	_ =	swait.ge [sflag:s17], $0x4000  }
0x83: {  	[sflag:s17] =	ssyncset.done $0x0  }
0x84: {  	[sflag:s17] =	ssyncadd.s32 $0xFFFFC000  }
0x85: {  	_ =	swait.ge [sflag:s23], $0x4000  }
0x86: {  	[sflag:s23] =	ssyncset.done $0x0  }
0x87: {  	s26 =	simm.s32 $0x500;
	[sflag:s23] =	ssyncadd.s32 $0xFFFFC000  }
0x88: {  	[tilespmem:s20], [sflag:$0x1] =	stream.indirect.gather [hbm4b:s4+s19], $0x80, s26, s19, $0xb8;
	[tilespmem:$0x1DC00] =	vst v63  }
0x89: {  	s25 =	simm.s32 $0x1480  }
0x8a: {  	[spmem:s1] =	stream.indirect.scatter.add.f32 [tilespmem:s22], [sflag:$0x3], $0x80, s25, s19, $0xb8;
	[tilespmem:$0x1DC00] =	vst v63  }
0x8b: {  	_ =	swait.ge [sflag:s17], $0x4000  }
0x8c: {  	[sflag:s17] =	ssyncset.done $0x0  }
0x8d: {  	[sflag:s17] =	ssyncadd.s32 $0xFFFFC000  }
0x8e: {  	_ =	swait.ge [sflag:s21], $0x4000  }
0x8f: {  	[sflag:s21] =	ssyncset.done $0x0  }
0x90: {  	s26 =	simm.s32 $0x580;
	[sflag:s21] =	ssyncadd.s32 $0xFFFFC000  }
0x91: {  	[tilespmem:s22], [sflag:$0x2] =	stream.indirect.gather [hbm4b:s4+s19], $0x80, s26, s19, $0xb8;
	[tilespmem:$0x1DC00] =	vst v63  }
0x92: {  	s25 =	simm.s32 $0x1500  }
0x93: {  	[spmem:s1] =	stream.indirect.scatter.add.f32 [tilespmem:s20], [sflag:$0x3], $0x80, s25, s19, $0xb8;
	[tilespmem:$0x1DC00] =	vst v63  }
0x94: {  	_ =	swait.ge [sflag:s17], $0x4000  }
0x95: {  	[sflag:s17] =	ssyncset.done $0x0  }
0x96: {  	[sflag:s17] =	ssyncadd.s32 $0xFFFFC000  }
0x97: {  	_ =	swait.ge [sflag:s23], $0x4000  }
0x98: {  	[sflag:s23] =	ssyncset.done $0x0  }
0x99: {  	s26 =	simm.s32 $0x600;
	[sflag:s23] =	ssyncadd.s32 $0xFFFFC000  }
0x9a: {  	[tilespmem:s20], [sflag:$0x1] =	stream.indirect.gather [hbm4b:s4+s19], $0x80, s26, s19, $0xb8;
	[tilespmem:$0x1DC00] =	vst v63  }
0x9b: {  	s25 =	simm.s32 $0x1580  }
0x9c: {  	[spmem:s1] =	stream.indirect.scatter.add.f32 [tilespmem:s22], [sflag:$0x3], $0x80, s25, s19, $0xb8;
	[tilespmem:$0x1DC00] =	vst v63  }
0x9d: {  	_ =	swait.ge [sflag:s17], $0x4000  }
0x9e: {  	[sflag:s17] =	ssyncset.done $0x0  }
0x9f: {  	[sflag:s17] =	ssyncadd.s32 $0xFFFFC000  }
0xa0: {  	_ =	swait.ge [sflag:s21], $0x4000  }
0xa1: {  	[sflag:s21] =	ssyncset.done $0x0  }
0xa2: {  	[sflag:s21] =	ssyncadd.s32 $0xFFFFC000  }
0xa3: {  	[tilespmem:s22], [sflag:$0x2] =	stream.indirect.gather [hbm4b:s4+s19], $0x80, s28, s19, $0xb8;
	[tilespmem:$0x1DC00] =	vst v63  }
0xa4: {  	_ = 	snop  }
0xa5: {  	[spmem:s1] =	stream.indirect.scatter.add.f32 [tilespmem:s20], [sflag:$0x3], $0x80, s29, s19, $0xb8;
	[tilespmem:$0x1DC00] =	vst v63  }
0xa6: {  	_ =	swait.ge [sflag:s17], $0x4000  }
0xa7: {  	[sflag:s17] =	ssyncset.done $0x0  }
0xa8: {  	[sflag:s17] =	ssyncadd.s32 $0xFFFFC000  }
0xa9: {  	_ =	swait.ge [sflag:s23], $0x4000  }
0xaa: {  	[sflag:s23] =	ssyncset.done $0x0  }
0xab: {  	[sflag:s23] =	ssyncadd.s32 $0xFFFFC000  }
0xac: {  	[tilespmem:s20], [sflag:$0x1] =	stream.indirect.gather [hbm4b:s4+s19], $0x80, s11, s19, $0xb8;
	[tilespmem:$0x1DC00] =	vst v63  }
0xad: {  	_ = 	snop  }
0xae: {  	[spmem:s1] =	stream.indirect.scatter.add.f32 [tilespmem:s22], [sflag:$0x3], $0x80, s30, s19, $0xb8;
	[tilespmem:$0x1DC00] =	vst v63  }
0xaf: {  	_ =	swait.ge [sflag:s17], $0x4000  }
0xb0: {  	[sflag:s17] =	ssyncset.done $0x0  }
0xb1: {  	[sflag:s17] =	ssyncadd.s32 $0xFFFFC000  }
0xb2: {  	_ =	swait.ge [sflag:s21], $0x4000  }
0xb3: {  	[sflag:s21] =	ssyncset.done $0x0  }
0xb4: {  	[sflag:s21] =	ssyncadd.s32 $0xFFFFC000  }
0xb5: {  	[tilespmem:s22], [sflag:$0x2] =	stream.indirect.gather [hbm4b:s4+s19], $0x80, s31, s19, $0xb8;
	[tilespmem:$0x1DC00] =	vst v63  }
0xb6: {  	_ = 	snop  }
0xb7: {  	[spmem:s1] =	stream.indirect.scatter.add.f32 [tilespmem:s20], [sflag:$0x3], $0x80, s0, s19, $0xb8;
	[tilespmem:$0x1DC00] =	vst v63  }
0xb8: {  	_ =	swait.ge [sflag:s17], $0x4000  }
0xb9: {  	[sflag:s17] =	ssyncset.done $0x0  }
0xba: {  	[sflag:s17] =	ssyncadd.s32 $0xFFFFC000  }
0xbb: {  	_ =	swait.ge [sflag:s23], $0x4000  }
0xbc: {  	[sflag:s23] =	ssyncset.done $0x0  }
0xbd: {  	[sflag:s23] =	ssyncadd.s32 $0xFFFFC000  }
0xbe: {  	[tilespmem:s20], [sflag:$0x1] =	stream.indirect.gather [hbm4b:s4+s19], $0x80, s6, s19, $0xb8;
	[tilespmem:$0x1DC00] =	vst v63  }
0xbf: {  	_ = 	snop  }
0xc0: {  	[spmem:s1] =	stream.indirect.scatter.add.f32 [tilespmem:s22], [sflag:$0x3], $0x80, s12, s19, $0xb8;
	[tilespmem:$0x1DC00] =	vst v63  }
0xc1: {  	_ =	swait.ge [sflag:s17], $0x4000  }
0xc2: {  	[sflag:s17] =	ssyncset.done $0x0  }
0xc3: {  	[sflag:s17] =	ssyncadd.s32 $0xFFFFC000  }
0xc4: {  	_ =	swait.ge [sflag:s21], $0x4000  }
0xc5: {  	[sflag:s21] =	ssyncset.done $0x0  }
0xc6: {  	[sflag:s21] =	ssyncadd.s32 $0xFFFFC000  }
0xc7: {  	[tilespmem:s6], [sflag:$0x3] =	stream.linear.gather [hbm4b:s14+s6], $0x1000, $0x38;
	[tilespmem:$0x1DC00] =	vst v63  }
0xc8: {  	_ =	swait.ge [sflag:s17], $0x1000  }
0xc9: {  	[sflag:s17] =	ssyncset.done $0x0  }
0xca: {  	[sflag:s17] =	ssyncadd.s32 $0xFFFFF000  }
0xcb: {  	[tilespmem:s18], [sflag:$0x3] =	stream.linear.gather [hbm4b:s15+s6], $0x1000, $0x38;
	[tilespmem:$0x1DC00] =	vst v63  }
0xcc: {  	_ =	swait.ge [sflag:s17], $0x1000  }
0xcd: {  	[sflag:s17] =	ssyncset.done $0x0  }
0xce: {  	[sflag:s17] =	ssyncadd.s32 $0xFFFFF000  }
0xcf: {  	[tilespmem:s20], [sflag:$0x1] =	stream.indirect.gather [hbm4b:s4+s19], $0x80, s6, s19, $0xb8;
	[tilespmem:$0x1DC00] =	vst v63  }
0xd0: {  	_ =	swait.ge [sflag:s21], $0x4000  }
0xd1: {  	[sflag:s21] =	ssyncset.done $0x0  }
0xd2: {  	s26 =	simm.s32 $0x80;
	[sflag:s21] =	ssyncadd.s32 $0xFFFFC000  }
0xd3: {  	[tilespmem:s22], [sflag:$0x2] =	stream.indirect.gather [hbm4b:s4+s19], $0x80, s26, s19, $0xb8;
	[tilespmem:$0x1DC00] =	vst v63  }
0xd4: {  	s13 =	simm.s32 $0x1000  }
0xd5: {  	[spmem:s1] =	stream.indirect.scatter.add.f32 [tilespmem:s20], [sflag:$0x3], $0x80, s13, s19, $0xb8;
	[tilespmem:$0x1DC00] =	vst v63  }
0xd6: {  	_ =	swait.ge [sflag:s17], $0x4000  }
0xd7: {  	[sflag:s17] =	ssyncset.done $0x0  }
0xd8: {  	[sflag:s17] =	ssyncadd.s32 $0xFFFFC000  }
0xd9: {  	s6 =	simm.s32 $0x400;
	_ =	swait.ge [sflag:s23], $0x4000  }
0xda: {  	s25 =	sand.u32 $0x3C00, s6;
	[sflag:s23] =	ssyncset.done $0x0  }
0xdb: {  	s13 =	sshrl.u32 s25, $0x2;
	[sflag:s23] =	ssyncadd.s32 $0xFFFFC000  }
0xdc: {  	[tilespmem:s20], [sflag:$0x1] =	stream.indirect.gather [hbm4b:s4+s19], $0x80, s13, s19, $0xb8;
	[tilespmem:$0x1DC00] =	vst v63  }
0xdd: {  	s26 =	simm.s32 $0x1080  }
0xde: {  	[spmem:s1] =	stream.indirect.scatter.add.f32 [tilespmem:s22], [sflag:$0x3], $0x80, s26, s19, $0xb8;
	[tilespmem:$0x1DC00] =	vst v63  }
0xdf: {  	_ =	swait.ge [sflag:s17], $0x4000  }
0xe0: {  	[sflag:s17] =	ssyncset.done $0x0  }
.LBB2_8:
0xe1: {  	p1 =	sne.s32 s6, $0x3C00  }
0xe2: {  	[sflag:s17] =	ssyncadd.s32 $0xFFFFC000;
	s13 =	smov.u32 s6;
	s6 =	sadd.s32 $0x400, s6  }
0xe3: {  	s25 =	sand.u32 $0x3C00, s6  }
0xe4: {  	_ =	swait.ge [sflag:s21], $0x4000  }
0xe5: {  	s13 =	sshra.s32 s13, $0x2;
	[sflag:s21] =	ssyncset.done $0x0  }
0xe6: {  	s26 =	sadd.s32 $0x80, s13;
	[sflag:s21] =	ssyncadd.s32 $0xFFFFC000  }
0xe7: {  	[tilespmem:s22], [sflag:$0x2] =	stream.indirect.gather [hbm4b:s4+s19], $0x80, s26, s19, $0xb8;
	[tilespmem:$0x1DC00] =	vst v63  }
0xe8: {  	s26 =	sadd.s32 $0x1000, s13  }
0xe9: {  	[spmem:s1] =	stream.indirect.scatter.add.f32 [tilespmem:s20], [sflag:$0x3], $0x80, s26, s19, $0xb8;
	[tilespmem:$0x1DC00] =	vst v63  }
0xea: {  	_ =	swait.ge [sflag:s17], $0x4000  }
0xeb: {  	[sflag:s17] =	ssyncset.done $0x0  }
0xec: {  	[sflag:s17] =	ssyncadd.s32 $0xFFFFC000  }
0xed: {  	_ =	swait.ge [sflag:s23], $0x4000  }
0xee: {  	[sflag:s23] =	ssyncset.done $0x0  }
0xef: {  	s25 =	sshrl.u32 s25, $0x2;
	[sflag:s23] =	ssyncadd.s32 $0xFFFFC000  }
0xf0: {  	[tilespmem:s20], [sflag:$0x1] =	stream.indirect.gather [hbm4b:s4+s19], $0x80, s25, s19, $0xb8;
	[tilespmem:$0x1DC00] =	vst v63  }
.Ltmp3:
0xf1: {  	_ = 	snop;
	(pc) =	sbr.rel @p1 .LBB2_8-.Ltmp3, $4  }
0xf2: {  	s13 =	sadd.s32 $0x1080, s13  }
0xf3: {  	[spmem:s1] =	stream.indirect.scatter.add.f32 [tilespmem:s22], [sflag:$0x3], $0x80, s13, s19, $0xb8;
	[tilespmem:$0x1DC00] =	vst v63  }
0xf4: {  	_ =	swait.ge [sflag:s17], $0x4000  }
0xf5: {  	[sflag:s17] =	ssyncset.done $0x0  }
0xf6: {  	[sflag:s17] =	ssyncadd.s32 $0xFFFFC000  }
0xf7: {  	_ =	swait.ge [sflag:s21], $0x4000  }
0xf8: {  	[sflag:s21] =	ssyncset.done $0x0  }
0xf9: {  	s6 =	sadd.s32 $0x200, s14;
	s13 =	simm.s32 $0x0;
	[sflag:s21] =	ssyncadd.s32 $0xFFFFC000  }
0xfa: {  	[tilespmem:s13], [sflag:$0x3] =	stream.linear.gather [hbm4b:s6+s13], $0x1000, $0x38;
	[tilespmem:$0x1DC00] =	vst v63  }
0xfb: {  	_ =	swait.ge [sflag:s17], $0x1000  }
0xfc: {  	[sflag:s17] =	ssyncset.done $0x0  }
0xfd: {  	s25 =	sadd.s32 $0x200, s15;
	[sflag:s17] =	ssyncadd.s32 $0xFFFFF000  }
0xfe: {  	[tilespmem:s18], [sflag:$0x3] =	stream.linear.gather [hbm4b:s25+s13], $0x1000, $0x38;
	[tilespmem:$0x1DC00] =	vst v63  }
0xff: {  	_ =	swait.ge [sflag:s17], $0x1000  }
0x100: {  	[sflag:s17] =	ssyncset.done $0x0  }
0x101: {  	[sflag:s17] =	ssyncadd.s32 $0xFFFFF000  }
0x102: {  	[tilespmem:s20], [sflag:$0x1] =	stream.indirect.gather [hbm4b:s4+s19], $0x80, s13, s19, $0xb8;
	[tilespmem:$0x1DC00] =	vst v63  }
0x103: {  	_ =	swait.ge [sflag:s21], $0x4000  }
0x104: {  	[sflag:s21] =	ssyncset.done $0x0  }
0x105: {  	s26 =	simm.s32 $0x80;
	[sflag:s21] =	ssyncadd.s32 $0xFFFFC000  }
0x106: {  	[tilespmem:s22], [sflag:$0x2] =	stream.indirect.gather [hbm4b:s4+s19], $0x80, s26, s19, $0xb8;
	[tilespmem:$0x1DC00] =	vst v63  }
0x107: {  	s13 =	simm.s32 $0x1000  }
0x108: {  	[spmem:s1] =	stream.indirect.scatter.add.f32 [tilespmem:s20], [sflag:$0x3], $0x80, s13, s19, $0xb8;
	[tilespmem:$0x1DC00] =	vst v63  }
0x109: {  	_ =	swait.ge [sflag:s17], $0x4000  }
0x10a: {  	[sflag:s17] =	ssyncset.done $0x0  }
0x10b: {  	[sflag:s17] =	ssyncadd.s32 $0xFFFFC000  }
0x10c: {  	s6 =	simm.s32 $0x400;
	_ =	swait.ge [sflag:s23], $0x4000  }
0x10d: {  	s25 =	sand.u32 $0x3C00, s6;
	[sflag:s23] =	ssyncset.done $0x0  }
0x10e: {  	s13 =	sshrl.u32 s25, $0x2;
	[sflag:s23] =	ssyncadd.s32 $0xFFFFC000  }
0x10f: {  	[tilespmem:s20], [sflag:$0x1] =	stream.indirect.gather [hbm4b:s4+s19], $0x80, s13, s19, $0xb8;
	[tilespmem:$0x1DC00] =	vst v63  }
0x110: {  	s26 =	simm.s32 $0x1080  }
0x111: {  	[spmem:s1] =	stream.indirect.scatter.add.f32 [tilespmem:s22], [sflag:$0x3], $0x80, s26, s19, $0xb8;
	[tilespmem:$0x1DC00] =	vst v63  }
0x112: {  	_ =	swait.ge [sflag:s17], $0x4000  }
0x113: {  	[sflag:s17] =	ssyncset.done $0x0  }
.LBB2_10:
0x114: {  	p1 =	sne.s32 s6, $0x3C00  }
0x115: {  	[sflag:s17] =	ssyncadd.s32 $0xFFFFC000;
	s13 =	smov.u32 s6;
	s6 =	sadd.s32 $0x400, s6  }
0x116: {  	s25 =	sand.u32 $0x3C00, s6  }
0x117: {  	_ =	swait.ge [sflag:s21], $0x4000  }
0x118: {  	s13 =	sshra.s32 s13, $0x2;
	[sflag:s21] =	ssyncset.done $0x0  }
0x119: {  	s26 =	sadd.s32 $0x80, s13;
	[sflag:s21] =	ssyncadd.s32 $0xFFFFC000  }
0x11a: {  	[tilespmem:s22], [sflag:$0x2] =	stream.indirect.gather [hbm4b:s4+s19], $0x80, s26, s19, $0xb8;
	[tilespmem:$0x1DC00] =	vst v63  }
0x11b: {  	s26 =	sadd.s32 $0x1000, s13  }
0x11c: {  	[spmem:s1] =	stream.indirect.scatter.add.f32 [tilespmem:s20], [sflag:$0x3], $0x80, s26, s19, $0xb8;
	[tilespmem:$0x1DC00] =	vst v63  }
0x11d: {  	_ =	swait.ge [sflag:s17], $0x4000  }
0x11e: {  	[sflag:s17] =	ssyncset.done $0x0  }
0x11f: {  	[sflag:s17] =	ssyncadd.s32 $0xFFFFC000  }
0x120: {  	_ =	swait.ge [sflag:s23], $0x4000  }
0x121: {  	[sflag:s23] =	ssyncset.done $0x0  }
0x122: {  	s25 =	sshrl.u32 s25, $0x2;
	[sflag:s23] =	ssyncadd.s32 $0xFFFFC000  }
0x123: {  	[tilespmem:s20], [sflag:$0x1] =	stream.indirect.gather [hbm4b:s4+s19], $0x80, s25, s19, $0xb8;
	[tilespmem:$0x1DC00] =	vst v63  }
.Ltmp4:
0x124: {  	_ = 	snop;
	(pc) =	sbr.rel @p1 .LBB2_10-.Ltmp4, $4  }
0x125: {  	s13 =	sadd.s32 $0x1080, s13  }
0x126: {  	[spmem:s1] =	stream.indirect.scatter.add.f32 [tilespmem:s22], [sflag:$0x3], $0x80, s13, s19, $0xb8;
	[tilespmem:$0x1DC00] =	vst v63  }
0x127: {  	_ =	swait.ge [sflag:s17], $0x4000  }
0x128: {  	[sflag:s17] =	ssyncset.done $0x0  }
.Ltmp5:
0x129: {  	_ = 	snop;
	(pc) =	sbr.rel .LBB2_11-.Ltmp5, $1  }
0x12a: {  	_ =	sdelay $0x3  }
.LBB2_2:
0x12b: {  	s5 =	rddreg [dreg:$0x3]  }
0x12c: {  	[tilespmem:s6], [sflag:$0x3] =	stream.linear.gather [hbm4b:s5+s6], $0x800, $0x38;
	[tilespmem:$0x1DC00] =	vst v63  }
0x12d: {  	_ =	swait.ge [sflag:s17], $0x800  }
0x12e: {  	[sflag:s17] =	ssyncset.done $0x0  }
0x12f: {  	s13 =	rddreg [dreg:$0x4];
	[sflag:s17] =	ssyncadd.s32 $0xFFFFF800  }
0x130: {  	[tilespmem:s18], [sflag:$0x3] =	stream.linear.gather [hbm4b:s13+s6], $0x800, $0x38;
	[tilespmem:$0x1DC00] =	vst v63  }
0x131: {  	_ =	swait.ge [sflag:s17], $0x800  }
0x132: {  	s25 =	sshll.u32 s3, $0x6;
	[sflag:s17] =	ssyncset.done $0x0  }
0x133: {  	s5 =	sor.u32 $0x1C03, s25;
	s13 =	sshrl.u32 s7, $0x3;
	[sflag:s17] =	ssyncadd.s32 $0xFFFFF800  }
0x134: {  	[tilespmem:s20], [sflag:$0x1] =	stream.indirect.gather [hbm4b:s4+s19], $0x80, s6, s19, $0xb8;
	[tilespmem:$0x1DC00] =	vst v63  }
0x135: {  	[spmem:s13], [sflag:s5] =	dma.local [hbm:s8], $0x2780  }
0x136: {  	_ =	swait.ge [sflag:s17], $0x2780  }
0x137: {  	[sflag:s17] =	ssyncset.done $0x0  }
0x138: {  	[sflag:s17] =	ssyncadd.s32 $0xFFFFD880  }
0x139: {  	[bflag:$0x0] =	sbarrier.arrive $0xFFFF  }
0x13a: {  	_ =	swait.ge [sflag:s21], $0x4000  }
0x13b: {  	[sflag:s21] =	ssyncset.done $0x0  }
0x13c: {  	[sflag:s21] =	ssyncadd.s32 $0xFFFFC000  }
0x13d: {  	[tilespmem:s22], [sflag:$0x2] =	stream.indirect.gather [hbm4b:s4+s19], $0x80, s19, s19, $0xb8;
	[tilespmem:$0x1DC00] =	vst v63  }
0x13e: {  	_ = 	snop  }
0x13f: {  	[spmem:s1] =	stream.indirect.scatter.add.f32 [tilespmem:s20], [sflag:$0x3], $0x80, s18, s19, $0xb8;
	[tilespmem:$0x1DC00] =	vst v63  }
0x140: {  	_ =	swait.ge [sflag:s17], $0x4000  }
0x141: {  	[sflag:s17] =	ssyncset.done $0x0  }
0x142: {  	[sflag:s17] =	ssyncadd.s32 $0xFFFFC000  }
0x143: {  	_ =	swait.ge [sflag:s23], $0x4000  }
0x144: {  	[sflag:s23] =	ssyncset.done $0x0  }
0x145: {  	s26 =	simm.s32 $0x100;
	[sflag:s23] =	ssyncadd.s32 $0xFFFFC000  }
0x146: {  	[tilespmem:s20], [sflag:$0x1] =	stream.indirect.gather [hbm4b:s4+s19], $0x80, s26, s19, $0xb8;
	[tilespmem:$0x1DC00] =	vst v63  }
0x147: {  	s25 =	simm.s32 $0x1080  }
0x148: {  	[spmem:s1] =	stream.indirect.scatter.add.f32 [tilespmem:s22], [sflag:$0x3], $0x80, s25, s19, $0xb8;
	[tilespmem:$0x1DC00] =	vst v63  }
0x149: {  	_ =	swait.ge [sflag:s17], $0x4000  }
0x14a: {  	[sflag:s17] =	ssyncset.done $0x0  }
0x14b: {  	[sflag:s17] =	ssyncadd.s32 $0xFFFFC000  }
0x14c: {  	_ =	swait.ge [sflag:s21], $0x4000  }
0x14d: {  	[sflag:s21] =	ssyncset.done $0x0  }
0x14e: {  	s26 =	simm.s32 $0x180;
	[sflag:s21] =	ssyncadd.s32 $0xFFFFC000  }
0x14f: {  	[tilespmem:s22], [sflag:$0x2] =	stream.indirect.gather [hbm4b:s4+s19], $0x80, s26, s19, $0xb8;
	[tilespmem:$0x1DC00] =	vst v63  }
0x150: {  	s25 =	simm.s32 $0x1100  }
0x151: {  	[spmem:s1] =	stream.indirect.scatter.add.f32 [tilespmem:s20], [sflag:$0x3], $0x80, s25, s19, $0xb8;
	[tilespmem:$0x1DC00] =	vst v63  }
0x152: {  	_ =	swait.ge [sflag:s17], $0x4000  }
0x153: {  	[sflag:s17] =	ssyncset.done $0x0  }
0x154: {  	[sflag:s17] =	ssyncadd.s32 $0xFFFFC000  }
0x155: {  	_ =	swait.ge [sflag:s23], $0x4000  }
0x156: {  	[sflag:s23] =	ssyncset.done $0x0  }
0x157: {  	s26 =	simm.s32 $0x200;
	[sflag:s23] =	ssyncadd.s32 $0xFFFFC000  }
0x158: {  	[tilespmem:s20], [sflag:$0x1] =	stream.indirect.gather [hbm4b:s4+s19], $0x80, s26, s19, $0xb8;
	[tilespmem:$0x1DC00] =	vst v63  }
0x159: {  	s25 =	simm.s32 $0x1180  }
0x15a: {  	[spmem:s1] =	stream.indirect.scatter.add.f32 [tilespmem:s22], [sflag:$0x3], $0x80, s25, s19, $0xb8;
	[tilespmem:$0x1DC00] =	vst v63  }
0x15b: {  	_ =	swait.ge [sflag:s17], $0x4000  }
0x15c: {  	[sflag:s17] =	ssyncset.done $0x0  }
0x15d: {  	[sflag:s17] =	ssyncadd.s32 $0xFFFFC000  }
0x15e: {  	_ =	swait.ge [sflag:s21], $0x4000  }
0x15f: {  	[sflag:s21] =	ssyncset.done $0x0  }
0x160: {  	s26 =	simm.s32 $0x280;
	[sflag:s21] =	ssyncadd.s32 $0xFFFFC000  }
0x161: {  	[tilespmem:s22], [sflag:$0x2] =	stream.indirect.gather [hbm4b:s4+s19], $0x80, s26, s19, $0xb8;
	[tilespmem:$0x1DC00] =	vst v63  }
0x162: {  	s25 =	simm.s32 $0x1200  }
0x163: {  	[spmem:s1] =	stream.indirect.scatter.add.f32 [tilespmem:s20], [sflag:$0x3], $0x80, s25, s19, $0xb8;
	[tilespmem:$0x1DC00] =	vst v63  }
0x164: {  	_ =	swait.ge [sflag:s17], $0x4000  }
0x165: {  	[sflag:s17] =	ssyncset.done $0x0  }
0x166: {  	[sflag:s17] =	ssyncadd.s32 $0xFFFFC000  }
0x167: {  	_ =	swait.ge [sflag:s23], $0x4000  }
0x168: {  	[sflag:s23] =	ssyncset.done $0x0  }
0x169: {  	s26 =	simm.s32 $0x300;
	[sflag:s23] =	ssyncadd.s32 $0xFFFFC000  }
0x16a: {  	[tilespmem:s20], [sflag:$0x1] =	stream.indirect.gather [hbm4b:s4+s19], $0x80, s26, s19, $0xb8;
	[tilespmem:$0x1DC00] =	vst v63  }
0x16b: {  	s25 =	simm.s32 $0x1280  }
0x16c: {  	[spmem:s1] =	stream.indirect.scatter.add.f32 [tilespmem:s22], [sflag:$0x3], $0x80, s25, s19, $0xb8;
	[tilespmem:$0x1DC00] =	vst v63  }
0x16d: {  	_ =	swait.ge [sflag:s17], $0x4000  }
0x16e: {  	[sflag:s17] =	ssyncset.done $0x0  }
0x16f: {  	[sflag:s17] =	ssyncadd.s32 $0xFFFFC000  }
0x170: {  	_ =	swait.ge [sflag:s21], $0x4000  }
0x171: {  	[sflag:s21] =	ssyncset.done $0x0  }
0x172: {  	s26 =	simm.s32 $0x380;
	[sflag:s21] =	ssyncadd.s32 $0xFFFFC000  }
0x173: {  	[tilespmem:s22], [sflag:$0x2] =	stream.indirect.gather [hbm4b:s4+s19], $0x80, s26, s19, $0xb8;
	[tilespmem:$0x1DC00] =	vst v63  }
0x174: {  	s25 =	simm.s32 $0x1300  }
0x175: {  	[spmem:s1] =	stream.indirect.scatter.add.f32 [tilespmem:s20], [sflag:$0x3], $0x80, s25, s19, $0xb8;
	[tilespmem:$0x1DC00] =	vst v63  }
0x176: {  	_ =	swait.ge [sflag:s17], $0x4000  }
0x177: {  	[sflag:s17] =	ssyncset.done $0x0  }
0x178: {  	[sflag:s17] =	ssyncadd.s32 $0xFFFFC000  }
0x179: {  	_ =	swait.ge [sflag:s23], $0x4000  }
0x17a: {  	[sflag:s23] =	ssyncset.done $0x0  }
0x17b: {  	s26 =	simm.s32 $0x400;
	[sflag:s23] =	ssyncadd.s32 $0xFFFFC000  }
0x17c: {  	[tilespmem:s20], [sflag:$0x1] =	stream.indirect.gather [hbm4b:s4+s19], $0x80, s26, s19, $0xb8;
	[tilespmem:$0x1DC00] =	vst v63  }
0x17d: {  	s25 =	simm.s32 $0x1380  }
0x17e: {  	[spmem:s1] =	stream.indirect.scatter.add.f32 [tilespmem:s22], [sflag:$0x3], $0x80, s25, s19, $0xb8;
	[tilespmem:$0x1DC00] =	vst v63  }
0x17f: {  	_ =	swait.ge [sflag:s17], $0x4000  }
0x180: {  	[sflag:s17] =	ssyncset.done $0x0  }
0x181: {  	[sflag:s17] =	ssyncadd.s32 $0xFFFFC000  }
0x182: {  	_ =	swait.ge [sflag:s21], $0x4000  }
0x183: {  	[sflag:s21] =	ssyncset.done $0x0  }
0x184: {  	s26 =	simm.s32 $0x480;
	[sflag:s21] =	ssyncadd.s32 $0xFFFFC000  }
0x185: {  	[tilespmem:s22], [sflag:$0x2] =	stream.indirect.gather [hbm4b:s4+s19], $0x80, s26, s19, $0xb8;
	[tilespmem:$0x1DC00] =	vst v63  }
0x186: {  	s25 =	simm.s32 $0x1400  }
0x187: {  	[spmem:s1] =	stream.indirect.scatter.add.f32 [tilespmem:s20], [sflag:$0x3], $0x80, s25, s19, $0xb8;
	[tilespmem:$0x1DC00] =	vst v63  }
0x188: {  	_ =	swait.ge [sflag:s17], $0x4000  }
0x189: {  	[sflag:s17] =	ssyncset.done $0x0  }
0x18a: {  	[sflag:s17] =	ssyncadd.s32 $0xFFFFC000  }
0x18b: {  	_ =	swait.ge [sflag:s23], $0x4000  }
0x18c: {  	[sflag:s23] =	ssyncset.done $0x0  }
0x18d: {  	s26 =	simm.s32 $0x500;
	[sflag:s23] =	ssyncadd.s32 $0xFFFFC000  }
0x18e: {  	[tilespmem:s20], [sflag:$0x1] =	stream.indirect.gather [hbm4b:s4+s19], $0x80, s26, s19, $0xb8;
	[tilespmem:$0x1DC00] =	vst v63  }
0x18f: {  	s25 =	simm.s32 $0x1480  }
0x190: {  	[spmem:s1] =	stream.indirect.scatter.add.f32 [tilespmem:s22], [sflag:$0x3], $0x80, s25, s19, $0xb8;
	[tilespmem:$0x1DC00] =	vst v63  }
0x191: {  	_ =	swait.ge [sflag:s17], $0x4000  }
0x192: {  	[sflag:s17] =	ssyncset.done $0x0  }
0x193: {  	[sflag:s17] =	ssyncadd.s32 $0xFFFFC000  }
0x194: {  	_ =	swait.ge [sflag:s21], $0x4000  }
0x195: {  	[sflag:s21] =	ssyncset.done $0x0  }
0x196: {  	s26 =	simm.s32 $0x580;
	[sflag:s21] =	ssyncadd.s32 $0xFFFFC000  }
0x197: {  	[tilespmem:s22], [sflag:$0x2] =	stream.indirect.gather [hbm4b:s4+s19], $0x80, s26, s19, $0xb8;
	[tilespmem:$0x1DC00] =	vst v63  }
0x198: {  	s25 =	simm.s32 $0x1500  }
0x199: {  	[spmem:s1] =	stream.indirect.scatter.add.f32 [tilespmem:s20], [sflag:$0x3], $0x80, s25, s19, $0xb8;
	[tilespmem:$0x1DC00] =	vst v63  }
0x19a: {  	_ =	swait.ge [sflag:s17], $0x4000  }
0x19b: {  	[sflag:s17] =	ssyncset.done $0x0  }
0x19c: {  	[sflag:s17] =	ssyncadd.s32 $0xFFFFC000  }
0x19d: {  	_ =	swait.ge [sflag:s23], $0x4000  }
0x19e: {  	[sflag:s23] =	ssyncset.done $0x0  }
0x19f: {  	s26 =	simm.s32 $0x600;
	[sflag:s23] =	ssyncadd.s32 $0xFFFFC000  }
0x1a0: {  	[tilespmem:s20], [sflag:$0x1] =	stream.indirect.gather [hbm4b:s4+s19], $0x80, s26, s19, $0xb8;
	[tilespmem:$0x1DC00] =	vst v63  }
0x1a1: {  	s25 =	simm.s32 $0x1580  }
0x1a2: {  	[spmem:s1] =	stream.indirect.scatter.add.f32 [tilespmem:s22], [sflag:$0x3], $0x80, s25, s19, $0xb8;
	[tilespmem:$0x1DC00] =	vst v63  }
0x1a3: {  	_ =	swait.ge [sflag:s17], $0x4000  }
0x1a4: {  	[sflag:s17] =	ssyncset.done $0x0  }
0x1a5: {  	[sflag:s17] =	ssyncadd.s32 $0xFFFFC000  }
0x1a6: {  	_ =	swait.ge [sflag:s21], $0x4000  }
0x1a7: {  	[sflag:s21] =	ssyncset.done $0x0  }
0x1a8: {  	[sflag:s21] =	ssyncadd.s32 $0xFFFFC000  }
0x1a9: {  	[tilespmem:s22], [sflag:$0x2] =	stream.indirect.gather [hbm4b:s4+s19], $0x80, s28, s19, $0xb8;
	[tilespmem:$0x1DC00] =	vst v63  }
0x1aa: {  	_ = 	snop  }
0x1ab: {  	[spmem:s1] =	stream.indirect.scatter.add.f32 [tilespmem:s20], [sflag:$0x3], $0x80, s29, s19, $0xb8;
	[tilespmem:$0x1DC00] =	vst v63  }
0x1ac: {  	_ =	swait.ge [sflag:s17], $0x4000  }
0x1ad: {  	[sflag:s17] =	ssyncset.done $0x0  }
0x1ae: {  	[sflag:s17] =	ssyncadd.s32 $0xFFFFC000  }
0x1af: {  	_ =	swait.ge [sflag:s23], $0x4000  }
0x1b0: {  	[sflag:s23] =	ssyncset.done $0x0  }
0x1b1: {  	[sflag:s23] =	ssyncadd.s32 $0xFFFFC000  }
0x1b2: {  	[tilespmem:s20], [sflag:$0x1] =	stream.indirect.gather [hbm4b:s4+s19], $0x80, s11, s19, $0xb8;
	[tilespmem:$0x1DC00] =	vst v63  }
0x1b3: {  	_ = 	snop  }
0x1b4: {  	[spmem:s1] =	stream.indirect.scatter.add.f32 [tilespmem:s22], [sflag:$0x3], $0x80, s30, s19, $0xb8;
	[tilespmem:$0x1DC00] =	vst v63  }
0x1b5: {  	_ =	swait.ge [sflag:s17], $0x4000  }
0x1b6: {  	[sflag:s17] =	ssyncset.done $0x0  }
0x1b7: {  	[sflag:s17] =	ssyncadd.s32 $0xFFFFC000  }
0x1b8: {  	_ =	swait.ge [sflag:s21], $0x4000  }
0x1b9: {  	[sflag:s21] =	ssyncset.done $0x0  }
0x1ba: {  	[sflag:s21] =	ssyncadd.s32 $0xFFFFC000  }
0x1bb: {  	[tilespmem:s22], [sflag:$0x2] =	stream.indirect.gather [hbm4b:s4+s19], $0x80, s31, s19, $0xb8;
	[tilespmem:$0x1DC00] =	vst v63  }
0x1bc: {  	_ = 	snop  }
0x1bd: {  	[spmem:s1] =	stream.indirect.scatter.add.f32 [tilespmem:s20], [sflag:$0x3], $0x80, s0, s19, $0xb8;
	[tilespmem:$0x1DC00] =	vst v63  }
0x1be: {  	_ =	swait.ge [sflag:s17], $0x4000  }
0x1bf: {  	[sflag:s17] =	ssyncset.done $0x0  }
0x1c0: {  	[sflag:s17] =	ssyncadd.s32 $0xFFFFC000  }
0x1c1: {  	_ =	swait.ge [sflag:s23], $0x4000  }
0x1c2: {  	[sflag:s23] =	ssyncset.done $0x0  }
0x1c3: {  	[sflag:s23] =	ssyncadd.s32 $0xFFFFC000  }
0x1c4: {  	[tilespmem:s20], [sflag:$0x1] =	stream.indirect.gather [hbm4b:s4+s19], $0x80, s6, s19, $0xb8;
	[tilespmem:$0x1DC00] =	vst v63  }
0x1c5: {  	_ = 	snop  }
0x1c6: {  	[spmem:s1] =	stream.indirect.scatter.add.f32 [tilespmem:s22], [sflag:$0x3], $0x80, s12, s19, $0xb8;
	[tilespmem:$0x1DC00] =	vst v63  }
0x1c7: {  	_ =	swait.ge [sflag:s17], $0x4000  }
0x1c8: {  	[sflag:s17] =	ssyncset.done $0x0  }
0x1c9: {  	[sflag:s17] =	ssyncadd.s32 $0xFFFFC000  }
0x1ca: {  	_ =	swait.ge [sflag:s21], $0x4000  }
0x1cb: {  	[sflag:s21] =	ssyncset.done $0x0  }
0x1cc: {  	[sflag:s21] =	ssyncadd.s32 $0xFFFFC000  }
0x1cd: {  	[tilespmem:s6], [sflag:$0x3] =	stream.linear.gather [hbm4b:s9+s6], $0x1000, $0x38;
	[tilespmem:$0x1DC00] =	vst v63  }
0x1ce: {  	_ =	swait.ge [sflag:s17], $0x1000  }
0x1cf: {  	[sflag:s17] =	ssyncset.done $0x0  }
0x1d0: {  	[sflag:s17] =	ssyncadd.s32 $0xFFFFF000  }
0x1d1: {  	[tilespmem:s18], [sflag:$0x3] =	stream.linear.gather [hbm4b:s10+s6], $0x1000, $0x38;
	[tilespmem:$0x1DC00] =	vst v63  }
0x1d2: {  	_ =	swait.ge [sflag:s17], $0x1000  }
0x1d3: {  	[sflag:s17] =	ssyncset.done $0x0  }
0x1d4: {  	[sflag:s17] =	ssyncadd.s32 $0xFFFFF000  }
0x1d5: {  	[tilespmem:s20], [sflag:$0x1] =	stream.indirect.gather [hbm4b:s4+s19], $0x80, s6, s19, $0xb8;
	[tilespmem:$0x1DC00] =	vst v63  }
0x1d6: {  	_ =	swait.ge [sflag:s21], $0x4000  }
0x1d7: {  	[sflag:s21] =	ssyncset.done $0x0  }
0x1d8: {  	s26 =	simm.s32 $0x80;
	[sflag:s21] =	ssyncadd.s32 $0xFFFFC000  }
0x1d9: {  	[tilespmem:s22], [sflag:$0x2] =	stream.indirect.gather [hbm4b:s4+s19], $0x80, s26, s19, $0xb8;
	[tilespmem:$0x1DC00] =	vst v63  }
0x1da: {  	s13 =	simm.s32 $0x1000  }
0x1db: {  	[spmem:s1] =	stream.indirect.scatter.add.f32 [tilespmem:s20], [sflag:$0x3], $0x80, s13, s19, $0xb8;
	[tilespmem:$0x1DC00] =	vst v63  }
0x1dc: {  	_ =	swait.ge [sflag:s17], $0x4000  }
0x1dd: {  	[sflag:s17] =	ssyncset.done $0x0  }
0x1de: {  	[sflag:s17] =	ssyncadd.s32 $0xFFFFC000  }
0x1df: {  	s6 =	simm.s32 $0x400;
	_ =	swait.ge [sflag:s23], $0x4000  }
0x1e0: {  	s25 =	sand.u32 $0x3C00, s6;
	[sflag:s23] =	ssyncset.done $0x0  }
0x1e1: {  	s13 =	sshrl.u32 s25, $0x2;
	[sflag:s23] =	ssyncadd.s32 $0xFFFFC000  }
0x1e2: {  	[tilespmem:s20], [sflag:$0x1] =	stream.indirect.gather [hbm4b:s4+s19], $0x80, s13, s19, $0xb8;
	[tilespmem:$0x1DC00] =	vst v63  }
0x1e3: {  	s26 =	simm.s32 $0x1080  }
0x1e4: {  	[spmem:s1] =	stream.indirect.scatter.add.f32 [tilespmem:s22], [sflag:$0x3], $0x80, s26, s19, $0xb8;
	[tilespmem:$0x1DC00] =	vst v63  }
0x1e5: {  	_ =	swait.ge [sflag:s17], $0x4000  }
0x1e6: {  	[sflag:s17] =	ssyncset.done $0x0  }
.LBB2_3:
0x1e7: {  	p1 =	sne.s32 s6, $0x3C00  }
0x1e8: {  	[sflag:s17] =	ssyncadd.s32 $0xFFFFC000;
	s13 =	smov.u32 s6;
	s6 =	sadd.s32 $0x400, s6  }
0x1e9: {  	s25 =	sand.u32 $0x3C00, s6  }
0x1ea: {  	_ =	swait.ge [sflag:s21], $0x4000  }
0x1eb: {  	s13 =	sshra.s32 s13, $0x2;
	[sflag:s21] =	ssyncset.done $0x0  }
0x1ec: {  	s26 =	sadd.s32 $0x80, s13;
	[sflag:s21] =	ssyncadd.s32 $0xFFFFC000  }
0x1ed: {  	[tilespmem:s22], [sflag:$0x2] =	stream.indirect.gather [hbm4b:s4+s19], $0x80, s26, s19, $0xb8;
	[tilespmem:$0x1DC00] =	vst v63  }
0x1ee: {  	s26 =	sadd.s32 $0x1000, s13  }
0x1ef: {  	[spmem:s1] =	stream.indirect.scatter.add.f32 [tilespmem:s20], [sflag:$0x3], $0x80, s26, s19, $0xb8;
	[tilespmem:$0x1DC00] =	vst v63  }
0x1f0: {  	_ =	swait.ge [sflag:s17], $0x4000  }
0x1f1: {  	[sflag:s17] =	ssyncset.done $0x0  }
0x1f2: {  	[sflag:s17] =	ssyncadd.s32 $0xFFFFC000  }
0x1f3: {  	_ =	swait.ge [sflag:s23], $0x4000  }
0x1f4: {  	[sflag:s23] =	ssyncset.done $0x0  }
0x1f5: {  	s25 =	sshrl.u32 s25, $0x2;
	[sflag:s23] =	ssyncadd.s32 $0xFFFFC000  }
0x1f6: {  	[tilespmem:s20], [sflag:$0x1] =	stream.indirect.gather [hbm4b:s4+s19], $0x80, s25, s19, $0xb8;
	[tilespmem:$0x1DC00] =	vst v63  }
.Ltmp6:
0x1f7: {  	_ = 	snop;
	(pc) =	sbr.rel @p1 .LBB2_3-.Ltmp6, $4  }
0x1f8: {  	s13 =	sadd.s32 $0x1080, s13  }
0x1f9: {  	[spmem:s1] =	stream.indirect.scatter.add.f32 [tilespmem:s22], [sflag:$0x3], $0x80, s13, s19, $0xb8;
	[tilespmem:$0x1DC00] =	vst v63  }
0x1fa: {  	_ =	swait.ge [sflag:s17], $0x4000  }
0x1fb: {  	[sflag:s17] =	ssyncset.done $0x0  }
0x1fc: {  	[sflag:s17] =	ssyncadd.s32 $0xFFFFC000  }
0x1fd: {  	_ =	swait.ge [sflag:s21], $0x4000  }
0x1fe: {  	[sflag:s21] =	ssyncset.done $0x0  }
0x1ff: {  	s6 =	sadd.s32 $0x200, s9;
	s13 =	simm.s32 $0x0;
	[sflag:s21] =	ssyncadd.s32 $0xFFFFC000  }
0x200: {  	[tilespmem:s13], [sflag:$0x3] =	stream.linear.gather [hbm4b:s6+s13], $0x1000, $0x38;
	[tilespmem:$0x1DC00] =	vst v63  }
0x201: {  	_ =	swait.ge [sflag:s17], $0x1000  }
0x202: {  	[sflag:s17] =	ssyncset.done $0x0  }
0x203: {  	s25 =	sadd.s32 $0x200, s10;
	[sflag:s17] =	ssyncadd.s32 $0xFFFFF000  }
0x204: {  	[tilespmem:s18], [sflag:$0x3] =	stream.linear.gather [hbm4b:s25+s13], $0x1000, $0x38;
	[tilespmem:$0x1DC00] =	vst v63  }
0x205: {  	_ =	swait.ge [sflag:s17], $0x1000  }
0x206: {  	[sflag:s17] =	ssyncset.done $0x0  }
0x207: {  	[sflag:s17] =	ssyncadd.s32 $0xFFFFF000  }
0x208: {  	[tilespmem:s20], [sflag:$0x1] =	stream.indirect.gather [hbm4b:s4+s19], $0x80, s13, s19, $0xb8;
	[tilespmem:$0x1DC00] =	vst v63  }
0x209: {  	_ =	swait.ge [sflag:s21], $0x4000  }
0x20a: {  	[sflag:s21] =	ssyncset.done $0x0  }
0x20b: {  	s26 =	simm.s32 $0x80;
	[sflag:s21] =	ssyncadd.s32 $0xFFFFC000  }
0x20c: {  	[tilespmem:s22], [sflag:$0x2] =	stream.indirect.gather [hbm4b:s4+s19], $0x80, s26, s19, $0xb8;
	[tilespmem:$0x1DC00] =	vst v63  }
0x20d: {  	s13 =	simm.s32 $0x1000  }
0x20e: {  	[spmem:s1] =	stream.indirect.scatter.add.f32 [tilespmem:s20], [sflag:$0x3], $0x80, s13, s19, $0xb8;
	[tilespmem:$0x1DC00] =	vst v63  }
0x20f: {  	_ =	swait.ge [sflag:s17], $0x4000  }
0x210: {  	[sflag:s17] =	ssyncset.done $0x0  }
0x211: {  	[sflag:s17] =	ssyncadd.s32 $0xFFFFC000  }
0x212: {  	s6 =	simm.s32 $0x400;
	_ =	swait.ge [sflag:s23], $0x4000  }
0x213: {  	s25 =	sand.u32 $0x3C00, s6;
	[sflag:s23] =	ssyncset.done $0x0  }
0x214: {  	s13 =	sshrl.u32 s25, $0x2;
	[sflag:s23] =	ssyncadd.s32 $0xFFFFC000  }
0x215: {  	[tilespmem:s20], [sflag:$0x1] =	stream.indirect.gather [hbm4b:s4+s19], $0x80, s13, s19, $0xb8;
	[tilespmem:$0x1DC00] =	vst v63  }
0x216: {  	s26 =	simm.s32 $0x1080  }
0x217: {  	[spmem:s1] =	stream.indirect.scatter.add.f32 [tilespmem:s22], [sflag:$0x3], $0x80, s26, s19, $0xb8;
	[tilespmem:$0x1DC00] =	vst v63  }
0x218: {  	_ =	swait.ge [sflag:s17], $0x4000  }
0x219: {  	[sflag:s17] =	ssyncset.done $0x0  }
.LBB2_5:
0x21a: {  	p1 =	sne.s32 s6, $0x3C00  }
0x21b: {  	[sflag:s17] =	ssyncadd.s32 $0xFFFFC000;
	s13 =	smov.u32 s6;
	s6 =	sadd.s32 $0x400, s6  }
0x21c: {  	s25 =	sand.u32 $0x3C00, s6  }
0x21d: {  	_ =	swait.ge [sflag:s21], $0x4000  }
0x21e: {  	s13 =	sshra.s32 s13, $0x2;
	[sflag:s21] =	ssyncset.done $0x0  }
0x21f: {  	s26 =	sadd.s32 $0x80, s13;
	[sflag:s21] =	ssyncadd.s32 $0xFFFFC000  }
0x220: {  	[tilespmem:s22], [sflag:$0x2] =	stream.indirect.gather [hbm4b:s4+s19], $0x80, s26, s19, $0xb8;
	[tilespmem:$0x1DC00] =	vst v63  }
0x221: {  	s26 =	sadd.s32 $0x1000, s13  }
0x222: {  	[spmem:s1] =	stream.indirect.scatter.add.f32 [tilespmem:s20], [sflag:$0x3], $0x80, s26, s19, $0xb8;
	[tilespmem:$0x1DC00] =	vst v63  }
0x223: {  	_ =	swait.ge [sflag:s17], $0x4000  }
0x224: {  	[sflag:s17] =	ssyncset.done $0x0  }
0x225: {  	[sflag:s17] =	ssyncadd.s32 $0xFFFFC000  }
0x226: {  	_ =	swait.ge [sflag:s23], $0x4000  }
0x227: {  	[sflag:s23] =	ssyncset.done $0x0  }
0x228: {  	s25 =	sshrl.u32 s25, $0x2;
	[sflag:s23] =	ssyncadd.s32 $0xFFFFC000  }
0x229: {  	[tilespmem:s20], [sflag:$0x1] =	stream.indirect.gather [hbm4b:s4+s19], $0x80, s25, s19, $0xb8;
	[tilespmem:$0x1DC00] =	vst v63  }
.Ltmp7:
0x22a: {  	_ = 	snop;
	(pc) =	sbr.rel @p1 .LBB2_5-.Ltmp7, $4  }
0x22b: {  	s13 =	sadd.s32 $0x1080, s13  }
0x22c: {  	[spmem:s1] =	stream.indirect.scatter.add.f32 [tilespmem:s22], [sflag:$0x3], $0x80, s13, s19, $0xb8;
	[tilespmem:$0x1DC00] =	vst v63  }
0x22d: {  	_ =	swait.ge [sflag:s17], $0x4000  }
0x22e: {  	[sflag:s17] =	ssyncset.done $0x0  }
0x22f: {  	[sflag:s17] =	ssyncadd.s32 $0xFFFFC000  }
.Ltmp8:
0x230: {  	_ =	swait.ge [sflag:s21], $0x4000;
	(pc) =	sbr.rel .LBB2_12-.Ltmp8, $4  }
0x231: {  	[sflag:s21] =	ssyncset.done $0x0  }
0x232: {  	[sflag:s21] =	ssyncadd.s32 $0xFFFFC000  }
0x233: {  	[bflag:$0x0] =	sbarrier.arrive $0xFFFF  }
0x234: {  	s6 =	rddreg [dreg:$0x5]  }
.LBB2_13:
0x235: {  	_ =	sfence.sel $0x180000  }
0x236: {  	[bflag:$0x0] =	sbarrier.arrive $0xFFFF  }
0x237: {  	_ =	strace $0x9000004A  }
0x238: {  	[bflag:$0x2] =	sbarrier.arrive $0xFFFF  }
0x239: {  	p0 =	sne.s32 s3, $0x0;
	s0 =	rddreg [dreg:$0x2]  }
0x23a: {  	s0 =	sadd.s32 @!p0 $0x100000, s0  }
0x23b: {  	[sflag:s0] =	ssyncadd.tile.s32 @!p0 $0x1;
	_ =	shalt  }
.Lfunc_end2:
_tile_overlayer_lowered:
.L_overlay_start_2:
0x23c: {  	(tag) =	ssettag $0x2  }
0x23d: {  	s0 =	rddreg [dreg:$0x0];
	s2 =	stileid.u32  }
0x23e: {  	s1 =	rddreg [dreg:$0x1];
	p0 =	sne.s32 s2, $0x0  }
0x23f: {  	s3 =	rddreg [dreg:$0x2];
	[bflag:$0x3] =	sbarrier.arrive $0xFFFF;
	s2 =	simm.s32 @!p0 $0x1C03  }
0x240: {  	[timem:s3], [sflag:s2] =	dma.local @!p0 [hbm:s0], s1  }
0x241: {  	s0 =	simm.s32 @!p0 $0x3  }
0x242: {  	_ =	swait.ge @!p0 [sflag:s0], s1  }
0x243: {  	s1 =	ssub.s32 @!p0 $0x0, s1;
	[sflag:s0] =	ssyncset.done @!p0 $0x0  }
0x244: {  	[sflag:s0] =	ssyncadd.s32 @!p0 s1  }
0x245: {  	[bflag:$0x3] =	sbarrier.arrive $0xFFFF  }
0x246: {  	_ =	shalt  }

// kernel: kernel.7.cloned.1.call-start
scs
__scs_entry_jumppad:
0x0: {  	(pc) =	sbr.rel $0x88, $3  }
0x1: {  	(tag) =	ssettag $0x0;
	lr =	simm.s32 $0x1  }
0x2: {  	[smem:$0x3F9D] =	sst lr;
	_ =	strace $0xD0000000  }
0x3: {  	_ = 	snop  }
0x4: {  	_ = 	snop  }
0x5: {  	_ = 	snop  }
0x6: {  	_ = 	snop  }
0x7: {  	_ = 	snop  }
__scs_overlays_trampoline_lowered:
0x8: {  	[smem:$0x3FAC] =	sst s0  }
0x9: {  	[smem:$0x3FAD] =	sst s1  }
0xa: {  	[smem:$0x3FAE] =	sst s2  }
0xb: {  	[smem:$0x3FAF] =	sst s3  }
0xc: {  	[smem:$0x3FB0] =	sst s4  }
0xd: {  	[smem:$0x3FB1] =	sst s5  }
0xe: {  	[smem:$0x3FB2] =	sst s6  }
0xf: {  	[smem:$0x3FB3] =	sst s7  }
0x10: {  	[smem:$0x3FB4] =	sst s8  }
0x11: {  	[smem:$0x3FB5] =	sst s9;
	s0 =	simm.s32 @!p0 $0x0  }
0x12: {  	s1 =	sld [smem:$0x3F9B];
	s0 =	simm.s32 @p0 $0x1  }
0x13: {  	[smem:$0x3FB6] =	sst s0;
	s0 =	simm.s32 @!p1 $0x0  }
0x14: {  	s2 =	sld [smem:$0x3F9A];
	s0 =	simm.s32 @p1 $0x1  }
0x15: {  	[smem:$0x3FB7] =	sst s0;
	s0 =	simm.s32 @!p2 $0x0  }
0x16: {  	s3 =	sld [smem:$0x3FDB];
	s0 =	simm.s32 @p2 $0x1  }
0x17: {  	s4 =	simm.s32 $0x1BF5;
	[smem:$0x3FB9] =	sst s0  }
0x18: {  	s0 =	sld [smem:$0x3F9C];
	_ =	swait.ge [sflag:s4], $0x0  }
0x19: {  	s7 =	sld [smem:$0x3F9D]  }
0x1a: {  	s8 =	sadd.s32 $0xFFFFE003, lr  }
0x1b: {  	s9 =	sadd.s32 $0xFFFFFEF7, lr;
	s5 =	simm.s32 $0xFFFFFFFF;
	p2 =	slt.u32 s8, $0xFFFFF086  }
0x1c: {  	p1 =	slt.u32 s9, $0xF7A;
	s5 =	simm.s32 @!p2 $0x0  }
0x1d: {  	s5 =	simm.s32 @p1 $0x1;
	p0 =	seq.s32 s7, s2  }
0x1e: {  	s7 =	smul.u32 @!p0 $0xF7A, s2;
	p2 =	seq.s32 @!p0 s5, $0x0  }
0x1f: {  	s9 =	smul.u32 $0xF7A, s1;
	s8 =	simm.s32 @!p0 $0x1BF5;
	p2 =	por !p2, p0  }
0x20: {  	[sflag:s8] =	ssyncset.s32 @!p0 $0xFFFFF086;
	s6 =	sadd.s32 @!p0 s3, s7;
	s7 =	simm.s32 @!p0 $0x108  }
0x21: {  	s3 =	sadd.s32 s3, s9;
	s6 =	sadd.s32 @!p0 $0x88, s6;
	s7 =	simm.s32 @p2 $0x1082  }
0x22: {  	[simem:s7], [sflag:s8] =	dma.local @!p0 [hbm:s6], $0xF7A  }
0x23: {  	s9 =	sor.u32 $0xD0000000, s2;
	s6 =	simm.s32 $0x108;
	_ =	swait.ge @!p0 [sflag:s8], $0x0  }
0x24: {  	s3 =	sadd.s32 $0x88, s3;
	s6 =	simm.s32 @!p1 $0x1082;
	[sflag:s4] =	ssyncset.s32 $0xFFFFF086  }
0x25: {  	[simem:s6], [sflag:s4] =	dma.local [hbm:s3], $0xF7A  }
0x26: {  	[smem:$0x3F9D] =	sst s1;
	(tag) =	ssettag s2;
	_ =	strace s9  }
0x27: {  	s1 =	sld [smem:$0x3FAD]  }
0x28: {  	s2 =	sld [smem:$0x3FAE]  }
0x29: {  	s4 =	sld [smem:$0x3FB0]  }
0x2a: {  	p0 =	seq.s32 s5, $0x0;
	s5 =	sld [smem:$0x3FB1]  }
0x2b: {  	s6 =	sld [smem:$0x3FB2]  }
0x2c: {  	s7 =	sld [smem:$0x3FB3]  }
0x2d: {  	s3 =	simm.s32 $0x108;
	s8 =	sld [smem:$0x3FB4]  }
0x2e: {  	s3 =	simm.s32 @!p0 $0x1082;
	s9 =	sld [smem:$0x3FB5]  }
0x2f: {  	lr =	sadd.s32 s0, s3;
	s0 =	sld [smem:$0x3FAC]  }
0x30: {  	s3 =	sld [smem:$0x3FAF]  }
0x31: {  	[smem:$0x3FB8] =	sst s10  }
0x32: {  	s10 =	sld [smem:$0x3FB6];
	_ =	sdelay $0x3  }
0x33: {  	p0 =	seq.s32 s10, $0x1;
	s10 =	sld [smem:$0x3FB8];
	_ =	sdelay $0x3  }
0x34: {  	[smem:$0x3FB8] =	sst s10  }
0x35: {  	s10 =	sld [smem:$0x3FB7];
	_ =	sdelay $0x3  }
0x36: {  	p1 =	seq.s32 s10, $0x1;
	s10 =	sld [smem:$0x3FB8];
	_ =	sdelay $0x3  }
0x37: {  	[smem:$0x3FB8] =	sst s10  }
0x38: {  	s10 =	sld [smem:$0x3FB9]  }
0x39: {  	_ = 	snop;
	(pc) =	sbr.ind lr, $3  }
0x3a: {  	_ = 	snop  }
0x3b: {  	_ = 	snop  }
0x3c: {  	p2 =	seq.s32 s10, $0x1;
	s10 =	sld [smem:$0x3FB8]  }
0x3d: {  	_ =	shalt  }
0x3e: {  	_ =	shalt  }
0x3f: {  	_ =	shalt  }
0x40: {  	_ =	shalt  }
0x41: {  	_ =	shalt  }
0x42: {  	_ =	shalt  }
0x43: {  	_ =	shalt  }
0x44: {  	_ =	shalt  }
0x45: {  	_ =	shalt  }
0x46: {  	_ =	shalt  }
0x47: {  	_ =	shalt  }
0x48: {  	_ =	shalt  }
0x49: {  	_ =	shalt  }
0x4a: {  	_ =	shalt  }
0x4b: {  	_ =	shalt  }
0x4c: {  	_ =	shalt  }
0x4d: {  	_ =	shalt  }
0x4e: {  	_ =	shalt  }
0x4f: {  	_ =	shalt  }
0x50: {  	_ =	shalt  }
0x51: {  	_ =	shalt  }
0x52: {  	_ =	shalt  }
0x53: {  	_ =	shalt  }
0x54: {  	_ =	shalt  }
0x55: {  	_ =	shalt  }
0x56: {  	_ =	shalt  }
0x57: {  	_ =	shalt  }
0x58: {  	_ =	shalt  }
0x59: {  	_ =	shalt  }
0x5a: {  	_ =	shalt  }
0x5b: {  	_ =	shalt  }
0x5c: {  	_ =	shalt  }
0x5d: {  	_ =	shalt  }
0x5e: {  	_ =	shalt  }
0x5f: {  	_ =	shalt  }
0x60: {  	_ =	shalt  }
0x61: {  	_ =	shalt  }
0x62: {  	_ =	shalt  }
0x63: {  	_ =	shalt  }
0x64: {  	_ =	shalt  }
0x65: {  	_ =	shalt  }
0x66: {  	_ =	shalt  }
0x67: {  	_ =	shalt  }
0x68: {  	_ =	shalt  }
0x69: {  	_ =	shalt  }
0x6a: {  	_ =	shalt  }
0x6b: {  	_ =	shalt  }
0x6c: {  	_ =	shalt  }
0x6d: {  	_ =	shalt  }
0x6e: {  	_ =	shalt  }
0x6f: {  	_ =	shalt  }
0x70: {  	_ =	shalt  }
0x71: {  	_ =	shalt  }
0x72: {  	_ =	shalt  }
0x73: {  	_ =	shalt  }
0x74: {  	_ =	shalt  }
0x75: {  	_ =	shalt  }
0x76: {  	_ =	shalt  }
0x77: {  	_ =	shalt  }
0x78: {  	_ =	shalt  }
0x79: {  	_ =	shalt  }
0x7a: {  	_ =	shalt  }
0x7b: {  	_ =	shalt  }
0x7c: {  	_ =	shalt  }
0x7d: {  	_ =	shalt  }
0x7e: {  	_ =	shalt  }
0x7f: {  	_ =	shalt  }
0x80: {  	_ =	shalt  }
0x81: {  	_ =	shalt  }
0x82: {  	_ =	shalt  }
0x83: {  	_ =	shalt  }
0x84: {  	_ =	shalt  }
0x85: {  	_ =	shalt  }
0x86: {  	_ =	shalt  }
0x87: {  	_ =	shalt  }
.Lfunc_end0:
.L_simem_size_0:
called_computation_lowered:
.L_overlay_start_0:
0x88: {  	s2 =	sld [smem:$0x3FD9]  }
0x89: {  	s3 =	sld [smem:$0x3FFE];
	_ =	sdelay $0x1  }
0x8a: {  	s1 =	srdreg.scid  }
0x8b: {  	s0 =	sand.u32 $0x1, s1  }
0x8c: {  	s17 =	sshll.u32 s0, $0xA;
	s2 =	sadd.s32 s3, s2  }
0x8d: {  	s2 =	sadd.s32 s2, s17  }
0x8e: {  	[smem:$0x3FC4] =	sst s2  }
0x8f: {  	_ = 	snop  }
0x90: {  	s2 =	sld [smem:$0x3FD0];
	(tm) =	ssettm $0x1  }
0x91: {  	s18 =	sld [smem:$0x3FFB];
	_ =	sdelay $0x3  }
0x92: {  	_ =	strace s18  }
0x93: {  	s3 =	sld [smem:$0x3FFC];
	_ =	sdelay $0x3  }
0x94: {  	_ =	strace s3  }
0x95: {  	s3 =	sld [smem:$0x3FFD];
	_ =	sdelay $0x3  }
0x96: {  	_ =	strace s3  }
0x97: {  	_ =	strace $0x8FFFFFFF  }
0x98: {  	s19 =	sld [smem:$0x3FDB];
	_ =	sdelay $0x1  }
0x99: {  	s4 =	simm.s32 $_scs_section_size  }
0x9a: {  	s5 =	simm.s32 $_size__tile_overlayer_lowered;
	s6 =	simm.s32 $_tile_overlayer_lowered  }
0x9b: {  	s22 =	simm.s32 $0x1BFF;
	s21 =	sshll.u32 s6, $0x1;
	s3 =	sadd.s32 s4, s19  }
0x9c: {  	s7 =	simm.s32 $0x0;
	s20 =	sshll.u32 s5, $0x1;
	s5 =	sadd.s32 s21, s3  }
0x9d: {  	[timem:s7], [sflag:s22] =	dma.local [hbm:s5], s20  }
0x9e: {  	_ =	swait.ge [sflag:s22], s20  }
0x9f: {  	s4 =	ssub.s32 $0x0, s20;
	[sflag:s22] =	ssyncset.done $0x0  }
0xa0: {  	[sflag:s22] =	ssyncadd.s32 s4;
	_ =	sdelay $0x1  }
0xa1: {  	s23 =	simm.s32 $0x1B8B  }
0xa2: {  	_ =	swait.ge [sflag:s23], $0x1  }
0xa3: {  	[sflag:s23] =	ssyncset.done $0x0  }
0xa4: {  	s25 =	simm.s32 $0x1B8E;
	s24 =	sld [smem:$0x3FFE];
	[sflag:s23] =	ssyncadd.s32 $0xFFFFFFFF  }
0xa5: {  	s26 =	simm.s32 $execute0_lowered;
	[smem:$0x3FD2] =	sst s25  }
0xa6: {  	s5 =	sshll.u32 s26, $0x1;
	_ =	strace $0x80000046;
	[dreg:$0x1] =	wrdreg $0xFFFFFFFF  }
0xa7: {  	s28 =	simm.s32 $_size_execute0_lowered;
	s3 =	sadd.s32 s3, s5;
	[dreg:$0x0] =	wrdreg $0x0  }
0xa8: {  	s5 =	sshll.u32 s28, $0x1;
	[dreg:$0x2] =	wrdreg s3  }
0xa9: {  	[dreg:$0x3] =	wrdreg s5  }
0xaa: {  	[dreg:$0x4] =	wrdreg $0xC0  }
0xab: {  	_ =	task [dreg:s7], $0x5FFFF  }
0xac: {  	[dreg:$0x1] =	wrdreg $0xFFFFFFFF  }
0xad: {  	[dreg:$0x0] =	wrdreg $0x60  }
0xae: {  	[dreg:$0x2] =	wrdreg s2  }
0xaf: {  	[dreg:$0x3] =	wrdreg s24  }
0xb0: {  	[dreg:$0x4] =	wrdreg $0x50000  }
0xb1: {  	[dreg:$0x5] =	wrdreg $0x9  }
0xb2: {  	_ =	task.clear_ibuf [dreg:s7], $0x6FFFF;
	_ =	strace $0x90000046  }
0xb3: {  	s29 =	simm.s32 $0x9;
	_ =	strace $0x80000048  }
0xb4: {  	_ =	swait.ge [sflag:s29], $0x1  }
0xb5: {  	[sflag:s29] =	ssyncadd.s32 $0xFFFFFFFF  }
0xb6: {  	_ =	strace $0x90000048  }
0xb7: {  	_ =	sfence  }
0xb8: {  	s30 =	sld [smem:$0x0];
	_ =	sdelay $0x2  }
0xb9: {  	s31 =	sshll.u32 s1, $0xD;
	s1 =	sshrl.u32 s1, $0x2  }
0xba: {  	s3 =	sand.u32 $0x4000, s31;
	s1 =	sadd.s32 s1, s30  }
0xbb: {  	s0 =	sor.u32 s3, s0;
	s1 =	sshll.u32 s1, $0x11  }
0xbc: {  	s0 =	sor.u32 s1, s0  }
0xbd: {  	s0 =	sadd.s32 $0x8F2B, s0  }
0xbe: {  	[sflag:s0] =	ssyncadd.remote.s32 $0x1  }
0xbf: {  	_ =	sfence.sel $0xFFFF  }
0xc0: {  	[dreg:$0x0] =	wrdreg $0xFFFFFFFF;
	(pc) =	sbr.abs _section_cstart, $3  }
0xc1: {  	[dreg:$0x1] =	wrdreg $0xFFFFFFFF  }
0xc2: {  	_ =	task.clear_ibuf [dreg:s7], $0x2FFFF;
	_ =	strace $0x9FFFFFFF  }
0xc3: {  	(tm) =	ssettm $0x7FFFFFFF  }
tec
execute0_lowered:
.L_overlay_start_1:
0x0: {  	(tag) =	ssettag $0x1  }
0x1: {  	s3 =	rddreg [dreg:$0x0]  }
0x2: {  	s5 =	rddreg [dreg:$0x1]  }
0x3: {  	s1 =	rddreg [dreg:$0x2]  }
0x4: {  	s4 =	srdreg.scid;
	s0 =	rddreg [dreg:$0x3]  }
0x5: {  	s2 =	simm.s32 $0x0;
	s10 =	stileid.u32;
	s12 =	simm.s32 $0x0  }
0x6: {  	s4 =	sand.u32 $0x1, s4;
	[smem:$0x7FF] =	sst s2;
	s8 =	sshll.u32 s10, $0x7  }
0x7: {  	s30 =	sshll.u32 s10, $0xA;
	p0 =	sne.s32 s10, $0x0;
	s31 =	sshll.u32 s10, $0x6  }
0x8: {  	s6 =	sshll.u32 s4, $0x4;
	_ =	strace $0x80000047;
	s7 =	ssub.s32 $0x2, s4  }
0x9: {  	s11 =	sadd.s32 s8, s5;
	p1 =	seq.s32 s4, $0x1;
	s6 =	sor.u32 s10, s6  }
0xa: {  	s9 =	sshrl.u32 s7, $0x1;
	s4 =	sadd.s32 $0x2600, s11;
	s6 =	smul.u32 $0x4E2, s6  }
.Ltmp0:
0xb: {  	s11 =	sadd.s32 $0x2B00, s5;
	s7 =	ssub.s32 s7, s9;
	(pc) =	sbr.rel .LBB2_1-.Ltmp0, $4  }
0xc: {  	s9 =	sadd.s32 s30, s1;
	s8 =	sadd.s32 @p1 s8, s11;
	s11 =	simm.s32 $0x4F80  }
0xd: {  	v0 =	vlaneseq.u32;
	s5 =	smax.u32 s7, $0x1;
	s7 =	simm.s32 $0x2780;
	s4 =	smov.u32 @p1 s8  }
0xe: {  	v1 =	vimm.f32 $0.0e+00;
	v6 =	vimm.f32 $1.000000000e+00;
	v2 =	vor.u32 $0x10, v0;
	s8 =	sor.u32 $0x1C01, s31;
	s9 =	sshrl.u32 s9, $0x3;
	p1 =	sgt.u32 s10, $0x9  }
0xf: {  	v3 =	vor.u32 $0x20, v0;
	v4 =	vor.u32 $0x30, v0;
	v5 =	vor.u32 $0x40, v0;
	s10 =	simm.s32 $0x50;
	s3 =	sadd.s32 s3, s6;
	s6 =	simm.s32 $0x1  }
.LBB2_6:
0x10: {  	[spmem:s1] =	stream.linear.scatter [tilespmem:s7], [sflag:$0x1], $0x2800, $0x38;
	[tilespmem:$0x5280] =	vst v63  }
0x11: {  	_ =	swait.ge [sflag:s6], $0x2800  }
0x12: {  	[sflag:s6] =	ssyncset.done $0x0  }
0x13: {  	[sflag:s6] =	ssyncadd.s32 $0xFFFFD800  }
0x14: {  	[bflag:$0x0] =	sbarrier.arrive $0xFFFF  }
0x15: {  	[bflag:$0x0] =	sbarrier.arrive $0xFFFF  }
.LBB2_8:
0x16: {  	[hbm:s4], [sflag:s8] =	dma.local [spmem:s9], $0x80  }
0x17: {  	_ =	swait.ge [sflag:s6], $0x80  }
0x18: {  	[sflag:s6] =	ssyncset.done $0x0  }
0x19: {  	[sflag:s6] =	ssyncadd.s32 $0xFFFFFF80  }
.LBB2_9:
0x1a: {  	s12 =	sadd.s32 $0x1, s12  }
0x1b: {  	p2 =	sne.s32 s12, s5  }
.Ltmp1:
0x1c: {  	_ = 	snop;
	(pc) =	sbr.rel @!p2 .LBB2_10-.Ltmp1, $1  }
0x1d: {  	_ =	sdelay $0x3  }
.LBB2_1:
0x1e: {  	[tilespmem:s2], [sflag:$0x1] =	stream.linear.gather [hbm4b:s3+s2], $0x2710, $0x38;
	[tilespmem:$0x5280] =	vst v63  }
0x1f: {  	_ =	swait.ge [sflag:s6], $0x2710  }
0x20: {  	[sflag:s6] =	ssyncset.done $0x0  }
0x21: {  	s13 =	simm.s32 $0x0;
	s14 =	simm.s32 $0x200;
	[sflag:s6] =	ssyncadd.s32 $0xFFFFD8F0  }
.LBB2_2:
0x22: {  	p2 =	sne.s32 s14, $0x9E00;
	[tilespmem:s13+$0x27F0] =	vst v1  }
0x23: {  	[tilespmem:s13+$0x2780] =	vst v1  }
0x24: {  	[tilespmem:s13+$0x2790] =	vst v1  }
.Ltmp2:
0x25: {  	[tilespmem:s13+$0x27A0] =	vst v1;
	(pc) =	sbr.rel @p2 .LBB2_2-.Ltmp2, $4  }
0x26: {  	[tilespmem:s13+$0x27B0] =	vst v1  }
0x27: {  	[tilespmem:s13+$0x27C0] =	vst v1  }
0x28: {  	[tilespmem:s13+$0x27D0] =	vst v1  }
0x29: {  	[tilespmem:s13+$0x27E0] =	vst v1;
	s13 =	sshra.s32 s14, $0x2;
	s14 =	sadd.s32 $0x200, s14  }
0x2a: {  	[tilespmem:s13+$0x27F0] =	vst v1  }
0x2b: {  	[tilespmem:s13+$0x2780] =	vst v1  }
0x2c: {  	[tilespmem:s13+$0x2790] =	vst v1  }
0x2d: {  	[tilespmem:s13+$0x27A0] =	vst v1  }
0x2e: {  	[tilespmem:s13+$0x27B0] =	vst v1  }
0x2f: {  	[tilespmem:s13+$0x27C0] =	vst v1  }
0x30: {  	[tilespmem:s13+$0x27D0] =	vst v1  }
0x31: {  	[tilespmem:s13+$0x27E0] =	vst v1  }
0x32: {  	[tilespmem:$0x4F80] =	vst v0  }
0x33: {  	[tilespmem:$0x4F90] =	vst v2  }
0x34: {  	[tilespmem:$0x4FA0] =	vst v3  }
0x35: {  	[tilespmem:$0x4FB0] =	vst v4  }
0x36: {  	s14 =	simm.s32 $0x0;
	s13 =	simm.s32 $0x40;
	[tilespmem:$0x4FC0] =	vst v5  }
.LBB2_4:
0x37: {  	p2 =	sne.s32 s13, $0x9C00;
	v7 =	vld [tilespmem:s14+$0x0];
	_ =	sdelay $0x3  }
.Ltmp3:
0x38: {  	(pc) =	sbr.rel @p2 .LBB2_4-.Ltmp3, $2  }
0x39: {  	_ =	sdelay $0x2  }
0x3a: {  	s14 =	sshra.s32 s13, $0x2;
	s13 =	sadd.s32 $0x40, s13;
	[tilespmem:v7+s7+$0x0] =	vst.idx.add.f32.msk $0xffff, v6  }
0x3b: {  	v7 =	vld [tilespmem:s14+$0x0];
	_ =	sdelay $0x3  }
.Ltmp4:
0x3c: {  	_ = 	snop;
	(pc) =	sbr.rel @!p0 .LBB2_6-.Ltmp4, $2  }
0x3d: {  	_ =	sdelay $0x2  }
0x3e: {  	[tilespmem:v7+s7+$0x0] =	vst.idx.add.f32.msk $0xffff, v6  }
0x3f: {  	[bflag:$0x0] =	sbarrier.arrive $0xFFFF  }
0x40: {  	[spmem:s1] =	stream.indirect.scatter.add.f32 [tilespmem:s7], [sflag:$0x1], $0x80, s11, s10, $0xb8;
	[tilespmem:$0x5280] =	vst v63  }
.Ltmp5:
0x41: {  	_ =	swait.ge [sflag:s6], $0x2800;
	(pc) =	sbr.rel @p1 .LBB2_9-.Ltmp5, $4  }
.Ltmp6:
0x42: {  	[sflag:s6] =	ssyncset.done $0x0;
	(pc) =	sbr.rel @!p1 .LBB2_8-.Ltmp6, $4  }
0x43: {  	[sflag:s6] =	ssyncadd.s32 $0xFFFFD800  }
0x44: {  	[bflag:$0x0] =	sbarrier.arrive $0xFFFF  }
0x45: {  	_ = 	snop  }
0x46: {  	_ = 	snop  }
.LBB2_10:
0x47: {  	_ =	sfence.sel $0x180000  }
0x48: {  	[bflag:$0x0] =	sbarrier.arrive $0xFFFF  }
0x49: {  	_ =	strace $0x90000047  }
0x4a: {  	s0 =	sadd.s32 @!p0 $0x100000, s0;
	[bflag:$0x2] =	sbarrier.arrive $0xFFFF  }
0x4b: {  	[sflag:s0] =	ssyncadd.tile.s32 @!p0 $0x1;
	_ =	shalt  }
.Lfunc_end2:
_tile_overlayer_lowered:
.L_overlay_start_2:
0x4c: {  	(tag) =	ssettag $0x2  }
0x4d: {  	s0 =	rddreg [dreg:$0x0];
	s2 =	stileid.u32  }
0x4e: {  	s1 =	rddreg [dreg:$0x1];
	p0 =	sne.s32 s2, $0x0  }
0x4f: {  	s3 =	rddreg [dreg:$0x2];
	[bflag:$0x3] =	sbarrier.arrive $0xFFFF;
	s2 =	simm.s32 @!p0 $0x1C01  }
0x50: {  	[timem:s3], [sflag:s2] =	dma.local @!p0 [hbm:s0], s1  }
0x51: {  	s0 =	simm.s32 @!p0 $0x1  }
0x52: {  	_ =	swait.ge @!p0 [sflag:s0], s1  }
0x53: {  	s1 =	ssub.s32 @!p0 $0x0, s1;
	[sflag:s0] =	ssyncset.done @!p0 $0x0  }
0x54: {  	[sflag:s0] =	ssyncadd.s32 @!p0 s1  }
0x55: {  	[bflag:$0x3] =	sbarrier.arrive $0xFFFF  }
0x56: {  	_ =	shalt  }

</sc_bundles>
